<compile_context>
chip_gen: v7x
topology: tpu7x:2x2x1
jax: 0.10.2.dev20260603
libtpu: 0.0.44.dev20260713+nightly
codegen_flags: <defaults>
</compile_context>

<pallas_src>
import functools

import jax
import jax.numpy as jnp
from jax import lax
from jax.experimental import pallas as pl
from jax.experimental.pallas import tpu as pltpu
from jax.experimental.pallas import tpu_sc as plsc

_N, _D = 8192, 2048
_NC, _NS, _L = 2, 16, 16
_NW = _NC * _NS
_K = 8
_NB = 3
_UNROLL = 8
_VPR = _D // _L

_S = 4096
_TCBLK = 512


def _make_sc_body(split):
    rpw = (_N - split) // _NW
    nvr = rpw // _L

    def _sc_body(x_hbm, t_hbm, q_hbm, out_hbm,
                 q_v, idx_v, qs_v, xb0, tb0, xb1, tb1, xb2, tb2, accb,
                 sx0, st0, sx1, st1, sx2, st2):
        wid = lax.axis_index("s") * _NC + lax.axis_index("c")
        base = split + wid * rpw
        pltpu.sync_copy(q_hbm.at[pl.ds(base, rpw)], q_v)

        def _pad(j, _):
            sl = pl.ds(j * _L, _L)
            idx_v[sl] = jnp.full((_L,), base, jnp.int32)
            qs_v[sl] = jnp.zeros((_L,), jnp.int32)
            return 0

        lax.fori_loop(0, nvr + 1, _pad, 0)

        def _compact(j, cnt):
            qv = q_v[pl.ds(j * _L, _L)]
            m = qv != 0
            mi = jnp.where(m, 1, 0)
            pos = jnp.maximum(cnt + plsc.cumsum(mi) - 1, 0)
            rows = lax.iota(jnp.int32, _L) + (base + j * _L)
            plsc.store_scatter(idx_v, [pos], rows, mask=m)
            plsc.store_scatter(qs_v, [pos], qv, mask=m)
            return cnt + jnp.sum(mi)

        cnt = lax.fori_loop(0, nvr, _compact, jnp.int32(0))

        nch = (cnt + _K - 1) // _K
        ngrp = (nch + _NB - 1) // _NB

        bufs = ((xb0, tb0, sx0, st0), (xb1, tb1, sx1, st1), (xb2, tb2, sx2, st2))

        def issue(c, b):
            off = pl.multiple_of(c * _K, _K)
            idxs = idx_v.at[pl.ds(off, _K)]
            xb, tb, sx, st = bufs[b]
            pltpu.async_copy(x_hbm.at[idxs], xb, sx)
            pltpu.async_copy(t_hbm.at[idxs], tb, st)

        def wait(b):
            xb, tb, sx, st = bufs[b]
            dummy = idx_v.at[pl.ds(0, _K)]
            pltpu.make_async_copy(x_hbm.at[dummy], xb, sx).wait()
            pltpu.make_async_copy(t_hbm.at[dummy], tb, st).wait()

        def compute(c, b, acc):
            off = pl.multiple_of(c * _K, _K)
            xb, tb, _, _ = bufs[b]

            def row(k, a0):
                qb = plsc.load_gather(qs_v, [jnp.full((_L,), off + k, jnp.int32)])
                m1 = qb == 1
                g2 = jnp.where(qb == 2, 1.0, 0.0)

                def inner(v, a):
                    for u in range(_UNROLL):
                        sl = pl.ds((v * _UNROLL + u) * _L, _L)
                        x = xb[k, sl]
                        t = tb[k, sl]
                        d = x - t
                        w = jnp.where(m1, t, g2)
                        g = w * d
                        a = a + g * g
                    return a

                return lax.fori_loop(0, _VPR // _UNROLL, inner, a0)

            return lax.fori_loop(0, _K, row, acc)

        @pl.when(nch < _NB)
        def _zero_bufs():
            zk = jnp.zeros((_L,), jnp.float32)
            for xb, tb, _, _ in bufs:
                def _z(w, _, _xb=xb, _tb=tb):
                    k = w // _VPR
                    sl = pl.ds((w % _VPR) * _L, _L)
                    _xb[k, sl] = zk
                    _tb[k, sl] = zk
                    return 0

                lax.fori_loop(0, _K * _VPR, _z, 0)

        for b in range(_NB):
            @pl.when(b < nch)
            def _prime(b=b):
                issue(b, b)

        def group(i, acc):
            c0 = i * _NB
            for b in range(_NB):
                c = c0 + b

                @pl.when(c < nch)
                def _w(b=b):
                    wait(b)

                acc = compute(c, b, acc)

                @pl.when(c + _NB < nch)
                def _i(c=c, b=b):
                    issue(c + _NB, b)
            return acc

        acc = lax.fori_loop(0, ngrp, group, jnp.zeros((_L,), jnp.float32))

        accb[...] = acc
        pltpu.sync_copy(accb, out_hbm.at[wid])

    return _sc_body, rpw


def _sc_partials(input, target, q, split):
    body, rpw = _make_sc_body(split)
    ipad = rpw + _L
    mesh = plsc.VectorSubcoreMesh(core_axis_name="c", subcore_axis_name="s")
    f = functools.partial(
        pl.kernel,
        mesh=mesh,
        compiler_params=pltpu.CompilerParams(needs_layout_passes=False),
        out_type=jax.ShapeDtypeStruct((_NW, _L), jnp.float32),
        scratch_types=[
            pltpu.VMEM((rpw,), jnp.int32),
            pltpu.VMEM((ipad,), jnp.int32),
            pltpu.VMEM((ipad,), jnp.int32),
            pltpu.VMEM((_K, _D), jnp.float32),
            pltpu.VMEM((_K, _D), jnp.float32),
            pltpu.VMEM((_K, _D), jnp.float32),
            pltpu.VMEM((_K, _D), jnp.float32),
            pltpu.VMEM((_K, _D), jnp.float32),
            pltpu.VMEM((_K, _D), jnp.float32),
            pltpu.VMEM((_L,), jnp.float32),
            pltpu.SemaphoreType.DMA,
            pltpu.SemaphoreType.DMA,
            pltpu.SemaphoreType.DMA,
            pltpu.SemaphoreType.DMA,
            pltpu.SemaphoreType.DMA,
            pltpu.SemaphoreType.DMA,
        ],
    )(body)
    return f(input, target, q)


def _tc_body(q_ref, x_ref, t_ref, out_ref):
    i = pl.program_id(0)

    @pl.when(i == 0)
    def _init():
        out_ref[...] = jnp.zeros_like(out_ref)

    x = x_ref[...]
    t = t_ref[...]
    qb = q_ref[...]
    d = x - t
    w = jnp.where(qb == 1, t, jnp.where(qb == 2, 1.0, 0.0).astype(jnp.float32))
    g = w * d
    out_ref[...] += jnp.sum(g * g).reshape(1, 1)


def _tc_sum(input, target, q, split):
    q2 = q[:split, None]
    return pl.pallas_call(
        _tc_body,
        grid=(split // _TCBLK,),
        in_specs=[
            pl.BlockSpec((_TCBLK, 1), lambda i: (i, 0)),
            pl.BlockSpec((_TCBLK, _D), lambda i: (i, 0)),
            pl.BlockSpec((_TCBLK, _D), lambda i: (i, 0)),
        ],
        out_specs=pl.BlockSpec((1, 1), lambda i: (0, 0)),
        out_shape=jax.ShapeDtypeStruct((1, 1), jnp.float32),
    )(q2, input, target)


def kernel(input, target, q):
    sc = _sc_partials(input, target, q, _S)
    tc = _tc_sum(input, target, q, _S)
    return (tc[0, 0] + jnp.sum(sc)) / (_N * _D)

# --- scband reference (transcript-rebuilt; emitter-appended) ---
"""Pipeline reference for scband-mseloss-cov-19516331393545 (READ-ONLY COPY).

The authoritative reference and input builder live on the scoring server;
editing this copy changes nothing except your own understanding.
"""

import jax, jax.numpy as jnp
import numpy as np


def setup_inputs(seed: int = 0) -> dict:
    key = jax.random.key(seed)
    k1, k2, k3 = jax.random.split(key, 3)
    N, D = 8192, 2048
    inp = jax.random.normal(k1, (N, D), dtype=jnp.float32)
    tgt = jax.random.normal(k2, (N, D), dtype=jnp.float32)
    # q labels: 0 (neither), 1 (quantile-weighted rows), 2 (plain residual rows)
    q = jax.random.randint(k3, (N,), 0, 3, dtype=jnp.int32)
    return {"input": inp, "target": tgt, "q": q}


def reference(input, target, q):
    # Faithful translation of MSELossCov.forward:
    #   gap = zeros_like(target.y)
    #   gap[rows where q==1] = target * (input - target)
    #   gap[rows where q==2] = input - target
    #   return abs(gap)**2 .mean()
    # (self.max_gap bookkeeping is a non-differentiable side effect on the
    #  loss value and does not affect the returned tensor, so it is omitted.)
    qe = q[:, None]
    gap = jnp.zeros_like(target)
    gap = jnp.where(qe == 1, target * (input - target), gap)
    gap = jnp.where(qe == 2, input - target, gap)
    return jnp.mean(jnp.abs(gap) ** 2.0)

if __name__ == "__main__":
    import jax
    _d = setup_inputs()
    print(jax.jit(kernel)(*tuple(_d.values())))

</pallas_src>

<mosaic_0001>
#map = affine_map<(d0, d1) -> (0, 0)>
#map1 = affine_map<(d0, d1) -> (0)>
module attributes {stable_mosaic.version = 14 : i64} {
  func.func @_sc_body(%arg0: i32, %arg1: i32, %arg2: memref<8192x2048xf32, #tpu.memory_space<hbm>>, %arg3: memref<8192x2048xf32, #tpu.memory_space<hbm>>, %arg4: memref<8192xi32, #tpu.memory_space<hbm>>, %arg5: memref<32x16xf32, #tpu.memory_space<hbm>>, %arg6: memref<128xi32, #tpu.memory_space<vmem>>, %arg7: memref<144xi32, #tpu.memory_space<vmem>>, %arg8: memref<144xi32, #tpu.memory_space<vmem>>, %arg9: memref<8x2048xf32, #tpu.memory_space<vmem>>, %arg10: memref<8x2048xf32, #tpu.memory_space<vmem>>, %arg11: memref<8x2048xf32, #tpu.memory_space<vmem>>, %arg12: memref<8x2048xf32, #tpu.memory_space<vmem>>, %arg13: memref<8x2048xf32, #tpu.memory_space<vmem>>, %arg14: memref<8x2048xf32, #tpu.memory_space<vmem>>, %arg15: memref<16xf32, #tpu.memory_space<vmem>>, %arg16: memref<!tpu.dma_semaphore, #tpu.memory_space<semaphore_mem>>, %arg17: memref<!tpu.dma_semaphore, #tpu.memory_space<semaphore_mem>>, %arg18: memref<!tpu.dma_semaphore, #tpu.memory_space<semaphore_mem>>, %arg19: memref<!tpu.dma_semaphore, #tpu.memory_space<semaphore_mem>>, %arg20: memref<!tpu.dma_semaphore, #tpu.memory_space<semaphore_mem>>, %arg21: memref<!tpu.dma_semaphore, #tpu.memory_space<semaphore_mem>>) attributes {dimension_semantics = [#tpu.dimension_semantics<core_parallel>, #tpu.dimension_semantics<subcore_parallel>], iteration_bounds = array<i64: 2, 16>, scalar_prefetch = 0 : i64, scratch_operands = 16 : i64, tpu.core_type = #tpu.core_type<sc_vector_subcore>, window_params = [{transform_indices = #map}, {transform_indices = #map}, {transform_indices = #map1}, {transform_indices = #map}]} {
    %mul3A = arith.constant 2 : i32
    %mul3A_0 = arith.muli %arg1, %mul3A : i32
    %add3A = arith.addi %mul3A_0, %arg0 : i32
    %mul3A_1 = arith.constant 128 : i32
    %mul3A_2 = arith.muli %add3A, %mul3A_1 : i32
    %add3A_3 = arith.constant 4096 : i32
    %add3A_4 = arith.addi %add3A_3, %mul3A_2 : i32
    "tpu.region"() ({
      %run_scoped3A = tpu.sem_alloc : memref<!tpu.dma_semaphore, #tpu.memory_space<semaphore_mem>>
      %dma_start3A = tpu.memref_slice %arg4[%add3A_4] : memref<8192xi32, #tpu.memory_space<hbm>> -> memref<128xi32, #tpu.memory_space<hbm>>
      %dma_start3A_94 = tpu.memref_slice %arg4[%add3A_4] : memref<8192xi32, #tpu.memory_space<hbm>> -> memref<128xi32, #tpu.memory_space<hbm>>
      tpu.enqueue_dma source(%dma_start3A_94 : memref<128xi32, #tpu.memory_space<hbm>>) target(%arg6 : memref<128xi32, #tpu.memory_space<vmem>>) target_semaphore(%run_scoped3A : memref<!tpu.dma_semaphore, #tpu.memory_space<semaphore_mem>>)
      %dma_wait3A = tpu.memref_slice %arg4[%add3A_4] : memref<8192xi32, #tpu.memory_space<hbm>> -> memref<128xi32, #tpu.memory_space<hbm>>
      %dma_wait3A_95 = tpu.memref_slice %arg4[%add3A_4] : memref<8192xi32, #tpu.memory_space<hbm>> -> memref<128xi32, #tpu.memory_space<hbm>>
      tpu.wait_dma2 semaphore(%run_scoped3A : memref<!tpu.dma_semaphore, #tpu.memory_space<semaphore_mem>>) src(%dma_wait3A_95 : memref<128xi32, #tpu.memory_space<hbm>>) dst(%arg6 : memref<128xi32, #tpu.memory_space<vmem>>)
      tpu.yield
    }) : () -> ()
    %scan3A = arith.constant 0 : i32
    %scan3A_5 = arith.constant 0 : i32
    %scan3A_6 = arith.constant 9 : i32
    %scan3A_7 = arith.addi %scan3A_5, %scan3A_6 : i32
    %scan3A_8 = arith.constant 1 : i32
    %scan3A_9 = scf.for %scan3A_94 = %scan3A_5 to %scan3A_7 step %scan3A_8 iter_args(%scan3A_95 = %scan3A) -> (i32)  : i32 {
      %mul3A_96 = arith.constant 16 : i32
      %mul3A_97 = arith.muli %scan3A_94, %mul3A_96 : i32
      %broadcast_in_dim3A_98 = vector.broadcast %add3A_4 : i32 to vector<16xi32>
      %swap3A_99 = arith.index_cast %mul3A_97 : i32 to index
      %swap3A_100 = tpu.vector_load %arg7[%swap3A_99] {strides = array<i32>} : memref<144xi32, #tpu.memory_space<vmem>>, vector<16xi32>,
      tpu.vector_store %arg7[%swap3A_99], %broadcast_in_dim3A_98 {strides = array<i32>} : memref<144xi32, #tpu.memory_space<vmem>>, vector<16xi32>,
      %broadcast_in_dim3A_101 = arith.constant 0 : i32
      %broadcast_in_dim3A_102 = vector.broadcast %broadcast_in_dim3A_101 : i32 to vector<16xi32>
      %swap3A_103 = arith.index_cast %mul3A_97 : i32 to index
      %swap3A_104 = tpu.vector_load %arg8[%swap3A_103] {strides = array<i32>} : memref<144xi32, #tpu.memory_space<vmem>>, vector<16xi32>,
      tpu.vector_store %arg8[%swap3A_103], %broadcast_in_dim3A_102 {strides = array<i32>} : memref<144xi32, #tpu.memory_space<vmem>>, vector<16xi32>,
      %scan3A_105 = arith.constant 0 : i32
      scf.yield %scan3A_105 : i32
    }
    %scan3A_10 = arith.constant 9 : i32
    %scan3A_11 = arith.constant 0 : i32
    %scan3A_12 = arith.constant 0 : i32
    %scan3A_13 = arith.constant 8 : i32
    %scan3A_14 = arith.addi %scan3A_12, %scan3A_13 : i32
    %scan3A_15 = arith.constant 1 : i32
    %scan3A_16 = scf.for %scan3A_94 = %scan3A_12 to %scan3A_14 step %scan3A_15 iter_args(%scan3A_95 = %scan3A_11) -> (i32)  : i32 {
      %mul3A_96 = arith.constant 16 : i32
      %mul3A_97 = arith.muli %scan3A_94, %mul3A_96 : i32
      %get3A = arith.index_cast %mul3A_97 : i32 to index
      %get3A_98 = tpu.vector_load %arg6[%get3A] {strides = array<i32>} : memref<128xi32, #tpu.memory_space<vmem>>, vector<16xi32>,
      %ne3A_99 = arith.constant 0 : i32
      %ne3A_100 = vector.broadcast %ne3A_99 : i32 to vector<16xi32>
      %ne3A_101 = arith.cmpi ne, %get3A_98, %ne3A_100 : vector<16xi32>
      %jit3A_102 = arith.constant 1 : i32
      %jit3A_103 = arith.constant 0 : i32
      %broadcast_in_dim3A_104 = vector.broadcast %jit3A_102 : i32 to vector<16xi32>
      %broadcast_in_dim3A_105 = vector.broadcast %jit3A_103 : i32 to vector<16xi32>
      %select_n3A_106 = arith.select %ne3A_101, %broadcast_in_dim3A_104, %broadcast_in_dim3A_105 : vector<16xi1>, vector<16xi32>
      %broadcast_in_dim3A_107 = arith.constant true
      %broadcast_in_dim3A_108 = vector.broadcast %broadcast_in_dim3A_107 : i1 to vector<16xi1>
      %masked_cumsum3A = tpu.scan <sum>, %select_n3A_106 masked %broadcast_in_dim3A_108 : vector<16xi32>, vector<16xi1> -> vector<16xi32>
      %add3A_109 = vector.broadcast %scan3A_95 : i32 to vector<16xi32>
      %add3A_110 = arith.addi %add3A_109, %masked_cumsum3A : vector<16xi32>
      %sub3A_111 = arith.constant 1 : i32
      %sub3A_112 = vector.broadcast %sub3A_111 : i32 to vector<16xi32>
      %sub3A_113 = arith.subi %add3A_110, %sub3A_112 : vector<16xi32>
      %max3A = arith.constant 0 : i32
      %max3A_114 = vector.broadcast %max3A : i32 to vector<16xi32>
      %max3A_115 = arith.maxsi %sub3A_113, %max3A_114 : vector<16xi32>
      %iota3A = tpu.iota {dimensions = array<i32: 0>} : vector<16xi32>
      %mul3A_116 = arith.constant 16 : i32
      %mul3A_117 = arith.muli %scan3A_94, %mul3A_116 : i32
      %add3A_118 = arith.addi %add3A_4, %mul3A_117 : i32
      %add3A_119 = vector.broadcast %add3A_118 : i32 to vector<16xi32>
      %add3A_120 = arith.addi %iota3A, %add3A_119 : vector<16xi32>
      tpu.vector_store_idx %arg7[%max3A_115], %add3A_120 masked %ne3A_101 : memref<144xi32, #tpu.memory_space<vmem>>[vector<16xi32>], vector<16xi32>, vector<16xi1>
      tpu.vector_store_idx %arg8[%max3A_115], %get3A_98 masked %ne3A_101 : memref<144xi32, #tpu.memory_space<vmem>>[vector<16xi32>], vector<16xi32>, vector<16xi1>
      %reduce_sum3A = arith.constant true
      %reduce_sum3A_121 = vector.broadcast %reduce_sum3A : i1 to vector<16xi1>
      %reduce_sum3A_122 = tpu.scan <sum>, %select_n3A_106 masked %reduce_sum3A_121 : vector<16xi32>, vector<16xi1> -> vector<16xi32>
      %reduce_sum3A_123 = vector.extract %reduce_sum3A_122[15] : i32 from vector<16xi32>
      %add3A_124 = arith.addi %scan3A_95, %reduce_sum3A_123 : i32
      scf.yield %add3A_124 : i32
    }
    %scan3A_17 = arith.constant 8 : i32
    %add3A_18 = arith.constant 8 : i32
    %add3A_19 = arith.addi %scan3A_16, %add3A_18 : i32
    %sub3A = arith.constant 1 : i32
    %sub3A_20 = arith.subi %add3A_19, %sub3A : i32
    %jit3A = arith.constant 8 : i32
    %div3A = arith.divsi %sub3A_20, %jit3A : i32
    %sign3A = arith.constant 0 : i32
    %sign3A_21 = arith.cmpi sgt, %sub3A_20, %sign3A : i32
    %sign3A_22 = arith.extui %sign3A_21 : i1 to i32
    %sign3A_23 = arith.constant 0 : i32
    %sign3A_24 = arith.cmpi slt, %sub3A_20, %sign3A_23 : i32
    %sign3A_25 = arith.extui %sign3A_24 : i1 to i32
    %sign3A_26 = arith.subi %sign3A_22, %sign3A_25 : i32
    %sign3A_27 = arith.constant 0 : i32
    %sign3A_28 = arith.cmpi sgt, %jit3A, %sign3A_27 : i32
    %sign3A_29 = arith.extui %sign3A_28 : i1 to i32
    %sign3A_30 = arith.constant 0 : i32
    %sign3A_31 = arith.cmpi slt, %jit3A, %sign3A_30 : i32
    %sign3A_32 = arith.extui %sign3A_31 : i1 to i32
    %sign3A_33 = arith.subi %sign3A_29, %sign3A_32 : i32
    %ne3A = arith.cmpi ne, %sign3A_26, %sign3A_33 : i32
    %rem3A = arith.remsi %sub3A_20, %jit3A : i32
    %ne3A_34 = arith.constant 0 : i32
    %ne3A_35 = arith.cmpi ne, %rem3A, %ne3A_34 : i32
    %and3A = arith.andi %ne3A, %ne3A_35 : i1
    %sub3A_36 = arith.constant 1 : i32
    %sub3A_37 = arith.subi %div3A, %sub3A_36 : i32
    %select_n3A = arith.select %and3A, %sub3A_37, %div3A : i32
    %add3A_38 = arith.constant 3 : i32
    %add3A_39 = arith.addi %select_n3A, %add3A_38 : i32
    %sub3A_40 = arith.constant 1 : i32
    %sub3A_41 = arith.subi %add3A_39, %sub3A_40 : i32
    %jit3A_42 = arith.constant 3 : i32
    %div3A_43 = arith.divsi %sub3A_41, %jit3A_42 : i32
    %sign3A_44 = arith.constant 0 : i32
    %sign3A_45 = arith.cmpi sgt, %sub3A_41, %sign3A_44 : i32
    %sign3A_46 = arith.extui %sign3A_45 : i1 to i32
    %sign3A_47 = arith.constant 0 : i32
    %sign3A_48 = arith.cmpi slt, %sub3A_41, %sign3A_47 : i32
    %sign3A_49 = arith.extui %sign3A_48 : i1 to i32
    %sign3A_50 = arith.subi %sign3A_46, %sign3A_49 : i32
    %sign3A_51 = arith.constant 0 : i32
    %sign3A_52 = arith.cmpi sgt, %jit3A_42, %sign3A_51 : i32
    %sign3A_53 = arith.extui %sign3A_52 : i1 to i32
    %sign3A_54 = arith.constant 0 : i32
    %sign3A_55 = arith.cmpi slt, %jit3A_42, %sign3A_54 : i32
    %sign3A_56 = arith.extui %sign3A_55 : i1 to i32
    %sign3A_57 = arith.subi %sign3A_53, %sign3A_56 : i32
    %ne3A_58 = arith.cmpi ne, %sign3A_50, %sign3A_57 : i32
    %rem3A_59 = arith.remsi %sub3A_41, %jit3A_42 : i32
    %ne3A_60 = arith.constant 0 : i32
    %ne3A_61 = arith.cmpi ne, %rem3A_59, %ne3A_60 : i32
    %and3A_62 = arith.andi %ne3A_58, %ne3A_61 : i1
    %sub3A_63 = arith.constant 1 : i32
    %sub3A_64 = arith.subi %div3A_43, %sub3A_63 : i32
    %select_n3A_65 = arith.select %and3A_62, %sub3A_64, %div3A_43 : i32
    %lt3A = arith.constant 3 : i32
    %lt3A_66 = arith.cmpi slt, %select_n3A, %lt3A : i32
    %convert_element_type3A = arith.extui %lt3A_66 : i1 to i32
    %cond3A = arith.constant 0 : i32
    %cond3A_67 = arith.cmpi ne, %convert_element_type3A, %cond3A : i32
    scf.if %cond3A_67 {
      %broadcast_in_dim3A_94 = arith.constant 0.000000e+00 : f32
      %broadcast_in_dim3A_95 = vector.broadcast %broadcast_in_dim3A_94 : f32 to vector<16xf32>
      %scan3A_96 = arith.constant 0 : i32
      %scan3A_97 = arith.constant 0 : i32
      %scan3A_98 = arith.constant 1024 : i32
      %scan3A_99 = arith.addi %scan3A_97, %scan3A_98 : i32
      %scan3A_100 = arith.constant 1 : i32
      %scan3A_101 = scf.for %scan3A_117 = %scan3A_97 to %scan3A_99 step %scan3A_100 iter_args(%scan3A_118 = %scan3A_96) -> (i32)  : i32 {
        %jit3A_119 = arith.constant 128 : i32
        %div3A_120 = arith.divsi %scan3A_117, %jit3A_119 : i32
        %sign3A_121 = arith.constant 0 : i32
        %sign3A_122 = arith.cmpi sgt, %scan3A_117, %sign3A_121 : i32
        %sign3A_123 = arith.extui %sign3A_122 : i1 to i32
        %sign3A_124 = arith.constant 0 : i32
        %sign3A_125 = arith.cmpi slt, %scan3A_117, %sign3A_124 : i32
        %sign3A_126 = arith.extui %sign3A_125 : i1 to i32
        %sign3A_127 = arith.subi %sign3A_123, %sign3A_126 : i32
        %sign3A_128 = arith.constant 0 : i32
        %sign3A_129 = arith.cmpi sgt, %jit3A_119, %sign3A_128 : i32
        %sign3A_130 = arith.extui %sign3A_129 : i1 to i32
        %sign3A_131 = arith.constant 0 : i32
        %sign3A_132 = arith.cmpi slt, %jit3A_119, %sign3A_131 : i32
        %sign3A_133 = arith.extui %sign3A_132 : i1 to i32
        %sign3A_134 = arith.subi %sign3A_130, %sign3A_133 : i32
        %ne3A_135 = arith.cmpi ne, %sign3A_127, %sign3A_134 : i32
        %rem3A_136 = arith.remsi %scan3A_117, %jit3A_119 : i32
        %ne3A_137 = arith.constant 0 : i32
        %ne3A_138 = arith.cmpi ne, %rem3A_136, %ne3A_137 : i32
        %and3A_139 = arith.andi %ne3A_135, %ne3A_138 : i1
        %sub3A_140 = arith.constant 1 : i32
        %sub3A_141 = arith.subi %div3A_120, %sub3A_140 : i32
        %select_n3A_142 = arith.select %and3A_139, %sub3A_141, %div3A_120 : i32
        %jit3A_143 = arith.constant 128 : i32
        %eq3A = arith.constant 0 : i32
        %eq3A_144 = arith.cmpi eq, %jit3A_143, %eq3A : i32
        %jit3A_145 = arith.constant 1 : i32
        %select_n3A_146 = arith.select %eq3A_144, %jit3A_145, %jit3A_143 : i32
        %rem3A_147 = arith.remsi %scan3A_117, %select_n3A_146 : i32
        %ne3A_148 = arith.constant 0 : i32
        %ne3A_149 = arith.cmpi ne, %rem3A_147, %ne3A_148 : i32
        %lt3A_150 = arith.constant 0 : i32
        %lt3A_151 = arith.cmpi slt, %rem3A_147, %lt3A_150 : i32
        %lt3A_152 = arith.constant 0 : i32
        %lt3A_153 = arith.cmpi slt, %select_n3A_146, %lt3A_152 : i32
        %ne3A_154 = arith.xori %lt3A_151, %lt3A_153 : i1
        %and3A_155 = arith.andi %ne3A_154, %ne3A_149 : i1
        %add3A_156 = arith.addi %rem3A_147, %select_n3A_146 : i32
        %select_n3A_157 = arith.select %and3A_155, %add3A_156, %rem3A_147 : i32
        %mul3A_158 = arith.constant 16 : i32
        %mul3A_159 = arith.muli %select_n3A_157, %mul3A_158 : i32
        %swap3A_160 = arith.index_cast %select_n3A_142 : i32 to index
        %swap3A_161 = arith.index_cast %mul3A_159 : i32 to index
        %swap3A_162 = tpu.vector_load %arg9[%swap3A_160, %swap3A_161] {strides = array<i32>} : memref<8x2048xf32, #tpu.memory_space<vmem>>, vector<16xf32>,
        tpu.vector_store %arg9[%swap3A_160, %swap3A_161], %broadcast_in_dim3A_95 {strides = array<i32>} : memref<8x2048xf32, #tpu.memory_space<vmem>>, vector<16xf32>,
        %swap3A_163 = arith.index_cast %select_n3A_142 : i32 to index
        %swap3A_164 = arith.index_cast %mul3A_159 : i32 to index
        %swap3A_165 = tpu.vector_load %arg10[%swap3A_163, %swap3A_164] {strides = array<i32>} : memref<8x2048xf32, #tpu.memory_space<vmem>>, vector<16xf32>,
        tpu.vector_store %arg10[%swap3A_163, %swap3A_164], %broadcast_in_dim3A_95 {strides = array<i32>} : memref<8x2048xf32, #tpu.memory_space<vmem>>, vector<16xf32>,
        %scan3A_166 = arith.constant 0 : i32
        scf.yield %scan3A_166 : i32
      }
      %scan3A_102 = arith.constant 1024 : i32
      %scan3A_103 = arith.constant 0 : i32
      %scan3A_104 = arith.constant 0 : i32
      %scan3A_105 = arith.constant 1024 : i32
      %scan3A_106 = arith.addi %scan3A_104, %scan3A_105 : i32
      %scan3A_107 = arith.constant 1 : i32
      %scan3A_108 = scf.for %scan3A_117 = %scan3A_104 to %scan3A_106 step %scan3A_107 iter_args(%scan3A_118 = %scan3A_103) -> (i32)  : i32 {
        %jit3A_119 = arith.constant 128 : i32
        %div3A_120 = arith.divsi %scan3A_117, %jit3A_119 : i32
        %sign3A_121 = arith.constant 0 : i32
        %sign3A_122 = arith.cmpi sgt, %scan3A_117, %sign3A_121 : i32
        %sign3A_123 = arith.extui %sign3A_122 : i1 to i32
        %sign3A_124 = arith.constant 0 : i32
        %sign3A_125 = arith.cmpi slt, %scan3A_117, %sign3A_124 : i32
        %sign3A_126 = arith.extui %sign3A_125 : i1 to i32
        %sign3A_127 = arith.subi %sign3A_123, %sign3A_126 : i32
        %sign3A_128 = arith.constant 0 : i32
        %sign3A_129 = arith.cmpi sgt, %jit3A_119, %sign3A_128 : i32
        %sign3A_130 = arith.extui %sign3A_129 : i1 to i32
        %sign3A_131 = arith.constant 0 : i32
        %sign3A_132 = arith.cmpi slt, %jit3A_119, %sign3A_131 : i32
        %sign3A_133 = arith.extui %sign3A_132 : i1 to i32
        %sign3A_134 = arith.subi %sign3A_130, %sign3A_133 : i32
        %ne3A_135 = arith.cmpi ne, %sign3A_127, %sign3A_134 : i32
        %rem3A_136 = arith.remsi %scan3A_117, %jit3A_119 : i32
        %ne3A_137 = arith.constant 0 : i32
        %ne3A_138 = arith.cmpi ne, %rem3A_136, %ne3A_137 : i32
        %and3A_139 = arith.andi %ne3A_135, %ne3A_138 : i1
        %sub3A_140 = arith.constant 1 : i32
        %sub3A_141 = arith.subi %div3A_120, %sub3A_140 : i32
        %select_n3A_142 = arith.select %and3A_139, %sub3A_141, %div3A_120 : i32
        %jit3A_143 = arith.constant 128 : i32
        %eq3A = arith.constant 0 : i32
        %eq3A_144 = arith.cmpi eq, %jit3A_143, %eq3A : i32
        %jit3A_145 = arith.constant 1 : i32
        %select_n3A_146 = arith.select %eq3A_144, %jit3A_145, %jit3A_143 : i32
        %rem3A_147 = arith.remsi %scan3A_117, %select_n3A_146 : i32
        %ne3A_148 = arith.constant 0 : i32
        %ne3A_149 = arith.cmpi ne, %rem3A_147, %ne3A_148 : i32
        %lt3A_150 = arith.constant 0 : i32
        %lt3A_151 = arith.cmpi slt, %rem3A_147, %lt3A_150 : i32
        %lt3A_152 = arith.constant 0 : i32
        %lt3A_153 = arith.cmpi slt, %select_n3A_146, %lt3A_152 : i32
        %ne3A_154 = arith.xori %lt3A_151, %lt3A_153 : i1
        %and3A_155 = arith.andi %ne3A_154, %ne3A_149 : i1
        %add3A_156 = arith.addi %rem3A_147, %select_n3A_146 : i32
        %select_n3A_157 = arith.select %and3A_155, %add3A_156, %rem3A_147 : i32
        %mul3A_158 = arith.constant 16 : i32
        %mul3A_159 = arith.muli %select_n3A_157, %mul3A_158 : i32
        %swap3A_160 = arith.index_cast %select_n3A_142 : i32 to index
        %swap3A_161 = arith.index_cast %mul3A_159 : i32 to index
        %swap3A_162 = tpu.vector_load %arg11[%swap3A_160, %swap3A_161] {strides = array<i32>} : memref<8x2048xf32, #tpu.memory_space<vmem>>, vector<16xf32>,
        tpu.vector_store %arg11[%swap3A_160, %swap3A_161], %broadcast_in_dim3A_95 {strides = array<i32>} : memref<8x2048xf32, #tpu.memory_space<vmem>>, vector<16xf32>,
        %swap3A_163 = arith.index_cast %select_n3A_142 : i32 to index
        %swap3A_164 = arith.index_cast %mul3A_159 : i32 to index
        %swap3A_165 = tpu.vector_load %arg12[%swap3A_163, %swap3A_164] {strides = array<i32>} : memref<8x2048xf32, #tpu.memory_space<vmem>>, vector<16xf32>,
        tpu.vector_store %arg12[%swap3A_163, %swap3A_164], %broadcast_in_dim3A_95 {strides = array<i32>} : memref<8x2048xf32, #tpu.memory_space<vmem>>, vector<16xf32>,
        %scan3A_166 = arith.constant 0 : i32
        scf.yield %scan3A_166 : i32
      }
      %scan3A_109 = arith.constant 1024 : i32
      %scan3A_110 = arith.constant 0 : i32
      %scan3A_111 = arith.constant 0 : i32
      %scan3A_112 = arith.constant 1024 : i32
      %scan3A_113 = arith.addi %scan3A_111, %scan3A_112 : i32
      %scan3A_114 = arith.constant 1 : i32
      %scan3A_115 = scf.for %scan3A_117 = %scan3A_111 to %scan3A_113 step %scan3A_114 iter_args(%scan3A_118 = %scan3A_110) -> (i32)  : i32 {
        %jit3A_119 = arith.constant 128 : i32
        %div3A_120 = arith.divsi %scan3A_117, %jit3A_119 : i32
        %sign3A_121 = arith.constant 0 : i32
        %sign3A_122 = arith.cmpi sgt, %scan3A_117, %sign3A_121 : i32
        %sign3A_123 = arith.extui %sign3A_122 : i1 to i32
        %sign3A_124 = arith.constant 0 : i32
        %sign3A_125 = arith.cmpi slt, %scan3A_117, %sign3A_124 : i32
        %sign3A_126 = arith.extui %sign3A_125 : i1 to i32
        %sign3A_127 = arith.subi %sign3A_123, %sign3A_126 : i32
        %sign3A_128 = arith.constant 0 : i32
        %sign3A_129 = arith.cmpi sgt, %jit3A_119, %sign3A_128 : i32
        %sign3A_130 = arith.extui %sign3A_129 : i1 to i32
        %sign3A_131 = arith.constant 0 : i32
        %sign3A_132 = arith.cmpi slt, %jit3A_119, %sign3A_131 : i32
        %sign3A_133 = arith.extui %sign3A_132 : i1 to i32
        %sign3A_134 = arith.subi %sign3A_130, %sign3A_133 : i32
        %ne3A_135 = arith.cmpi ne, %sign3A_127, %sign3A_134 : i32
        %rem3A_136 = arith.remsi %scan3A_117, %jit3A_119 : i32
        %ne3A_137 = arith.constant 0 : i32
        %ne3A_138 = arith.cmpi ne, %rem3A_136, %ne3A_137 : i32
        %and3A_139 = arith.andi %ne3A_135, %ne3A_138 : i1
        %sub3A_140 = arith.constant 1 : i32
        %sub3A_141 = arith.subi %div3A_120, %sub3A_140 : i32
        %select_n3A_142 = arith.select %and3A_139, %sub3A_141, %div3A_120 : i32
        %jit3A_143 = arith.constant 128 : i32
        %eq3A = arith.constant 0 : i32
        %eq3A_144 = arith.cmpi eq, %jit3A_143, %eq3A : i32
        %jit3A_145 = arith.constant 1 : i32
        %select_n3A_146 = arith.select %eq3A_144, %jit3A_145, %jit3A_143 : i32
        %rem3A_147 = arith.remsi %scan3A_117, %select_n3A_146 : i32
        %ne3A_148 = arith.constant 0 : i32
        %ne3A_149 = arith.cmpi ne, %rem3A_147, %ne3A_148 : i32
        %lt3A_150 = arith.constant 0 : i32
        %lt3A_151 = arith.cmpi slt, %rem3A_147, %lt3A_150 : i32
        %lt3A_152 = arith.constant 0 : i32
        %lt3A_153 = arith.cmpi slt, %select_n3A_146, %lt3A_152 : i32
        %ne3A_154 = arith.xori %lt3A_151, %lt3A_153 : i1
        %and3A_155 = arith.andi %ne3A_154, %ne3A_149 : i1
        %add3A_156 = arith.addi %rem3A_147, %select_n3A_146 : i32
        %select_n3A_157 = arith.select %and3A_155, %add3A_156, %rem3A_147 : i32
        %mul3A_158 = arith.constant 16 : i32
        %mul3A_159 = arith.muli %select_n3A_157, %mul3A_158 : i32
        %swap3A_160 = arith.index_cast %select_n3A_142 : i32 to index
        %swap3A_161 = arith.index_cast %mul3A_159 : i32 to index
        %swap3A_162 = tpu.vector_load %arg13[%swap3A_160, %swap3A_161] {strides = array<i32>} : memref<8x2048xf32, #tpu.memory_space<vmem>>, vector<16xf32>,
        tpu.vector_store %arg13[%swap3A_160, %swap3A_161], %broadcast_in_dim3A_95 {strides = array<i32>} : memref<8x2048xf32, #tpu.memory_space<vmem>>, vector<16xf32>,
        %swap3A_163 = arith.index_cast %select_n3A_142 : i32 to index
        %swap3A_164 = arith.index_cast %mul3A_159 : i32 to index
        %swap3A_165 = tpu.vector_load %arg14[%swap3A_163, %swap3A_164] {strides = array<i32>} : memref<8x2048xf32, #tpu.memory_space<vmem>>, vector<16xf32>,
        tpu.vector_store %arg14[%swap3A_163, %swap3A_164], %broadcast_in_dim3A_95 {strides = array<i32>} : memref<8x2048xf32, #tpu.memory_space<vmem>>, vector<16xf32>,
        %scan3A_166 = arith.constant 0 : i32
        scf.yield %scan3A_166 : i32
      }
      %scan3A_116 = arith.constant 1024 : i32
    } else {
    }
    %gt3A = arith.constant 0 : i32
    %gt3A_68 = arith.cmpi sgt, %select_n3A, %gt3A : i32
    %convert_element_type3A_69 = arith.extui %gt3A_68 : i1 to i32
    %cond3A_70 = arith.constant 0 : i32
    %cond3A_71 = arith.cmpi ne, %convert_element_type3A_69, %cond3A_70 : i32
    scf.if %cond3A_71 {
      %multiple_of3A = arith.constant 0 : i32
      %multiple_of3A_94 = tpu.assume_multiple %multiple_of3A, 8 : i32
      %dma_start3A = tpu.memref_slice %arg7[%multiple_of3A_94] : memref<144xi32, #tpu.memory_space<vmem>> -> memref<8xi32, #tpu.memory_space<vmem>>
      %dma_start3A_95 = arith.constant 0 : i32
      %dma_start3A_96 = arith.constant 0 : i32
      %dma_start3A_97 = tpu.memref_slice %arg2[%dma_start3A_95, %dma_start3A_96] : memref<8192x2048xf32, #tpu.memory_space<hbm>> -> memref<8192x2048xf32, #tpu.memory_space<hbm>>
      tpu.enqueue_indirect_dma source(%dma_start3A_97 : memref<8192x2048xf32, #tpu.memory_space<hbm>>) target(%arg9 : memref<8x2048xf32, #tpu.memory_space<vmem>>) offsets(%dma_start3A : memref<8xi32, #tpu.memory_space<vmem>>) semaphore(%arg16 : memref<!tpu.dma_semaphore, #tpu.memory_space<semaphore_mem>>)
      %dma_start3A_98 = tpu.memref_slice %arg7[%multiple_of3A_94] : memref<144xi32, #tpu.memory_space<vmem>> -> memref<8xi32, #tpu.memory_space<vmem>>
      %dma_start3A_99 = arith.constant 0 : i32
      %dma_start3A_100 = arith.constant 0 : i32
      %dma_start3A_101 = tpu.memref_slice %arg3[%dma_start3A_99, %dma_start3A_100] : memref<8192x2048xf32, #tpu.memory_space<hbm>> -> memref<8192x2048xf32, #tpu.memory_space<hbm>>
      tpu.enqueue_indirect_dma source(%dma_start3A_101 : memref<8192x2048xf32, #tpu.memory_space<hbm>>) target(%arg10 : memref<8x2048xf32, #tpu.memory_space<vmem>>) offsets(%dma_start3A_98 : memref<8xi32, #tpu.memory_space<vmem>>) semaphore(%arg17 : memref<!tpu.dma_semaphore, #tpu.memory_space<semaphore_mem>>)
    } else {
    }
    %gt3A_72 = arith.constant 1 : i32
    %gt3A_73 = arith.cmpi sgt, %select_n3A, %gt3A_72 : i32
    %convert_element_type3A_74 = arith.extui %gt3A_73 : i1 to i32
    %cond3A_75 = arith.constant 0 : i32
    %cond3A_76 = arith.cmpi ne, %convert_element_type3A_74, %cond3A_75 : i32
    scf.if %cond3A_76 {
      %multiple_of3A = arith.constant 8 : i32
      %multiple_of3A_94 = tpu.assume_multiple %multiple_of3A, 8 : i32
      %dma_start3A = tpu.memref_slice %arg7[%multiple_of3A_94] : memref<144xi32, #tpu.memory_space<vmem>> -> memref<8xi32, #tpu.memory_space<vmem>>
      %dma_start3A_95 = arith.constant 0 : i32
      %dma_start3A_96 = arith.constant 0 : i32
      %dma_start3A_97 = tpu.memref_slice %arg2[%dma_start3A_95, %dma_start3A_96] : memref<8192x2048xf32, #tpu.memory_space<hbm>> -> memref<8192x2048xf32, #tpu.memory_space<hbm>>
      tpu.enqueue_indirect_dma source(%dma_start3A_97 : memref<8192x2048xf32, #tpu.memory_space<hbm>>) target(%arg11 : memref<8x2048xf32, #tpu.memory_space<vmem>>) offsets(%dma_start3A : memref<8xi32, #tpu.memory_space<vmem>>) semaphore(%arg18 : memref<!tpu.dma_semaphore, #tpu.memory_space<semaphore_mem>>)
      %dma_start3A_98 = tpu.memref_slice %arg7[%multiple_of3A_94] : memref<144xi32, #tpu.memory_space<vmem>> -> memref<8xi32, #tpu.memory_space<vmem>>
      %dma_start3A_99 = arith.constant 0 : i32
      %dma_start3A_100 = arith.constant 0 : i32
      %dma_start3A_101 = tpu.memref_slice %arg3[%dma_start3A_99, %dma_start3A_100] : memref<8192x2048xf32, #tpu.memory_space<hbm>> -> memref<8192x2048xf32, #tpu.memory_space<hbm>>
      tpu.enqueue_indirect_dma source(%dma_start3A_101 : memref<8192x2048xf32, #tpu.memory_space<hbm>>) target(%arg12 : memref<8x2048xf32, #tpu.memory_space<vmem>>) offsets(%dma_start3A_98 : memref<8xi32, #tpu.memory_space<vmem>>) semaphore(%arg19 : memref<!tpu.dma_semaphore, #tpu.memory_space<semaphore_mem>>)
    } else {
    }
    %gt3A_77 = arith.constant 2 : i32
    %gt3A_78 = arith.cmpi sgt, %select_n3A, %gt3A_77 : i32
    %convert_element_type3A_79 = arith.extui %gt3A_78 : i1 to i32
    %cond3A_80 = arith.constant 0 : i32
    %cond3A_81 = arith.cmpi ne, %convert_element_type3A_79, %cond3A_80 : i32
    scf.if %cond3A_81 {
      %multiple_of3A = arith.constant 16 : i32
      %multiple_of3A_94 = tpu.assume_multiple %multiple_of3A, 8 : i32
      %dma_start3A = tpu.memref_slice %arg7[%multiple_of3A_94] : memref<144xi32, #tpu.memory_space<vmem>> -> memref<8xi32, #tpu.memory_space<vmem>>
      %dma_start3A_95 = arith.constant 0 : i32
      %dma_start3A_96 = arith.constant 0 : i32
      %dma_start3A_97 = tpu.memref_slice %arg2[%dma_start3A_95, %dma_start3A_96] : memref<8192x2048xf32, #tpu.memory_space<hbm>> -> memref<8192x2048xf32, #tpu.memory_space<hbm>>
      tpu.enqueue_indirect_dma source(%dma_start3A_97 : memref<8192x2048xf32, #tpu.memory_space<hbm>>) target(%arg13 : memref<8x2048xf32, #tpu.memory_space<vmem>>) offsets(%dma_start3A : memref<8xi32, #tpu.memory_space<vmem>>) semaphore(%arg20 : memref<!tpu.dma_semaphore, #tpu.memory_space<semaphore_mem>>)
      %dma_start3A_98 = tpu.memref_slice %arg7[%multiple_of3A_94] : memref<144xi32, #tpu.memory_space<vmem>> -> memref<8xi32, #tpu.memory_space<vmem>>
      %dma_start3A_99 = arith.constant 0 : i32
      %dma_start3A_100 = arith.constant 0 : i32
      %dma_start3A_101 = tpu.memref_slice %arg3[%dma_start3A_99, %dma_start3A_100] : memref<8192x2048xf32, #tpu.memory_space<hbm>> -> memref<8192x2048xf32, #tpu.memory_space<hbm>>
      tpu.enqueue_indirect_dma source(%dma_start3A_101 : memref<8192x2048xf32, #tpu.memory_space<hbm>>) target(%arg14 : memref<8x2048xf32, #tpu.memory_space<vmem>>) offsets(%dma_start3A_98 : memref<8xi32, #tpu.memory_space<vmem>>) semaphore(%arg21 : memref<!tpu.dma_semaphore, #tpu.memory_space<semaphore_mem>>)
    } else {
    }
    %broadcast_in_dim3A = arith.constant 0.000000e+00 : f32
    %broadcast_in_dim3A_82 = vector.broadcast %broadcast_in_dim3A : f32 to vector<16xf32>
    %while3A = arith.constant 0 : i32
    %while3A_83 = arith.subi %select_n3A_65, %while3A : i32
    %while3A_84 = arith.addi %while3A, %while3A_83 : i32
    %while3A_85 = arith.constant 1 : i32
    %while3A_86 = arith.divsi %while3A_83, %while3A_85 : i32
    %while3A_87 = arith.muli %while3A_86, %while3A_85 : i32
    %while3A_88 = arith.addi %while3A, %while3A_87 : i32
    %while3A_89 = arith.constant 1 : i32
    %while3A_90 = scf.for %while3A_94 = %while3A to %while3A_88 step %while3A_89 iter_args(%while3A_95 = %broadcast_in_dim3A_82) -> (vector<16xf32>)  : i32 {
      %mul3A_96 = arith.constant 3 : i32
      %mul3A_97 = arith.muli %while3A_94, %mul3A_96 : i32
      %add3A_98 = arith.constant 0 : i32
      %add3A_99 = arith.addi %mul3A_97, %add3A_98 : i32
      %lt3A_100 = arith.cmpi slt, %add3A_99, %select_n3A : i32
      %convert_element_type3A_101 = arith.extui %lt3A_100 : i1 to i32
      %cond3A_102 = arith.constant 0 : i32
      %cond3A_103 = arith.cmpi ne, %convert_element_type3A_101, %cond3A_102 : i32
      scf.if %cond3A_103 {
        %dma_wait3A = arith.constant 0 : i32
        %dma_wait3A_160 = tpu.memref_slice %arg7[%dma_wait3A] : memref<144xi32, #tpu.memory_space<vmem>> -> memref<8xi32, #tpu.memory_space<vmem>>
        %dma_wait3A_161 = arith.constant 0 : i32
        %dma_wait3A_162 = arith.constant 0 : i32
        %dma_wait3A_163 = tpu.memref_slice %arg2[%dma_wait3A_161, %dma_wait3A_162] : memref<8192x2048xf32, #tpu.memory_space<hbm>> -> memref<8192x2048xf32, #tpu.memory_space<hbm>>
        tpu.wait_indirect_dma semaphore(%arg16 : memref<!tpu.dma_semaphore, #tpu.memory_space<semaphore_mem>>) src(%dma_wait3A_163 : memref<8192x2048xf32, #tpu.memory_space<hbm>>) dst(%arg9 : memref<8x2048xf32, #tpu.memory_space<vmem>>)
        %dma_wait3A_164 = arith.constant 0 : i32
        %dma_wait3A_165 = tpu.memref_slice %arg7[%dma_wait3A_164] : memref<144xi32, #tpu.memory_space<vmem>> -> memref<8xi32, #tpu.memory_space<vmem>>
        %dma_wait3A_166 = arith.constant 0 : i32
        %dma_wait3A_167 = arith.constant 0 : i32
        %dma_wait3A_168 = tpu.memref_slice %arg3[%dma_wait3A_166, %dma_wait3A_167] : memref<8192x2048xf32, #tpu.memory_space<hbm>> -> memref<8192x2048xf32, #tpu.memory_space<hbm>>
        tpu.wait_indirect_dma semaphore(%arg17 : memref<!tpu.dma_semaphore, #tpu.memory_space<semaphore_mem>>) src(%dma_wait3A_168 : memref<8192x2048xf32, #tpu.memory_space<hbm>>) dst(%arg10 : memref<8x2048xf32, #tpu.memory_space<vmem>>)
      } else {
      }
      %mul3A_104 = arith.constant 8 : i32
      %mul3A_105 = arith.muli %add3A_99, %mul3A_104 : i32
      %multiple_of3A = tpu.assume_multiple %mul3A_105, 8 : i32
      %scan3A_106 = arith.constant 0 : i32
      %scan3A_107 = arith.constant 8 : i32
      %scan3A_108 = arith.addi %scan3A_106, %scan3A_107 : i32
      %scan3A_109 = arith.constant 1 : i32
      %scan3A_110 = scf.for %scan3A_160 = %scan3A_106 to %scan3A_108 step %scan3A_109 iter_args(%scan3A_161 = %while3A_95) -> (vector<16xf32>)  : i32 {
        %add3A_162 = arith.addi %multiple_of3A, %scan3A_160 : i32
        %broadcast_in_dim3A_163 = vector.broadcast %add3A_162 : i32 to vector<16xi32>
        %gather3A = tpu.vector_load_idx %arg8[%broadcast_in_dim3A_163] : memref<144xi32, #tpu.memory_space<vmem>>[vector<16xi32>], vector<16xi32>,
        %eq3A = arith.constant 1 : i32
        %eq3A_164 = vector.broadcast %eq3A : i32 to vector<16xi32>
        %eq3A_165 = arith.cmpi eq, %gather3A, %eq3A_164 : vector<16xi32>
        %eq3A_166 = arith.constant 2 : i32
        %eq3A_167 = vector.broadcast %eq3A_166 : i32 to vector<16xi32>
        %eq3A_168 = arith.cmpi eq, %gather3A, %eq3A_167 : vector<16xi32>
        %jit3A_169 = arith.constant 1.000000e+00 : f32
        %jit3A_170 = arith.constant 0.000000e+00 : f32
        %broadcast_in_dim3A_171 = vector.broadcast %jit3A_169 : f32 to vector<16xf32>
        %broadcast_in_dim3A_172 = vector.broadcast %jit3A_170 : f32 to vector<16xf32>
        %select_n3A_173 = arith.select %eq3A_168, %broadcast_in_dim3A_171, %broadcast_in_dim3A_172 : vector<16xi1>, vector<16xf32>
        %scan3A_174 = arith.constant 0 : i32
        %scan3A_175 = arith.constant 16 : i32
        %scan3A_176 = arith.addi %scan3A_174, %scan3A_175 : i32
        %scan3A_177 = arith.constant 1 : i32
        %scan3A_178 = scf.for %scan3A_180 = %scan3A_174 to %scan3A_176 step %scan3A_177 iter_args(%scan3A_181 = %scan3A_161) -> (vector<16xf32>)  : i32 {
          %mul3A_182 = arith.constant 8 : i32
          %mul3A_183 = arith.muli %scan3A_180, %mul3A_182 : i32
          %add3A_184 = arith.constant 0 : i32
          %add3A_185 = arith.addi %mul3A_183, %add3A_184 : i32
          %mul3A_186 = arith.constant 16 : i32
          %mul3A_187 = arith.muli %add3A_185, %mul3A_186 : i32
          %get3A = arith.index_cast %scan3A_160 : i32 to index
          %get3A_188 = arith.index_cast %mul3A_187 : i32 to index
          %get3A_189 = tpu.vector_load %arg9[%get3A, %get3A_188] {strides = array<i32>} : memref<8x2048xf32, #tpu.memory_space<vmem>>, vector<16xf32>,
          %get3A_190 = arith.index_cast %scan3A_160 : i32 to index
          %get3A_191 = arith.index_cast %mul3A_187 : i32 to index
          %get3A_192 = tpu.vector_load %arg10[%get3A_190, %get3A_191] {strides = array<i32>} : memref<8x2048xf32, #tpu.memory_space<vmem>>, vector<16xf32>,
          %sub3A_193 = arith.subf %get3A_189, %get3A_192 : vector<16xf32>
          %select_n3A_194 = arith.select %eq3A_165, %get3A_192, %select_n3A_173 : vector<16xi1>, vector<16xf32>
          %mul3A_195 = arith.mulf %select_n3A_194, %sub3A_193 : vector<16xf32>
          %mul3A_196 = arith.mulf %mul3A_195, %mul3A_195 : vector<16xf32>
          %add3A_197 = arith.addf %scan3A_181, %mul3A_196 : vector<16xf32>
          %mul3A_198 = arith.constant 8 : i32
          %mul3A_199 = arith.muli %scan3A_180, %mul3A_198 : i32
          %add3A_200 = arith.constant 1 : i32
          %add3A_201 = arith.addi %mul3A_199, %add3A_200 : i32
          %mul3A_202 = arith.constant 16 : i32
          %mul3A_203 = arith.muli %add3A_201, %mul3A_202 : i32
          %get3A_204 = arith.index_cast %scan3A_160 : i32 to index
          %get3A_205 = arith.index_cast %mul3A_203 : i32 to index
          %get3A_206 = tpu.vector_load %arg9[%get3A_204, %get3A_205] {strides = array<i32>} : memref<8x2048xf32, #tpu.memory_space<vmem>>, vector<16xf32>,
          %get3A_207 = arith.index_cast %scan3A_160 : i32 to index
          %get3A_208 = arith.index_cast %mul3A_203 : i32 to index
          %get3A_209 = tpu.vector_load %arg10[%get3A_207, %get3A_208] {strides = array<i32>} : memref<8x2048xf32, #tpu.memory_space<vmem>>, vector<16xf32>,
          %sub3A_210 = arith.subf %get3A_206, %get3A_209 : vector<16xf32>
          %select_n3A_211 = arith.select %eq3A_165, %get3A_209, %select_n3A_173 : vector<16xi1>, vector<16xf32>
          %mul3A_212 = arith.mulf %select_n3A_211, %sub3A_210 : vector<16xf32>
          %mul3A_213 = arith.mulf %mul3A_212, %mul3A_212 : vector<16xf32>
          %add3A_214 = arith.addf %add3A_197, %mul3A_213 : vector<16xf32>
          %mul3A_215 = arith.constant 8 : i32
          %mul3A_216 = arith.muli %scan3A_180, %mul3A_215 : i32
          %add3A_217 = arith.constant 2 : i32
          %add3A_218 = arith.addi %mul3A_216, %add3A_217 : i32
          %mul3A_219 = arith.constant 16 : i32
          %mul3A_220 = arith.muli %add3A_218, %mul3A_219 : i32
          %get3A_221 = arith.index_cast %scan3A_160 : i32 to index
          %get3A_222 = arith.index_cast %mul3A_220 : i32 to index
          %get3A_223 = tpu.vector_load %arg9[%get3A_221, %get3A_222] {strides = array<i32>} : memref<8x2048xf32, #tpu.memory_space<vmem>>, vector<16xf32>,
          %get3A_224 = arith.index_cast %scan3A_160 : i32 to index
          %get3A_225 = arith.index_cast %mul3A_220 : i32 to index
          %get3A_226 = tpu.vector_load %arg10[%get3A_224, %get3A_225] {strides = array<i32>} : memref<8x2048xf32, #tpu.memory_space<vmem>>, vector<16xf32>,
          %sub3A_227 = arith.subf %get3A_223, %get3A_226 : vector<16xf32>
          %select_n3A_228 = arith.select %eq3A_165, %get3A_226, %select_n3A_173 : vector<16xi1>, vector<16xf32>
          %mul3A_229 = arith.mulf %select_n3A_228, %sub3A_227 : vector<16xf32>
          %mul3A_230 = arith.mulf %mul3A_229, %mul3A_229 : vector<16xf32>
          %add3A_231 = arith.addf %add3A_214, %mul3A_230 : vector<16xf32>
          %mul3A_232 = arith.constant 8 : i32
          %mul3A_233 = arith.muli %scan3A_180, %mul3A_232 : i32
          %add3A_234 = arith.constant 3 : i32
          %add3A_235 = arith.addi %mul3A_233, %add3A_234 : i32
          %mul3A_236 = arith.constant 16 : i32
          %mul3A_237 = arith.muli %add3A_235, %mul3A_236 : i32
          %get3A_238 = arith.index_cast %scan3A_160 : i32 to index
          %get3A_239 = arith.index_cast %mul3A_237 : i32 to index
          %get3A_240 = tpu.vector_load %arg9[%get3A_238, %get3A_239] {strides = array<i32>} : memref<8x2048xf32, #tpu.memory_space<vmem>>, vector<16xf32>,
          %get3A_241 = arith.index_cast %scan3A_160 : i32 to index
          %get3A_242 = arith.index_cast %mul3A_237 : i32 to index
          %get3A_243 = tpu.vector_load %arg10[%get3A_241, %get3A_242] {strides = array<i32>} : memref<8x2048xf32, #tpu.memory_space<vmem>>, vector<16xf32>,
          %sub3A_244 = arith.subf %get3A_240, %get3A_243 : vector<16xf32>
          %select_n3A_245 = arith.select %eq3A_165, %get3A_243, %select_n3A_173 : vector<16xi1>, vector<16xf32>
          %mul3A_246 = arith.mulf %select_n3A_245, %sub3A_244 : vector<16xf32>
          %mul3A_247 = arith.mulf %mul3A_246, %mul3A_246 : vector<16xf32>
          %add3A_248 = arith.addf %add3A_231, %mul3A_247 : vector<16xf32>
          %mul3A_249 = arith.constant 8 : i32
          %mul3A_250 = arith.muli %scan3A_180, %mul3A_249 : i32
          %add3A_251 = arith.constant 4 : i32
          %add3A_252 = arith.addi %mul3A_250, %add3A_251 : i32
          %mul3A_253 = arith.constant 16 : i32
          %mul3A_254 = arith.muli %add3A_252, %mul3A_253 : i32
          %get3A_255 = arith.index_cast %scan3A_160 : i32 to index
          %get3A_256 = arith.index_cast %mul3A_254 : i32 to index
          %get3A_257 = tpu.vector_load %arg9[%get3A_255, %get3A_256] {strides = array<i32>} : memref<8x2048xf32, #tpu.memory_space<vmem>>, vector<16xf32>,
          %get3A_258 = arith.index_cast %scan3A_160 : i32 to index
          %get3A_259 = arith.index_cast %mul3A_254 : i32 to index
          %get3A_260 = tpu.vector_load %arg10[%get3A_258, %get3A_259] {strides = array<i32>} : memref<8x2048xf32, #tpu.memory_space<vmem>>, vector<16xf32>,
          %sub3A_261 = arith.subf %get3A_257, %get3A_260 : vector<16xf32>
          %select_n3A_262 = arith.select %eq3A_165, %get3A_260, %select_n3A_173 : vector<16xi1>, vector<16xf32>
          %mul3A_263 = arith.mulf %select_n3A_262, %sub3A_261 : vector<16xf32>
          %mul3A_264 = arith.mulf %mul3A_263, %mul3A_263 : vector<16xf32>
          %add3A_265 = arith.addf %add3A_248, %mul3A_264 : vector<16xf32>
          %mul3A_266 = arith.constant 8 : i32
          %mul3A_267 = arith.muli %scan3A_180, %mul3A_266 : i32
          %add3A_268 = arith.constant 5 : i32
          %add3A_269 = arith.addi %mul3A_267, %add3A_268 : i32
          %mul3A_270 = arith.constant 16 : i32
          %mul3A_271 = arith.muli %add3A_269, %mul3A_270 : i32
          %get3A_272 = arith.index_cast %scan3A_160 : i32 to index
          %get3A_273 = arith.index_cast %mul3A_271 : i32 to index
          %get3A_274 = tpu.vector_load %arg9[%get3A_272, %get3A_273] {strides = array<i32>} : memref<8x2048xf32, #tpu.memory_space<vmem>>, vector<16xf32>,
          %get3A_275 = arith.index_cast %scan3A_160 : i32 to index
          %get3A_276 = arith.index_cast %mul3A_271 : i32 to index
          %get3A_277 = tpu.vector_load %arg10[%get3A_275, %get3A_276] {strides = array<i32>} : memref<8x2048xf32, #tpu.memory_space<vmem>>, vector<16xf32>,
          %sub3A_278 = arith.subf %get3A_274, %get3A_277 : vector<16xf32>
          %select_n3A_279 = arith.select %eq3A_165, %get3A_277, %select_n3A_173 : vector<16xi1>, vector<16xf32>
          %mul3A_280 = arith.mulf %select_n3A_279, %sub3A_278 : vector<16xf32>
          %mul3A_281 = arith.mulf %mul3A_280, %mul3A_280 : vector<16xf32>
          %add3A_282 = arith.addf %add3A_265, %mul3A_281 : vector<16xf32>
          %mul3A_283 = arith.constant 8 : i32
          %mul3A_284 = arith.muli %scan3A_180, %mul3A_283 : i32
          %add3A_285 = arith.constant 6 : i32
          %add3A_286 = arith.addi %mul3A_284, %add3A_285 : i32
          %mul3A_287 = arith.constant 16 : i32
          %mul3A_288 = arith.muli %add3A_286, %mul3A_287 : i32
          %get3A_289 = arith.index_cast %scan3A_160 : i32 to index
          %get3A_290 = arith.index_cast %mul3A_288 : i32 to index
          %get3A_291 = tpu.vector_load %arg9[%get3A_289, %get3A_290] {strides = array<i32>} : memref<8x2048xf32, #tpu.memory_space<vmem>>, vector<16xf32>,
          %get3A_292 = arith.index_cast %scan3A_160 : i32 to index
          %get3A_293 = arith.index_cast %mul3A_288 : i32 to index
          %get3A_294 = tpu.vector_load %arg10[%get3A_292, %get3A_293] {strides = array<i32>} : memref<8x2048xf32, #tpu.memory_space<vmem>>, vector<16xf32>,
          %sub3A_295 = arith.subf %get3A_291, %get3A_294 : vector<16xf32>
          %select_n3A_296 = arith.select %eq3A_165, %get3A_294, %select_n3A_173 : vector<16xi1>, vector<16xf32>
          %mul3A_297 = arith.mulf %select_n3A_296, %sub3A_295 : vector<16xf32>
          %mul3A_298 = arith.mulf %mul3A_297, %mul3A_297 : vector<16xf32>
          %add3A_299 = arith.addf %add3A_282, %mul3A_298 : vector<16xf32>
          %mul3A_300 = arith.constant 8 : i32
          %mul3A_301 = arith.muli %scan3A_180, %mul3A_300 : i32
          %add3A_302 = arith.constant 7 : i32
          %add3A_303 = arith.addi %mul3A_301, %add3A_302 : i32
          %mul3A_304 = arith.constant 16 : i32
          %mul3A_305 = arith.muli %add3A_303, %mul3A_304 : i32
          %get3A_306 = arith.index_cast %scan3A_160 : i32 to index
          %get3A_307 = arith.index_cast %mul3A_305 : i32 to index
          %get3A_308 = tpu.vector_load %arg9[%get3A_306, %get3A_307] {strides = array<i32>} : memref<8x2048xf32, #tpu.memory_space<vmem>>, vector<16xf32>,
          %get3A_309 = arith.index_cast %scan3A_160 : i32 to index
          %get3A_310 = arith.index_cast %mul3A_305 : i32 to index
          %get3A_311 = tpu.vector_load %arg10[%get3A_309, %get3A_310] {strides = array<i32>} : memref<8x2048xf32, #tpu.memory_space<vmem>>, vector<16xf32>,
          %sub3A_312 = arith.subf %get3A_308, %get3A_311 : vector<16xf32>
          %select_n3A_313 = arith.select %eq3A_165, %get3A_311, %select_n3A_173 : vector<16xi1>, vector<16xf32>
          %mul3A_314 = arith.mulf %select_n3A_313, %sub3A_312 : vector<16xf32>
          %mul3A_315 = arith.mulf %mul3A_314, %mul3A_314 : vector<16xf32>
          %add3A_316 = arith.addf %add3A_299, %mul3A_315 : vector<16xf32>
          scf.yield %add3A_316 : vector<16xf32>
        }
        %scan3A_179 = arith.constant 16 : i32
        scf.yield %scan3A_178 : vector<16xf32>
      }
      %scan3A_111 = arith.constant 8 : i32
      %add3A_112 = arith.constant 3 : i32
      %add3A_113 = arith.addi %add3A_99, %add3A_112 : i32
      %lt3A_114 = arith.cmpi slt, %add3A_113, %select_n3A : i32
      %convert_element_type3A_115 = arith.extui %lt3A_114 : i1 to i32
      %cond3A_116 = arith.constant 0 : i32
      %cond3A_117 = arith.cmpi ne, %convert_element_type3A_115, %cond3A_116 : i32
      scf.if %cond3A_117 {
        %add3A_160 = arith.constant 3 : i32
        %add3A_161 = arith.addi %add3A_99, %add3A_160 : i32
        %mul3A_162 = arith.constant 8 : i32
        %mul3A_163 = arith.muli %add3A_161, %mul3A_162 : i32
        %multiple_of3A_164 = tpu.assume_multiple %mul3A_163, 8 : i32
        %dma_start3A = tpu.memref_slice %arg7[%multiple_of3A_164] : memref<144xi32, #tpu.memory_space<vmem>> -> memref<8xi32, #tpu.memory_space<vmem>>
        %dma_start3A_165 = arith.constant 0 : i32
        %dma_start3A_166 = arith.constant 0 : i32
        %dma_start3A_167 = tpu.memref_slice %arg2[%dma_start3A_165, %dma_start3A_166] : memref<8192x2048xf32, #tpu.memory_space<hbm>> -> memref<8192x2048xf32, #tpu.memory_space<hbm>>
        tpu.enqueue_indirect_dma source(%dma_start3A_167 : memref<8192x2048xf32, #tpu.memory_space<hbm>>) target(%arg9 : memref<8x2048xf32, #tpu.memory_space<vmem>>) offsets(%dma_start3A : memref<8xi32, #tpu.memory_space<vmem>>) semaphore(%arg16 : memref<!tpu.dma_semaphore, #tpu.memory_space<semaphore_mem>>)
        %dma_start3A_168 = tpu.memref_slice %arg7[%multiple_of3A_164] : memref<144xi32, #tpu.memory_space<vmem>> -> memref<8xi32, #tpu.memory_space<vmem>>
        %dma_start3A_169 = arith.constant 0 : i32
        %dma_start3A_170 = arith.constant 0 : i32
        %dma_start3A_171 = tpu.memref_slice %arg3[%dma_start3A_169, %dma_start3A_170] : memref<8192x2048xf32, #tpu.memory_space<hbm>> -> memref<8192x2048xf32, #tpu.memory_space<hbm>>
        tpu.enqueue_indirect_dma source(%dma_start3A_171 : memref<8192x2048xf32, #tpu.memory_space<hbm>>) target(%arg10 : memref<8x2048xf32, #tpu.memory_space<vmem>>) offsets(%dma_start3A_168 : memref<8xi32, #tpu.memory_space<vmem>>) semaphore(%arg17 : memref<!tpu.dma_semaphore, #tpu.memory_space<semaphore_mem>>)
      } else {
      }
      %add3A_118 = arith.constant 1 : i32
      %add3A_119 = arith.addi %mul3A_97, %add3A_118 : i32
      %lt3A_120 = arith.cmpi slt, %add3A_119, %select_n3A : i32
      %convert_element_type3A_121 = arith.extui %lt3A_120 : i1 to i32
      %cond3A_122 = arith.constant 0 : i32
      %cond3A_123 = arith.cmpi ne, %convert_element_type3A_121, %cond3A_122 : i32
      scf.if %cond3A_123 {
        %dma_wait3A = arith.constant 0 : i32
        %dma_wait3A_160 = tpu.memref_slice %arg7[%dma_wait3A] : memref<144xi32, #tpu.memory_space<vmem>> -> memref<8xi32, #tpu.memory_space<vmem>>
        %dma_wait3A_161 = arith.constant 0 : i32
        %dma_wait3A_162 = arith.constant 0 : i32
        %dma_wait3A_163 = tpu.memref_slice %arg2[%dma_wait3A_161, %dma_wait3A_162] : memref<8192x2048xf32, #tpu.memory_space<hbm>> -> memref<8192x2048xf32, #tpu.memory_space<hbm>>
        tpu.wait_indirect_dma semaphore(%arg18 : memref<!tpu.dma_semaphore, #tpu.memory_space<semaphore_mem>>) src(%dma_wait3A_163 : memref<8192x2048xf32, #tpu.memory_space<hbm>>) dst(%arg11 : memref<8x2048xf32, #tpu.memory_space<vmem>>)
        %dma_wait3A_164 = arith.constant 0 : i32
        %dma_wait3A_165 = tpu.memref_slice %arg7[%dma_wait3A_164] : memref<144xi32, #tpu.memory_space<vmem>> -> memref<8xi32, #tpu.memory_space<vmem>>
        %dma_wait3A_166 = arith.constant 0 : i32
        %dma_wait3A_167 = arith.constant 0 : i32
        %dma_wait3A_168 = tpu.memref_slice %arg3[%dma_wait3A_166, %dma_wait3A_167] : memref<8192x2048xf32, #tpu.memory_space<hbm>> -> memref<8192x2048xf32, #tpu.memory_space<hbm>>
        tpu.wait_indirect_dma semaphore(%arg19 : memref<!tpu.dma_semaphore, #tpu.memory_space<semaphore_mem>>) src(%dma_wait3A_168 : memref<8192x2048xf32, #tpu.memory_space<hbm>>) dst(%arg12 : memref<8x2048xf32, #tpu.memory_space<vmem>>)
      } else {
      }
      %mul3A_124 = arith.constant 8 : i32
      %mul3A_125 = arith.muli %add3A_119, %mul3A_124 : i32
      %multiple_of3A_126 = tpu.assume_multiple %mul3A_125, 8 : i32
      %scan3A_127 = arith.constant 0 : i32
      %scan3A_128 = arith.constant 8 : i32
      %scan3A_129 = arith.addi %scan3A_127, %scan3A_128 : i32
      %scan3A_130 = arith.constant 1 : i32
      %scan3A_131 = scf.for %scan3A_160 = %scan3A_127 to %scan3A_129 step %scan3A_130 iter_args(%scan3A_161 = %scan3A_110) -> (vector<16xf32>)  : i32 {
        %add3A_162 = arith.addi %multiple_of3A_126, %scan3A_160 : i32
        %broadcast_in_dim3A_163 = vector.broadcast %add3A_162 : i32 to vector<16xi32>
        %gather3A = tpu.vector_load_idx %arg8[%broadcast_in_dim3A_163] : memref<144xi32, #tpu.memory_space<vmem>>[vector<16xi32>], vector<16xi32>,
        %eq3A = arith.constant 1 : i32
        %eq3A_164 = vector.broadcast %eq3A : i32 to vector<16xi32>
        %eq3A_165 = arith.cmpi eq, %gather3A, %eq3A_164 : vector<16xi32>
        %eq3A_166 = arith.constant 2 : i32
        %eq3A_167 = vector.broadcast %eq3A_166 : i32 to vector<16xi32>
        %eq3A_168 = arith.cmpi eq, %gather3A, %eq3A_167 : vector<16xi32>
        %jit3A_169 = arith.constant 1.000000e+00 : f32
        %jit3A_170 = arith.constant 0.000000e+00 : f32
        %broadcast_in_dim3A_171 = vector.broadcast %jit3A_169 : f32 to vector<16xf32>
        %broadcast_in_dim3A_172 = vector.broadcast %jit3A_170 : f32 to vector<16xf32>
        %select_n3A_173 = arith.select %eq3A_168, %broadcast_in_dim3A_171, %broadcast_in_dim3A_172 : vector<16xi1>, vector<16xf32>
        %scan3A_174 = arith.constant 0 : i32
        %scan3A_175 = arith.constant 16 : i32
        %scan3A_176 = arith.addi %scan3A_174, %scan3A_175 : i32
        %scan3A_177 = arith.constant 1 : i32
        %scan3A_178 = scf.for %scan3A_180 = %scan3A_174 to %scan3A_176 step %scan3A_177 iter_args(%scan3A_181 = %scan3A_161) -> (vector<16xf32>)  : i32 {
          %mul3A_182 = arith.constant 8 : i32
          %mul3A_183 = arith.muli %scan3A_180, %mul3A_182 : i32
          %add3A_184 = arith.constant 0 : i32
          %add3A_185 = arith.addi %mul3A_183, %add3A_184 : i32
          %mul3A_186 = arith.constant 16 : i32
          %mul3A_187 = arith.muli %add3A_185, %mul3A_186 : i32
          %get3A = arith.index_cast %scan3A_160 : i32 to index
          %get3A_188 = arith.index_cast %mul3A_187 : i32 to index
          %get3A_189 = tpu.vector_load %arg11[%get3A, %get3A_188] {strides = array<i32>} : memref<8x2048xf32, #tpu.memory_space<vmem>>, vector<16xf32>,
          %get3A_190 = arith.index_cast %scan3A_160 : i32 to index
          %get3A_191 = arith.index_cast %mul3A_187 : i32 to index
          %get3A_192 = tpu.vector_load %arg12[%get3A_190, %get3A_191] {strides = array<i32>} : memref<8x2048xf32, #tpu.memory_space<vmem>>, vector<16xf32>,
          %sub3A_193 = arith.subf %get3A_189, %get3A_192 : vector<16xf32>
          %select_n3A_194 = arith.select %eq3A_165, %get3A_192, %select_n3A_173 : vector<16xi1>, vector<16xf32>
          %mul3A_195 = arith.mulf %select_n3A_194, %sub3A_193 : vector<16xf32>
          %mul3A_196 = arith.mulf %mul3A_195, %mul3A_195 : vector<16xf32>
          %add3A_197 = arith.addf %scan3A_181, %mul3A_196 : vector<16xf32>
          %mul3A_198 = arith.constant 8 : i32
          %mul3A_199 = arith.muli %scan3A_180, %mul3A_198 : i32
          %add3A_200 = arith.constant 1 : i32
          %add3A_201 = arith.addi %mul3A_199, %add3A_200 : i32
          %mul3A_202 = arith.constant 16 : i32
          %mul3A_203 = arith.muli %add3A_201, %mul3A_202 : i32
          %get3A_204 = arith.index_cast %scan3A_160 : i32 to index
          %get3A_205 = arith.index_cast %mul3A_203 : i32 to index
          %get3A_206 = tpu.vector_load %arg11[%get3A_204, %get3A_205] {strides = array<i32>} : memref<8x2048xf32, #tpu.memory_space<vmem>>, vector<16xf32>,
          %get3A_207 = arith.index_cast %scan3A_160 : i32 to index
          %get3A_208 = arith.index_cast %mul3A_203 : i32 to index
          %get3A_209 = tpu.vector_load %arg12[%get3A_207, %get3A_208] {strides = array<i32>} : memref<8x2048xf32, #tpu.memory_space<vmem>>, vector<16xf32>,
          %sub3A_210 = arith.subf %get3A_206, %get3A_209 : vector<16xf32>
          %select_n3A_211 = arith.select %eq3A_165, %get3A_209, %select_n3A_173 : vector<16xi1>, vector<16xf32>
          %mul3A_212 = arith.mulf %select_n3A_211, %sub3A_210 : vector<16xf32>
          %mul3A_213 = arith.mulf %mul3A_212, %mul3A_212 : vector<16xf32>
          %add3A_214 = arith.addf %add3A_197, %mul3A_213 : vector<16xf32>
          %mul3A_215 = arith.constant 8 : i32
          %mul3A_216 = arith.muli %scan3A_180, %mul3A_215 : i32
          %add3A_217 = arith.constant 2 : i32
          %add3A_218 = arith.addi %mul3A_216, %add3A_217 : i32
          %mul3A_219 = arith.constant 16 : i32
          %mul3A_220 = arith.muli %add3A_218, %mul3A_219 : i32
          %get3A_221 = arith.index_cast %scan3A_160 : i32 to index
          %get3A_222 = arith.index_cast %mul3A_220 : i32 to index
          %get3A_223 = tpu.vector_load %arg11[%get3A_221, %get3A_222] {strides = array<i32>} : memref<8x2048xf32, #tpu.memory_space<vmem>>, vector<16xf32>,
          %get3A_224 = arith.index_cast %scan3A_160 : i32 to index
          %get3A_225 = arith.index_cast %mul3A_220 : i32 to index
          %get3A_226 = tpu.vector_load %arg12[%get3A_224, %get3A_225] {strides = array<i32>} : memref<8x2048xf32, #tpu.memory_space<vmem>>, vector<16xf32>,
          %sub3A_227 = arith.subf %get3A_223, %get3A_226 : vector<16xf32>
          %select_n3A_228 = arith.select %eq3A_165, %get3A_226, %select_n3A_173 : vector<16xi1>, vector<16xf32>
          %mul3A_229 = arith.mulf %select_n3A_228, %sub3A_227 : vector<16xf32>
          %mul3A_230 = arith.mulf %mul3A_229, %mul3A_229 : vector<16xf32>
          %add3A_231 = arith.addf %add3A_214, %mul3A_230 : vector<16xf32>
          %mul3A_232 = arith.constant 8 : i32
          %mul3A_233 = arith.muli %scan3A_180, %mul3A_232 : i32
          %add3A_234 = arith.constant 3 : i32
          %add3A_235 = arith.addi %mul3A_233, %add3A_234 : i32
          %mul3A_236 = arith.constant 16 : i32
          %mul3A_237 = arith.muli %add3A_235, %mul3A_236 : i32
          %get3A_238 = arith.index_cast %scan3A_160 : i32 to index
          %get3A_239 = arith.index_cast %mul3A_237 : i32 to index
          %get3A_240 = tpu.vector_load %arg11[%get3A_238, %get3A_239] {strides = array<i32>} : memref<8x2048xf32, #tpu.memory_space<vmem>>, vector<16xf32>,
          %get3A_241 = arith.index_cast %scan3A_160 : i32 to index
          %get3A_242 = arith.index_cast %mul3A_237 : i32 to index
          %get3A_243 = tpu.vector_load %arg12[%get3A_241, %get3A_242] {strides = array<i32>} : memref<8x2048xf32, #tpu.memory_space<vmem>>, vector<16xf32>,
          %sub3A_244 = arith.subf %get3A_240, %get3A_243 : vector<16xf32>
          %select_n3A_245 = arith.select %eq3A_165, %get3A_243, %select_n3A_173 : vector<16xi1>, vector<16xf32>
          %mul3A_246 = arith.mulf %select_n3A_245, %sub3A_244 : vector<16xf32>
          %mul3A_247 = arith.mulf %mul3A_246, %mul3A_246 : vector<16xf32>
          %add3A_248 = arith.addf %add3A_231, %mul3A_247 : vector<16xf32>
          %mul3A_249 = arith.constant 8 : i32
          %mul3A_250 = arith.muli %scan3A_180, %mul3A_249 : i32
          %add3A_251 = arith.constant 4 : i32
          %add3A_252 = arith.addi %mul3A_250, %add3A_251 : i32
          %mul3A_253 = arith.constant 16 : i32
          %mul3A_254 = arith.muli %add3A_252, %mul3A_253 : i32
          %get3A_255 = arith.index_cast %scan3A_160 : i32 to index
          %get3A_256 = arith.index_cast %mul3A_254 : i32 to index
          %get3A_257 = tpu.vector_load %arg11[%get3A_255, %get3A_256] {strides = array<i32>} : memref<8x2048xf32, #tpu.memory_space<vmem>>, vector<16xf32>,
          %get3A_258 = arith.index_cast %scan3A_160 : i32 to index
          %get3A_259 = arith.index_cast %mul3A_254 : i32 to index
          %get3A_260 = tpu.vector_load %arg12[%get3A_258, %get3A_259] {strides = array<i32>} : memref<8x2048xf32, #tpu.memory_space<vmem>>, vector<16xf32>,
          %sub3A_261 = arith.subf %get3A_257, %get3A_260 : vector<16xf32>
          %select_n3A_262 = arith.select %eq3A_165, %get3A_260, %select_n3A_173 : vector<16xi1>, vector<16xf32>
          %mul3A_263 = arith.mulf %select_n3A_262, %sub3A_261 : vector<16xf32>
          %mul3A_264 = arith.mulf %mul3A_263, %mul3A_263 : vector<16xf32>
          %add3A_265 = arith.addf %add3A_248, %mul3A_264 : vector<16xf32>
          %mul3A_266 = arith.constant 8 : i32
          %mul3A_267 = arith.muli %scan3A_180, %mul3A_266 : i32
          %add3A_268 = arith.constant 5 : i32
          %add3A_269 = arith.addi %mul3A_267, %add3A_268 : i32
          %mul3A_270 = arith.constant 16 : i32
          %mul3A_271 = arith.muli %add3A_269, %mul3A_270 : i32
          %get3A_272 = arith.index_cast %scan3A_160 : i32 to index
          %get3A_273 = arith.index_cast %mul3A_271 : i32 to index
          %get3A_274 = tpu.vector_load %arg11[%get3A_272, %get3A_273] {strides = array<i32>} : memref<8x2048xf32, #tpu.memory_space<vmem>>, vector<16xf32>,
          %get3A_275 = arith.index_cast %scan3A_160 : i32 to index
          %get3A_276 = arith.index_cast %mul3A_271 : i32 to index
          %get3A_277 = tpu.vector_load %arg12[%get3A_275, %get3A_276] {strides = array<i32>} : memref<8x2048xf32, #tpu.memory_space<vmem>>, vector<16xf32>,
          %sub3A_278 = arith.subf %get3A_274, %get3A_277 : vector<16xf32>
          %select_n3A_279 = arith.select %eq3A_165, %get3A_277, %select_n3A_173 : vector<16xi1>, vector<16xf32>
          %mul3A_280 = arith.mulf %select_n3A_279, %sub3A_278 : vector<16xf32>
          %mul3A_281 = arith.mulf %mul3A_280, %mul3A_280 : vector<16xf32>
          %add3A_282 = arith.addf %add3A_265, %mul3A_281 : vector<16xf32>
          %mul3A_283 = arith.constant 8 : i32
          %mul3A_284 = arith.muli %scan3A_180, %mul3A_283 : i32
          %add3A_285 = arith.constant 6 : i32
          %add3A_286 = arith.addi %mul3A_284, %add3A_285 : i32
          %mul3A_287 = arith.constant 16 : i32
          %mul3A_288 = arith.muli %add3A_286, %mul3A_287 : i32
          %get3A_289 = arith.index_cast %scan3A_160 : i32 to index
          %get3A_290 = arith.index_cast %mul3A_288 : i32 to index
          %get3A_291 = tpu.vector_load %arg11[%get3A_289, %get3A_290] {strides = array<i32>} : memref<8x2048xf32, #tpu.memory_space<vmem>>, vector<16xf32>,
          %get3A_292 = arith.index_cast %scan3A_160 : i32 to index
          %get3A_293 = arith.index_cast %mul3A_288 : i32 to index
          %get3A_294 = tpu.vector_load %arg12[%get3A_292, %get3A_293] {strides = array<i32>} : memref<8x2048xf32, #tpu.memory_space<vmem>>, vector<16xf32>,
          %sub3A_295 = arith.subf %get3A_291, %get3A_294 : vector<16xf32>
          %select_n3A_296 = arith.select %eq3A_165, %get3A_294, %select_n3A_173 : vector<16xi1>, vector<16xf32>
          %mul3A_297 = arith.mulf %select_n3A_296, %sub3A_295 : vector<16xf32>
          %mul3A_298 = arith.mulf %mul3A_297, %mul3A_297 : vector<16xf32>
          %add3A_299 = arith.addf %add3A_282, %mul3A_298 : vector<16xf32>
          %mul3A_300 = arith.constant 8 : i32
          %mul3A_301 = arith.muli %scan3A_180, %mul3A_300 : i32
          %add3A_302 = arith.constant 7 : i32
          %add3A_303 = arith.addi %mul3A_301, %add3A_302 : i32
          %mul3A_304 = arith.constant 16 : i32
          %mul3A_305 = arith.muli %add3A_303, %mul3A_304 : i32
          %get3A_306 = arith.index_cast %scan3A_160 : i32 to index
          %get3A_307 = arith.index_cast %mul3A_305 : i32 to index
          %get3A_308 = tpu.vector_load %arg11[%get3A_306, %get3A_307] {strides = array<i32>} : memref<8x2048xf32, #tpu.memory_space<vmem>>, vector<16xf32>,
          %get3A_309 = arith.index_cast %scan3A_160 : i32 to index
          %get3A_310 = arith.index_cast %mul3A_305 : i32 to index
          %get3A_311 = tpu.vector_load %arg12[%get3A_309, %get3A_310] {strides = array<i32>} : memref<8x2048xf32, #tpu.memory_space<vmem>>, vector<16xf32>,
          %sub3A_312 = arith.subf %get3A_308, %get3A_311 : vector<16xf32>
          %select_n3A_313 = arith.select %eq3A_165, %get3A_311, %select_n3A_173 : vector<16xi1>, vector<16xf32>
          %mul3A_314 = arith.mulf %select_n3A_313, %sub3A_312 : vector<16xf32>
          %mul3A_315 = arith.mulf %mul3A_314, %mul3A_314 : vector<16xf32>
          %add3A_316 = arith.addf %add3A_299, %mul3A_315 : vector<16xf32>
          scf.yield %add3A_316 : vector<16xf32>
        }
        %scan3A_179 = arith.constant 16 : i32
        scf.yield %scan3A_178 : vector<16xf32>
      }
      %scan3A_132 = arith.constant 8 : i32
      %add3A_133 = arith.constant 3 : i32
      %add3A_134 = arith.addi %add3A_119, %add3A_133 : i32
      %lt3A_135 = arith.cmpi slt, %add3A_134, %select_n3A : i32
      %convert_element_type3A_136 = arith.extui %lt3A_135 : i1 to i32
      %cond3A_137 = arith.constant 0 : i32
      %cond3A_138 = arith.cmpi ne, %convert_element_type3A_136, %cond3A_137 : i32
      scf.if %cond3A_138 {
        %add3A_160 = arith.constant 3 : i32
        %add3A_161 = arith.addi %add3A_119, %add3A_160 : i32
        %mul3A_162 = arith.constant 8 : i32
        %mul3A_163 = arith.muli %add3A_161, %mul3A_162 : i32
        %multiple_of3A_164 = tpu.assume_multiple %mul3A_163, 8 : i32
        %dma_start3A = tpu.memref_slice %arg7[%multiple_of3A_164] : memref<144xi32, #tpu.memory_space<vmem>> -> memref<8xi32, #tpu.memory_space<vmem>>
        %dma_start3A_165 = arith.constant 0 : i32
        %dma_start3A_166 = arith.constant 0 : i32
        %dma_start3A_167 = tpu.memref_slice %arg2[%dma_start3A_165, %dma_start3A_166] : memref<8192x2048xf32, #tpu.memory_space<hbm>> -> memref<8192x2048xf32, #tpu.memory_space<hbm>>
        tpu.enqueue_indirect_dma source(%dma_start3A_167 : memref<8192x2048xf32, #tpu.memory_space<hbm>>) target(%arg11 : memref<8x2048xf32, #tpu.memory_space<vmem>>) offsets(%dma_start3A : memref<8xi32, #tpu.memory_space<vmem>>) semaphore(%arg18 : memref<!tpu.dma_semaphore, #tpu.memory_space<semaphore_mem>>)
        %dma_start3A_168 = tpu.memref_slice %arg7[%multiple_of3A_164] : memref<144xi32, #tpu.memory_space<vmem>> -> memref<8xi32, #tpu.memory_space<vmem>>
        %dma_start3A_169 = arith.constant 0 : i32
        %dma_start3A_170 = arith.constant 0 : i32
        %dma_start3A_171 = tpu.memref_slice %arg3[%dma_start3A_169, %dma_start3A_170] : memref<8192x2048xf32, #tpu.memory_space<hbm>> -> memref<8192x2048xf32, #tpu.memory_space<hbm>>
        tpu.enqueue_indirect_dma source(%dma_start3A_171 : memref<8192x2048xf32, #tpu.memory_space<hbm>>) target(%arg12 : memref<8x2048xf32, #tpu.memory_space<vmem>>) offsets(%dma_start3A_168 : memref<8xi32, #tpu.memory_space<vmem>>) semaphore(%arg19 : memref<!tpu.dma_semaphore, #tpu.memory_space<semaphore_mem>>)
      } else {
      }
      %add3A_139 = arith.constant 2 : i32
      %add3A_140 = arith.addi %mul3A_97, %add3A_139 : i32
      %lt3A_141 = arith.cmpi slt, %add3A_140, %select_n3A : i32
      %convert_element_type3A_142 = arith.extui %lt3A_141 : i1 to i32
      %cond3A_143 = arith.constant 0 : i32
      %cond3A_144 = arith.cmpi ne, %convert_element_type3A_142, %cond3A_143 : i32
      scf.if %cond3A_144 {
        %dma_wait3A = arith.constant 0 : i32
        %dma_wait3A_160 = tpu.memref_slice %arg7[%dma_wait3A] : memref<144xi32, #tpu.memory_space<vmem>> -> memref<8xi32, #tpu.memory_space<vmem>>
        %dma_wait3A_161 = arith.constant 0 : i32
        %dma_wait3A_162 = arith.constant 0 : i32
        %dma_wait3A_163 = tpu.memref_slice %arg2[%dma_wait3A_161, %dma_wait3A_162] : memref<8192x2048xf32, #tpu.memory_space<hbm>> -> memref<8192x2048xf32, #tpu.memory_space<hbm>>
        tpu.wait_indirect_dma semaphore(%arg20 : memref<!tpu.dma_semaphore, #tpu.memory_space<semaphore_mem>>) src(%dma_wait3A_163 : memref<8192x2048xf32, #tpu.memory_space<hbm>>) dst(%arg13 : memref<8x2048xf32, #tpu.memory_space<vmem>>)
        %dma_wait3A_164 = arith.constant 0 : i32
        %dma_wait3A_165 = tpu.memref_slice %arg7[%dma_wait3A_164] : memref<144xi32, #tpu.memory_space<vmem>> -> memref<8xi32, #tpu.memory_space<vmem>>
        %dma_wait3A_166 = arith.constant 0 : i32
        %dma_wait3A_167 = arith.constant 0 : i32
        %dma_wait3A_168 = tpu.memref_slice %arg3[%dma_wait3A_166, %dma_wait3A_167] : memref<8192x2048xf32, #tpu.memory_space<hbm>> -> memref<8192x2048xf32, #tpu.memory_space<hbm>>
        tpu.wait_indirect_dma semaphore(%arg21 : memref<!tpu.dma_semaphore, #tpu.memory_space<semaphore_mem>>) src(%dma_wait3A_168 : memref<8192x2048xf32, #tpu.memory_space<hbm>>) dst(%arg14 : memref<8x2048xf32, #tpu.memory_space<vmem>>)
      } else {
      }
      %mul3A_145 = arith.constant 8 : i32
      %mul3A_146 = arith.muli %add3A_140, %mul3A_145 : i32
      %multiple_of3A_147 = tpu.assume_multiple %mul3A_146, 8 : i32
      %scan3A_148 = arith.constant 0 : i32
      %scan3A_149 = arith.constant 8 : i32
      %scan3A_150 = arith.addi %scan3A_148, %scan3A_149 : i32
      %scan3A_151 = arith.constant 1 : i32
      %scan3A_152 = scf.for %scan3A_160 = %scan3A_148 to %scan3A_150 step %scan3A_151 iter_args(%scan3A_161 = %scan3A_131) -> (vector<16xf32>)  : i32 {
        %add3A_162 = arith.addi %multiple_of3A_147, %scan3A_160 : i32
        %broadcast_in_dim3A_163 = vector.broadcast %add3A_162 : i32 to vector<16xi32>
        %gather3A = tpu.vector_load_idx %arg8[%broadcast_in_dim3A_163] : memref<144xi32, #tpu.memory_space<vmem>>[vector<16xi32>], vector<16xi32>,
        %eq3A = arith.constant 1 : i32
        %eq3A_164 = vector.broadcast %eq3A : i32 to vector<16xi32>
        %eq3A_165 = arith.cmpi eq, %gather3A, %eq3A_164 : vector<16xi32>
        %eq3A_166 = arith.constant 2 : i32
        %eq3A_167 = vector.broadcast %eq3A_166 : i32 to vector<16xi32>
        %eq3A_168 = arith.cmpi eq, %gather3A, %eq3A_167 : vector<16xi32>
        %jit3A_169 = arith.constant 1.000000e+00 : f32
        %jit3A_170 = arith.constant 0.000000e+00 : f32
        %broadcast_in_dim3A_171 = vector.broadcast %jit3A_169 : f32 to vector<16xf32>
        %broadcast_in_dim3A_172 = vector.broadcast %jit3A_170 : f32 to vector<16xf32>
        %select_n3A_173 = arith.select %eq3A_168, %broadcast_in_dim3A_171, %broadcast_in_dim3A_172 : vector<16xi1>, vector<16xf32>
        %scan3A_174 = arith.constant 0 : i32
        %scan3A_175 = arith.constant 16 : i32
        %scan3A_176 = arith.addi %scan3A_174, %scan3A_175 : i32
        %scan3A_177 = arith.constant 1 : i32
        %scan3A_178 = scf.for %scan3A_180 = %scan3A_174 to %scan3A_176 step %scan3A_177 iter_args(%scan3A_181 = %scan3A_161) -> (vector<16xf32>)  : i32 {
          %mul3A_182 = arith.constant 8 : i32
          %mul3A_183 = arith.muli %scan3A_180, %mul3A_182 : i32
          %add3A_184 = arith.constant 0 : i32
          %add3A_185 = arith.addi %mul3A_183, %add3A_184 : i32
          %mul3A_186 = arith.constant 16 : i32
          %mul3A_187 = arith.muli %add3A_185, %mul3A_186 : i32
          %get3A = arith.index_cast %scan3A_160 : i32 to index
          %get3A_188 = arith.index_cast %mul3A_187 : i32 to index
          %get3A_189 = tpu.vector_load %arg13[%get3A, %get3A_188] {strides = array<i32>} : memref<8x2048xf32, #tpu.memory_space<vmem>>, vector<16xf32>,
          %get3A_190 = arith.index_cast %scan3A_160 : i32 to index
          %get3A_191 = arith.index_cast %mul3A_187 : i32 to index
          %get3A_192 = tpu.vector_load %arg14[%get3A_190, %get3A_191] {strides = array<i32>} : memref<8x2048xf32, #tpu.memory_space<vmem>>, vector<16xf32>,
          %sub3A_193 = arith.subf %get3A_189, %get3A_192 : vector<16xf32>
          %select_n3A_194 = arith.select %eq3A_165, %get3A_192, %select_n3A_173 : vector<16xi1>, vector<16xf32>
          %mul3A_195 = arith.mulf %select_n3A_194, %sub3A_193 : vector<16xf32>
          %mul3A_196 = arith.mulf %mul3A_195, %mul3A_195 : vector<16xf32>
          %add3A_197 = arith.addf %scan3A_181, %mul3A_196 : vector<16xf32>
          %mul3A_198 = arith.constant 8 : i32
          %mul3A_199 = arith.muli %scan3A_180, %mul3A_198 : i32
          %add3A_200 = arith.constant 1 : i32
          %add3A_201 = arith.addi %mul3A_199, %add3A_200 : i32
          %mul3A_202 = arith.constant 16 : i32
          %mul3A_203 = arith.muli %add3A_201, %mul3A_202 : i32
          %get3A_204 = arith.index_cast %scan3A_160 : i32 to index
          %get3A_205 = arith.index_cast %mul3A_203 : i32 to index
          %get3A_206 = tpu.vector_load %arg13[%get3A_204, %get3A_205] {strides = array<i32>} : memref<8x2048xf32, #tpu.memory_space<vmem>>, vector<16xf32>,
          %get3A_207 = arith.index_cast %scan3A_160 : i32 to index
          %get3A_208 = arith.index_cast %mul3A_203 : i32 to index
          %get3A_209 = tpu.vector_load %arg14[%get3A_207, %get3A_208] {strides = array<i32>} : memref<8x2048xf32, #tpu.memory_space<vmem>>, vector<16xf32>,
          %sub3A_210 = arith.subf %get3A_206, %get3A_209 : vector<16xf32>
          %select_n3A_211 = arith.select %eq3A_165, %get3A_209, %select_n3A_173 : vector<16xi1>, vector<16xf32>
          %mul3A_212 = arith.mulf %select_n3A_211, %sub3A_210 : vector<16xf32>
          %mul3A_213 = arith.mulf %mul3A_212, %mul3A_212 : vector<16xf32>
          %add3A_214 = arith.addf %add3A_197, %mul3A_213 : vector<16xf32>
          %mul3A_215 = arith.constant 8 : i32
          %mul3A_216 = arith.muli %scan3A_180, %mul3A_215 : i32
          %add3A_217 = arith.constant 2 : i32
          %add3A_218 = arith.addi %mul3A_216, %add3A_217 : i32
          %mul3A_219 = arith.constant 16 : i32
          %mul3A_220 = arith.muli %add3A_218, %mul3A_219 : i32
          %get3A_221 = arith.index_cast %scan3A_160 : i32 to index
          %get3A_222 = arith.index_cast %mul3A_220 : i32 to index
          %get3A_223 = tpu.vector_load %arg13[%get3A_221, %get3A_222] {strides = array<i32>} : memref<8x2048xf32, #tpu.memory_space<vmem>>, vector<16xf32>,
          %get3A_224 = arith.index_cast %scan3A_160 : i32 to index
          %get3A_225 = arith.index_cast %mul3A_220 : i32 to index
          %get3A_226 = tpu.vector_load %arg14[%get3A_224, %get3A_225] {strides = array<i32>} : memref<8x2048xf32, #tpu.memory_space<vmem>>, vector<16xf32>,
          %sub3A_227 = arith.subf %get3A_223, %get3A_226 : vector<16xf32>
          %select_n3A_228 = arith.select %eq3A_165, %get3A_226, %select_n3A_173 : vector<16xi1>, vector<16xf32>
          %mul3A_229 = arith.mulf %select_n3A_228, %sub3A_227 : vector<16xf32>
          %mul3A_230 = arith.mulf %mul3A_229, %mul3A_229 : vector<16xf32>
          %add3A_231 = arith.addf %add3A_214, %mul3A_230 : vector<16xf32>
          %mul3A_232 = arith.constant 8 : i32
          %mul3A_233 = arith.muli %scan3A_180, %mul3A_232 : i32
          %add3A_234 = arith.constant 3 : i32
          %add3A_235 = arith.addi %mul3A_233, %add3A_234 : i32
          %mul3A_236 = arith.constant 16 : i32
          %mul3A_237 = arith.muli %add3A_235, %mul3A_236 : i32
          %get3A_238 = arith.index_cast %scan3A_160 : i32 to index
          %get3A_239 = arith.index_cast %mul3A_237 : i32 to index
          %get3A_240 = tpu.vector_load %arg13[%get3A_238, %get3A_239] {strides = array<i32>} : memref<8x2048xf32, #tpu.memory_space<vmem>>, vector<16xf32>,
          %get3A_241 = arith.index_cast %scan3A_160 : i32 to index
          %get3A_242 = arith.index_cast %mul3A_237 : i32 to index
          %get3A_243 = tpu.vector_load %arg14[%get3A_241, %get3A_242] {strides = array<i32>} : memref<8x2048xf32, #tpu.memory_space<vmem>>, vector<16xf32>,
          %sub3A_244 = arith.subf %get3A_240, %get3A_243 : vector<16xf32>
          %select_n3A_245 = arith.select %eq3A_165, %get3A_243, %select_n3A_173 : vector<16xi1>, vector<16xf32>
          %mul3A_246 = arith.mulf %select_n3A_245, %sub3A_244 : vector<16xf32>
          %mul3A_247 = arith.mulf %mul3A_246, %mul3A_246 : vector<16xf32>
          %add3A_248 = arith.addf %add3A_231, %mul3A_247 : vector<16xf32>
          %mul3A_249 = arith.constant 8 : i32
          %mul3A_250 = arith.muli %scan3A_180, %mul3A_249 : i32
          %add3A_251 = arith.constant 4 : i32
          %add3A_252 = arith.addi %mul3A_250, %add3A_251 : i32
          %mul3A_253 = arith.constant 16 : i32
          %mul3A_254 = arith.muli %add3A_252, %mul3A_253 : i32
          %get3A_255 = arith.index_cast %scan3A_160 : i32 to index
          %get3A_256 = arith.index_cast %mul3A_254 : i32 to index
          %get3A_257 = tpu.vector_load %arg13[%get3A_255, %get3A_256] {strides = array<i32>} : memref<8x2048xf32, #tpu.memory_space<vmem>>, vector<16xf32>,
          %get3A_258 = arith.index_cast %scan3A_160 : i32 to index
          %get3A_259 = arith.index_cast %mul3A_254 : i32 to index
          %get3A_260 = tpu.vector_load %arg14[%get3A_258, %get3A_259] {strides = array<i32>} : memref<8x2048xf32, #tpu.memory_space<vmem>>, vector<16xf32>,
          %sub3A_261 = arith.subf %get3A_257, %get3A_260 : vector<16xf32>
          %select_n3A_262 = arith.select %eq3A_165, %get3A_260, %select_n3A_173 : vector<16xi1>, vector<16xf32>
          %mul3A_263 = arith.mulf %select_n3A_262, %sub3A_261 : vector<16xf32>
          %mul3A_264 = arith.mulf %mul3A_263, %mul3A_263 : vector<16xf32>
          %add3A_265 = arith.addf %add3A_248, %mul3A_264 : vector<16xf32>
          %mul3A_266 = arith.constant 8 : i32
          %mul3A_267 = arith.muli %scan3A_180, %mul3A_266 : i32
          %add3A_268 = arith.constant 5 : i32
          %add3A_269 = arith.addi %mul3A_267, %add3A_268 : i32
          %mul3A_270 = arith.constant 16 : i32
          %mul3A_271 = arith.muli %add3A_269, %mul3A_270 : i32
          %get3A_272 = arith.index_cast %scan3A_160 : i32 to index
          %get3A_273 = arith.index_cast %mul3A_271 : i32 to index
          %get3A_274 = tpu.vector_load %arg13[%get3A_272, %get3A_273] {strides = array<i32>} : memref<8x2048xf32, #tpu.memory_space<vmem>>, vector<16xf32>,
          %get3A_275 = arith.index_cast %scan3A_160 : i32 to index
          %get3A_276 = arith.index_cast %mul3A_271 : i32 to index
          %get3A_277 = tpu.vector_load %arg14[%get3A_275, %get3A_276] {strides = array<i32>} : memref<8x2048xf32, #tpu.memory_space<vmem>>, vector<16xf32>,
          %sub3A_278 = arith.subf %get3A_274, %get3A_277 : vector<16xf32>
          %select_n3A_279 = arith.select %eq3A_165, %get3A_277, %select_n3A_173 : vector<16xi1>, vector<16xf32>
          %mul3A_280 = arith.mulf %select_n3A_279, %sub3A_278 : vector<16xf32>
          %mul3A_281 = arith.mulf %mul3A_280, %mul3A_280 : vector<16xf32>
          %add3A_282 = arith.addf %add3A_265, %mul3A_281 : vector<16xf32>
          %mul3A_283 = arith.constant 8 : i32
          %mul3A_284 = arith.muli %scan3A_180, %mul3A_283 : i32
          %add3A_285 = arith.constant 6 : i32
          %add3A_286 = arith.addi %mul3A_284, %add3A_285 : i32
          %mul3A_287 = arith.constant 16 : i32
          %mul3A_288 = arith.muli %add3A_286, %mul3A_287 : i32
          %get3A_289 = arith.index_cast %scan3A_160 : i32 to index
          %get3A_290 = arith.index_cast %mul3A_288 : i32 to index
          %get3A_291 = tpu.vector_load %arg13[%get3A_289, %get3A_290] {strides = array<i32>} : memref<8x2048xf32, #tpu.memory_space<vmem>>, vector<16xf32>,
          %get3A_292 = arith.index_cast %scan3A_160 : i32 to index
          %get3A_293 = arith.index_cast %mul3A_288 : i32 to index
          %get3A_294 = tpu.vector_load %arg14[%get3A_292, %get3A_293] {strides = array<i32>} : memref<8x2048xf32, #tpu.memory_space<vmem>>, vector<16xf32>,
          %sub3A_295 = arith.subf %get3A_291, %get3A_294 : vector<16xf32>
          %select_n3A_296 = arith.select %eq3A_165, %get3A_294, %select_n3A_173 : vector<16xi1>, vector<16xf32>
          %mul3A_297 = arith.mulf %select_n3A_296, %sub3A_295 : vector<16xf32>
          %mul3A_298 = arith.mulf %mul3A_297, %mul3A_297 : vector<16xf32>
          %add3A_299 = arith.addf %add3A_282, %mul3A_298 : vector<16xf32>
          %mul3A_300 = arith.constant 8 : i32
          %mul3A_301 = arith.muli %scan3A_180, %mul3A_300 : i32
          %add3A_302 = arith.constant 7 : i32
          %add3A_303 = arith.addi %mul3A_301, %add3A_302 : i32
          %mul3A_304 = arith.constant 16 : i32
          %mul3A_305 = arith.muli %add3A_303, %mul3A_304 : i32
          %get3A_306 = arith.index_cast %scan3A_160 : i32 to index
          %get3A_307 = arith.index_cast %mul3A_305 : i32 to index
          %get3A_308 = tpu.vector_load %arg13[%get3A_306, %get3A_307] {strides = array<i32>} : memref<8x2048xf32, #tpu.memory_space<vmem>>, vector<16xf32>,
          %get3A_309 = arith.index_cast %scan3A_160 : i32 to index
          %get3A_310 = arith.index_cast %mul3A_305 : i32 to index
          %get3A_311 = tpu.vector_load %arg14[%get3A_309, %get3A_310] {strides = array<i32>} : memref<8x2048xf32, #tpu.memory_space<vmem>>, vector<16xf32>,
          %sub3A_312 = arith.subf %get3A_308, %get3A_311 : vector<16xf32>
          %select_n3A_313 = arith.select %eq3A_165, %get3A_311, %select_n3A_173 : vector<16xi1>, vector<16xf32>
          %mul3A_314 = arith.mulf %select_n3A_313, %sub3A_312 : vector<16xf32>
          %mul3A_315 = arith.mulf %mul3A_314, %mul3A_314 : vector<16xf32>
          %add3A_316 = arith.addf %add3A_299, %mul3A_315 : vector<16xf32>
          scf.yield %add3A_316 : vector<16xf32>
        }
        %scan3A_179 = arith.constant 16 : i32
        scf.yield %scan3A_178 : vector<16xf32>
      }
      %scan3A_153 = arith.constant 8 : i32
      %add3A_154 = arith.constant 3 : i32
      %add3A_155 = arith.addi %add3A_140, %add3A_154 : i32
      %lt3A_156 = arith.cmpi slt, %add3A_155, %select_n3A : i32
      %convert_element_type3A_157 = arith.extui %lt3A_156 : i1 to i32
      %cond3A_158 = arith.constant 0 : i32
      %cond3A_159 = arith.cmpi ne, %convert_element_type3A_157, %cond3A_158 : i32
      scf.if %cond3A_159 {
        %add3A_160 = arith.constant 3 : i32
        %add3A_161 = arith.addi %add3A_140, %add3A_160 : i32
        %mul3A_162 = arith.constant 8 : i32
        %mul3A_163 = arith.muli %add3A_161, %mul3A_162 : i32
        %multiple_of3A_164 = tpu.assume_multiple %mul3A_163, 8 : i32
        %dma_start3A = tpu.memref_slice %arg7[%multiple_of3A_164] : memref<144xi32, #tpu.memory_space<vmem>> -> memref<8xi32, #tpu.memory_space<vmem>>
        %dma_start3A_165 = arith.constant 0 : i32
        %dma_start3A_166 = arith.constant 0 : i32
        %dma_start3A_167 = tpu.memref_slice %arg2[%dma_start3A_165, %dma_start3A_166] : memref<8192x2048xf32, #tpu.memory_space<hbm>> -> memref<8192x2048xf32, #tpu.memory_space<hbm>>
        tpu.enqueue_indirect_dma source(%dma_start3A_167 : memref<8192x2048xf32, #tpu.memory_space<hbm>>) target(%arg13 : memref<8x2048xf32, #tpu.memory_space<vmem>>) offsets(%dma_start3A : memref<8xi32, #tpu.memory_space<vmem>>) semaphore(%arg20 : memref<!tpu.dma_semaphore, #tpu.memory_space<semaphore_mem>>)
        %dma_start3A_168 = tpu.memref_slice %arg7[%multiple_of3A_164] : memref<144xi32, #tpu.memory_space<vmem>> -> memref<8xi32, #tpu.memory_space<vmem>>
        %dma_start3A_169 = arith.constant 0 : i32
        %dma_start3A_170 = arith.constant 0 : i32
        %dma_start3A_171 = tpu.memref_slice %arg3[%dma_start3A_169, %dma_start3A_170] : memref<8192x2048xf32, #tpu.memory_space<hbm>> -> memref<8192x2048xf32, #tpu.memory_space<hbm>>
        tpu.enqueue_indirect_dma source(%dma_start3A_171 : memref<8192x2048xf32, #tpu.memory_space<hbm>>) target(%arg14 : memref<8x2048xf32, #tpu.memory_space<vmem>>) offsets(%dma_start3A_168 : memref<8xi32, #tpu.memory_space<vmem>>) semaphore(%arg21 : memref<!tpu.dma_semaphore, #tpu.memory_space<semaphore_mem>>)
      } else {
      }
      scf.yield %scan3A_152 : vector<16xf32>
    }
    %while3A_91 = arith.constant 1 : i32
    %while3A_92 = scf.for %while3A_94 = %while3A_88 to %while3A_84 step %while3A_91 iter_args(%while3A_95 = %while3A_90) -> (vector<16xf32>)  : i32 {
      %mul3A_96 = arith.constant 3 : i32
      %mul3A_97 = arith.muli %while3A_94, %mul3A_96 : i32
      %add3A_98 = arith.constant 0 : i32
      %add3A_99 = arith.addi %mul3A_97, %add3A_98 : i32
      %lt3A_100 = arith.cmpi slt, %add3A_99, %select_n3A : i32
      %convert_element_type3A_101 = arith.extui %lt3A_100 : i1 to i32
      %cond3A_102 = arith.constant 0 : i32
      %cond3A_103 = arith.cmpi ne, %convert_element_type3A_101, %cond3A_102 : i32
      scf.if %cond3A_103 {
        %dma_wait3A = arith.constant 0 : i32
        %dma_wait3A_160 = tpu.memref_slice %arg7[%dma_wait3A] : memref<144xi32, #tpu.memory_space<vmem>> -> memref<8xi32, #tpu.memory_space<vmem>>
        %dma_wait3A_161 = arith.constant 0 : i32
        %dma_wait3A_162 = arith.constant 0 : i32
        %dma_wait3A_163 = tpu.memref_slice %arg2[%dma_wait3A_161, %dma_wait3A_162] : memref<8192x2048xf32, #tpu.memory_space<hbm>> -> memref<8192x2048xf32, #tpu.memory_space<hbm>>
        tpu.wait_indirect_dma semaphore(%arg16 : memref<!tpu.dma_semaphore, #tpu.memory_space<semaphore_mem>>) src(%dma_wait3A_163 : memref<8192x2048xf32, #tpu.memory_space<hbm>>) dst(%arg9 : memref<8x2048xf32, #tpu.memory_space<vmem>>)
        %dma_wait3A_164 = arith.constant 0 : i32
        %dma_wait3A_165 = tpu.memref_slice %arg7[%dma_wait3A_164] : memref<144xi32, #tpu.memory_space<vmem>> -> memref<8xi32, #tpu.memory_space<vmem>>
        %dma_wait3A_166 = arith.constant 0 : i32
        %dma_wait3A_167 = arith.constant 0 : i32
        %dma_wait3A_168 = tpu.memref_slice %arg3[%dma_wait3A_166, %dma_wait3A_167] : memref<8192x2048xf32, #tpu.memory_space<hbm>> -> memref<8192x2048xf32, #tpu.memory_space<hbm>>
        tpu.wait_indirect_dma semaphore(%arg17 : memref<!tpu.dma_semaphore, #tpu.memory_space<semaphore_mem>>) src(%dma_wait3A_168 : memref<8192x2048xf32, #tpu.memory_space<hbm>>) dst(%arg10 : memref<8x2048xf32, #tpu.memory_space<vmem>>)
      } else {
      }
      %mul3A_104 = arith.constant 8 : i32
      %mul3A_105 = arith.muli %add3A_99, %mul3A_104 : i32
      %multiple_of3A = tpu.assume_multiple %mul3A_105, 8 : i32
      %scan3A_106 = arith.constant 0 : i32
      %scan3A_107 = arith.constant 8 : i32
      %scan3A_108 = arith.addi %scan3A_106, %scan3A_107 : i32
      %scan3A_109 = arith.constant 1 : i32
      %scan3A_110 = scf.for %scan3A_160 = %scan3A_106 to %scan3A_108 step %scan3A_109 iter_args(%scan3A_161 = %while3A_95) -> (vector<16xf32>)  : i32 {
        %add3A_162 = arith.addi %multiple_of3A, %scan3A_160 : i32
        %broadcast_in_dim3A_163 = vector.broadcast %add3A_162 : i32 to vector<16xi32>
        %gather3A = tpu.vector_load_idx %arg8[%broadcast_in_dim3A_163] : memref<144xi32, #tpu.memory_space<vmem>>[vector<16xi32>], vector<16xi32>,
        %eq3A = arith.constant 1 : i32
        %eq3A_164 = vector.broadcast %eq3A : i32 to vector<16xi32>
        %eq3A_165 = arith.cmpi eq, %gather3A, %eq3A_164 : vector<16xi32>
        %eq3A_166 = arith.constant 2 : i32
        %eq3A_167 = vector.broadcast %eq3A_166 : i32 to vector<16xi32>
        %eq3A_168 = arith.cmpi eq, %gather3A, %eq3A_167 : vector<16xi32>
        %jit3A_169 = arith.constant 1.000000e+00 : f32
        %jit3A_170 = arith.constant 0.000000e+00 : f32
        %broadcast_in_dim3A_171 = vector.broadcast %jit3A_169 : f32 to vector<16xf32>
        %broadcast_in_dim3A_172 = vector.broadcast %jit3A_170 : f32 to vector<16xf32>
        %select_n3A_173 = arith.select %eq3A_168, %broadcast_in_dim3A_171, %broadcast_in_dim3A_172 : vector<16xi1>, vector<16xf32>
        %scan3A_174 = arith.constant 0 : i32
        %scan3A_175 = arith.constant 16 : i32
        %scan3A_176 = arith.addi %scan3A_174, %scan3A_175 : i32
        %scan3A_177 = arith.constant 1 : i32
        %scan3A_178 = scf.for %scan3A_180 = %scan3A_174 to %scan3A_176 step %scan3A_177 iter_args(%scan3A_181 = %scan3A_161) -> (vector<16xf32>)  : i32 {
          %mul3A_182 = arith.constant 8 : i32
          %mul3A_183 = arith.muli %scan3A_180, %mul3A_182 : i32
          %add3A_184 = arith.constant 0 : i32
          %add3A_185 = arith.addi %mul3A_183, %add3A_184 : i32
          %mul3A_186 = arith.constant 16 : i32
          %mul3A_187 = arith.muli %add3A_185, %mul3A_186 : i32
          %get3A = arith.index_cast %scan3A_160 : i32 to index
          %get3A_188 = arith.index_cast %mul3A_187 : i32 to index
          %get3A_189 = tpu.vector_load %arg9[%get3A, %get3A_188] {strides = array<i32>} : memref<8x2048xf32, #tpu.memory_space<vmem>>, vector<16xf32>,
          %get3A_190 = arith.index_cast %scan3A_160 : i32 to index
          %get3A_191 = arith.index_cast %mul3A_187 : i32 to index
          %get3A_192 = tpu.vector_load %arg10[%get3A_190, %get3A_191] {strides = array<i32>} : memref<8x2048xf32, #tpu.memory_space<vmem>>, vector<16xf32>,
          %sub3A_193 = arith.subf %get3A_189, %get3A_192 : vector<16xf32>
          %select_n3A_194 = arith.select %eq3A_165, %get3A_192, %select_n3A_173 : vector<16xi1>, vector<16xf32>
          %mul3A_195 = arith.mulf %select_n3A_194, %sub3A_193 : vector<16xf32>
          %mul3A_196 = arith.mulf %mul3A_195, %mul3A_195 : vector<16xf32>
          %add3A_197 = arith.addf %scan3A_181, %mul3A_196 : vector<16xf32>
          %mul3A_198 = arith.constant 8 : i32
          %mul3A_199 = arith.muli %scan3A_180, %mul3A_198 : i32
          %add3A_200 = arith.constant 1 : i32
          %add3A_201 = arith.addi %mul3A_199, %add3A_200 : i32
          %mul3A_202 = arith.constant 16 : i32
          %mul3A_203 = arith.muli %add3A_201, %mul3A_202 : i32
          %get3A_204 = arith.index_cast %scan3A_160 : i32 to index
          %get3A_205 = arith.index_cast %mul3A_203 : i32 to index
          %get3A_206 = tpu.vector_load %arg9[%get3A_204, %get3A_205] {strides = array<i32>} : memref<8x2048xf32, #tpu.memory_space<vmem>>, vector<16xf32>,
          %get3A_207 = arith.index_cast %scan3A_160 : i32 to index
          %get3A_208 = arith.index_cast %mul3A_203 : i32 to index
          %get3A_209 = tpu.vector_load %arg10[%get3A_207, %get3A_208] {strides = array<i32>} : memref<8x2048xf32, #tpu.memory_space<vmem>>, vector<16xf32>,
          %sub3A_210 = arith.subf %get3A_206, %get3A_209 : vector<16xf32>
          %select_n3A_211 = arith.select %eq3A_165, %get3A_209, %select_n3A_173 : vector<16xi1>, vector<16xf32>
          %mul3A_212 = arith.mulf %select_n3A_211, %sub3A_210 : vector<16xf32>
          %mul3A_213 = arith.mulf %mul3A_212, %mul3A_212 : vector<16xf32>
          %add3A_214 = arith.addf %add3A_197, %mul3A_213 : vector<16xf32>
          %mul3A_215 = arith.constant 8 : i32
          %mul3A_216 = arith.muli %scan3A_180, %mul3A_215 : i32
          %add3A_217 = arith.constant 2 : i32
          %add3A_218 = arith.addi %mul3A_216, %add3A_217 : i32
          %mul3A_219 = arith.constant 16 : i32
          %mul3A_220 = arith.muli %add3A_218, %mul3A_219 : i32
          %get3A_221 = arith.index_cast %scan3A_160 : i32 to index
          %get3A_222 = arith.index_cast %mul3A_220 : i32 to index
          %get3A_223 = tpu.vector_load %arg9[%get3A_221, %get3A_222] {strides = array<i32>} : memref<8x2048xf32, #tpu.memory_space<vmem>>, vector<16xf32>,
          %get3A_224 = arith.index_cast %scan3A_160 : i32 to index
          %get3A_225 = arith.index_cast %mul3A_220 : i32 to index
          %get3A_226 = tpu.vector_load %arg10[%get3A_224, %get3A_225] {strides = array<i32>} : memref<8x2048xf32, #tpu.memory_space<vmem>>, vector<16xf32>,
          %sub3A_227 = arith.subf %get3A_223, %get3A_226 : vector<16xf32>
          %select_n3A_228 = arith.select %eq3A_165, %get3A_226, %select_n3A_173 : vector<16xi1>, vector<16xf32>
          %mul3A_229 = arith.mulf %select_n3A_228, %sub3A_227 : vector<16xf32>
          %mul3A_230 = arith.mulf %mul3A_229, %mul3A_229 : vector<16xf32>
          %add3A_231 = arith.addf %add3A_214, %mul3A_230 : vector<16xf32>
          %mul3A_232 = arith.constant 8 : i32
          %mul3A_233 = arith.muli %scan3A_180, %mul3A_232 : i32
          %add3A_234 = arith.constant 3 : i32
          %add3A_235 = arith.addi %mul3A_233, %add3A_234 : i32
          %mul3A_236 = arith.constant 16 : i32
          %mul3A_237 = arith.muli %add3A_235, %mul3A_236 : i32
          %get3A_238 = arith.index_cast %scan3A_160 : i32 to index
          %get3A_239 = arith.index_cast %mul3A_237 : i32 to index
          %get3A_240 = tpu.vector_load %arg9[%get3A_238, %get3A_239] {strides = array<i32>} : memref<8x2048xf32, #tpu.memory_space<vmem>>, vector<16xf32>,
          %get3A_241 = arith.index_cast %scan3A_160 : i32 to index
          %get3A_242 = arith.index_cast %mul3A_237 : i32 to index
          %get3A_243 = tpu.vector_load %arg10[%get3A_241, %get3A_242] {strides = array<i32>} : memref<8x2048xf32, #tpu.memory_space<vmem>>, vector<16xf32>,
          %sub3A_244 = arith.subf %get3A_240, %get3A_243 : vector<16xf32>
          %select_n3A_245 = arith.select %eq3A_165, %get3A_243, %select_n3A_173 : vector<16xi1>, vector<16xf32>
          %mul3A_246 = arith.mulf %select_n3A_245, %sub3A_244 : vector<16xf32>
          %mul3A_247 = arith.mulf %mul3A_246, %mul3A_246 : vector<16xf32>
          %add3A_248 = arith.addf %add3A_231, %mul3A_247 : vector<16xf32>
          %mul3A_249 = arith.constant 8 : i32
          %mul3A_250 = arith.muli %scan3A_180, %mul3A_249 : i32
          %add3A_251 = arith.constant 4 : i32
          %add3A_252 = arith.addi %mul3A_250, %add3A_251 : i32
          %mul3A_253 = arith.constant 16 : i32
          %mul3A_254 = arith.muli %add3A_252, %mul3A_253 : i32
          %get3A_255 = arith.index_cast %scan3A_160 : i32 to index
          %get3A_256 = arith.index_cast %mul3A_254 : i32 to index
          %get3A_257 = tpu.vector_load %arg9[%get3A_255, %get3A_256] {strides = array<i32>} : memref<8x2048xf32, #tpu.memory_space<vmem>>, vector<16xf32>,
          %get3A_258 = arith.index_cast %scan3A_160 : i32 to index
          %get3A_259 = arith.index_cast %mul3A_254 : i32 to index
          %get3A_260 = tpu.vector_load %arg10[%get3A_258, %get3A_259] {strides = array<i32>} : memref<8x2048xf32, #tpu.memory_space<vmem>>, vector<16xf32>,
          %sub3A_261 = arith.subf %get3A_257, %get3A_260 : vector<16xf32>
          %select_n3A_262 = arith.select %eq3A_165, %get3A_260, %select_n3A_173 : vector<16xi1>, vector<16xf32>
          %mul3A_263 = arith.mulf %select_n3A_262, %sub3A_261 : vector<16xf32>
          %mul3A_264 = arith.mulf %mul3A_263, %mul3A_263 : vector<16xf32>
          %add3A_265 = arith.addf %add3A_248, %mul3A_264 : vector<16xf32>
          %mul3A_266 = arith.constant 8 : i32
          %mul3A_267 = arith.muli %scan3A_180, %mul3A_266 : i32
          %add3A_268 = arith.constant 5 : i32
          %add3A_269 = arith.addi %mul3A_267, %add3A_268 : i32
          %mul3A_270 = arith.constant 16 : i32
          %mul3A_271 = arith.muli %add3A_269, %mul3A_270 : i32
          %get3A_272 = arith.index_cast %scan3A_160 : i32 to index
          %get3A_273 = arith.index_cast %mul3A_271 : i32 to index
          %get3A_274 = tpu.vector_load %arg9[%get3A_272, %get3A_273] {strides = array<i32>} : memref<8x2048xf32, #tpu.memory_space<vmem>>, vector<16xf32>,
          %get3A_275 = arith.index_cast %scan3A_160 : i32 to index
          %get3A_276 = arith.index_cast %mul3A_271 : i32 to index
          %get3A_277 = tpu.vector_load %arg10[%get3A_275, %get3A_276] {strides = array<i32>} : memref<8x2048xf32, #tpu.memory_space<vmem>>, vector<16xf32>,
          %sub3A_278 = arith.subf %get3A_274, %get3A_277 : vector<16xf32>
          %select_n3A_279 = arith.select %eq3A_165, %get3A_277, %select_n3A_173 : vector<16xi1>, vector<16xf32>
          %mul3A_280 = arith.mulf %select_n3A_279, %sub3A_278 : vector<16xf32>
          %mul3A_281 = arith.mulf %mul3A_280, %mul3A_280 : vector<16xf32>
          %add3A_282 = arith.addf %add3A_265, %mul3A_281 : vector<16xf32>
          %mul3A_283 = arith.constant 8 : i32
          %mul3A_284 = arith.muli %scan3A_180, %mul3A_283 : i32
          %add3A_285 = arith.constant 6 : i32
          %add3A_286 = arith.addi %mul3A_284, %add3A_285 : i32
          %mul3A_287 = arith.constant 16 : i32
          %mul3A_288 = arith.muli %add3A_286, %mul3A_287 : i32
          %get3A_289 = arith.index_cast %scan3A_160 : i32 to index
          %get3A_290 = arith.index_cast %mul3A_288 : i32 to index
          %get3A_291 = tpu.vector_load %arg9[%get3A_289, %get3A_290] {strides = array<i32>} : memref<8x2048xf32, #tpu.memory_space<vmem>>, vector<16xf32>,
          %get3A_292 = arith.index_cast %scan3A_160 : i32 to index
          %get3A_293 = arith.index_cast %mul3A_288 : i32 to index
          %get3A_294 = tpu.vector_load %arg10[%get3A_292, %get3A_293] {strides = array<i32>} : memref<8x2048xf32, #tpu.memory_space<vmem>>, vector<16xf32>,
          %sub3A_295 = arith.subf %get3A_291, %get3A_294 : vector<16xf32>
          %select_n3A_296 = arith.select %eq3A_165, %get3A_294, %select_n3A_173 : vector<16xi1>, vector<16xf32>
          %mul3A_297 = arith.mulf %select_n3A_296, %sub3A_295 : vector<16xf32>
          %mul3A_298 = arith.mulf %mul3A_297, %mul3A_297 : vector<16xf32>
          %add3A_299 = arith.addf %add3A_282, %mul3A_298 : vector<16xf32>
          %mul3A_300 = arith.constant 8 : i32
          %mul3A_301 = arith.muli %scan3A_180, %mul3A_300 : i32
          %add3A_302 = arith.constant 7 : i32
          %add3A_303 = arith.addi %mul3A_301, %add3A_302 : i32
          %mul3A_304 = arith.constant 16 : i32
          %mul3A_305 = arith.muli %add3A_303, %mul3A_304 : i32
          %get3A_306 = arith.index_cast %scan3A_160 : i32 to index
          %get3A_307 = arith.index_cast %mul3A_305 : i32 to index
          %get3A_308 = tpu.vector_load %arg9[%get3A_306, %get3A_307] {strides = array<i32>} : memref<8x2048xf32, #tpu.memory_space<vmem>>, vector<16xf32>,
          %get3A_309 = arith.index_cast %scan3A_160 : i32 to index
          %get3A_310 = arith.index_cast %mul3A_305 : i32 to index
          %get3A_311 = tpu.vector_load %arg10[%get3A_309, %get3A_310] {strides = array<i32>} : memref<8x2048xf32, #tpu.memory_space<vmem>>, vector<16xf32>,
          %sub3A_312 = arith.subf %get3A_308, %get3A_311 : vector<16xf32>
          %select_n3A_313 = arith.select %eq3A_165, %get3A_311, %select_n3A_173 : vector<16xi1>, vector<16xf32>
          %mul3A_314 = arith.mulf %select_n3A_313, %sub3A_312 : vector<16xf32>
          %mul3A_315 = arith.mulf %mul3A_314, %mul3A_314 : vector<16xf32>
          %add3A_316 = arith.addf %add3A_299, %mul3A_315 : vector<16xf32>
          scf.yield %add3A_316 : vector<16xf32>
        }
        %scan3A_179 = arith.constant 16 : i32
        scf.yield %scan3A_178 : vector<16xf32>
      }
      %scan3A_111 = arith.constant 8 : i32
      %add3A_112 = arith.constant 3 : i32
      %add3A_113 = arith.addi %add3A_99, %add3A_112 : i32
      %lt3A_114 = arith.cmpi slt, %add3A_113, %select_n3A : i32
      %convert_element_type3A_115 = arith.extui %lt3A_114 : i1 to i32
      %cond3A_116 = arith.constant 0 : i32
      %cond3A_117 = arith.cmpi ne, %convert_element_type3A_115, %cond3A_116 : i32
      scf.if %cond3A_117 {
        %add3A_160 = arith.constant 3 : i32
        %add3A_161 = arith.addi %add3A_99, %add3A_160 : i32
        %mul3A_162 = arith.constant 8 : i32
        %mul3A_163 = arith.muli %add3A_161, %mul3A_162 : i32
        %multiple_of3A_164 = tpu.assume_multiple %mul3A_163, 8 : i32
        %dma_start3A = tpu.memref_slice %arg7[%multiple_of3A_164] : memref<144xi32, #tpu.memory_space<vmem>> -> memref<8xi32, #tpu.memory_space<vmem>>
        %dma_start3A_165 = arith.constant 0 : i32
        %dma_start3A_166 = arith.constant 0 : i32
        %dma_start3A_167 = tpu.memref_slice %arg2[%dma_start3A_165, %dma_start3A_166] : memref<8192x2048xf32, #tpu.memory_space<hbm>> -> memref<8192x2048xf32, #tpu.memory_space<hbm>>
        tpu.enqueue_indirect_dma source(%dma_start3A_167 : memref<8192x2048xf32, #tpu.memory_space<hbm>>) target(%arg9 : memref<8x2048xf32, #tpu.memory_space<vmem>>) offsets(%dma_start3A : memref<8xi32, #tpu.memory_space<vmem>>) semaphore(%arg16 : memref<!tpu.dma_semaphore, #tpu.memory_space<semaphore_mem>>)
        %dma_start3A_168 = tpu.memref_slice %arg7[%multiple_of3A_164] : memref<144xi32, #tpu.memory_space<vmem>> -> memref<8xi32, #tpu.memory_space<vmem>>
        %dma_start3A_169 = arith.constant 0 : i32
        %dma_start3A_170 = arith.constant 0 : i32
        %dma_start3A_171 = tpu.memref_slice %arg3[%dma_start3A_169, %dma_start3A_170] : memref<8192x2048xf32, #tpu.memory_space<hbm>> -> memref<8192x2048xf32, #tpu.memory_space<hbm>>
        tpu.enqueue_indirect_dma source(%dma_start3A_171 : memref<8192x2048xf32, #tpu.memory_space<hbm>>) target(%arg10 : memref<8x2048xf32, #tpu.memory_space<vmem>>) offsets(%dma_start3A_168 : memref<8xi32, #tpu.memory_space<vmem>>) semaphore(%arg17 : memref<!tpu.dma_semaphore, #tpu.memory_space<semaphore_mem>>)
      } else {
      }
      %add3A_118 = arith.constant 1 : i32
      %add3A_119 = arith.addi %mul3A_97, %add3A_118 : i32
      %lt3A_120 = arith.cmpi slt, %add3A_119, %select_n3A : i32
      %convert_element_type3A_121 = arith.extui %lt3A_120 : i1 to i32
      %cond3A_122 = arith.constant 0 : i32
      %cond3A_123 = arith.cmpi ne, %convert_element_type3A_121, %cond3A_122 : i32
      scf.if %cond3A_123 {
        %dma_wait3A = arith.constant 0 : i32
        %dma_wait3A_160 = tpu.memref_slice %arg7[%dma_wait3A] : memref<144xi32, #tpu.memory_space<vmem>> -> memref<8xi32, #tpu.memory_space<vmem>>
        %dma_wait3A_161 = arith.constant 0 : i32
        %dma_wait3A_162 = arith.constant 0 : i32
        %dma_wait3A_163 = tpu.memref_slice %arg2[%dma_wait3A_161, %dma_wait3A_162] : memref<8192x2048xf32, #tpu.memory_space<hbm>> -> memref<8192x2048xf32, #tpu.memory_space<hbm>>
        tpu.wait_indirect_dma semaphore(%arg18 : memref<!tpu.dma_semaphore, #tpu.memory_space<semaphore_mem>>) src(%dma_wait3A_163 : memref<8192x2048xf32, #tpu.memory_space<hbm>>) dst(%arg11 : memref<8x2048xf32, #tpu.memory_space<vmem>>)
        %dma_wait3A_164 = arith.constant 0 : i32
        %dma_wait3A_165 = tpu.memref_slice %arg7[%dma_wait3A_164] : memref<144xi32, #tpu.memory_space<vmem>> -> memref<8xi32, #tpu.memory_space<vmem>>
        %dma_wait3A_166 = arith.constant 0 : i32
        %dma_wait3A_167 = arith.constant 0 : i32
        %dma_wait3A_168 = tpu.memref_slice %arg3[%dma_wait3A_166, %dma_wait3A_167] : memref<8192x2048xf32, #tpu.memory_space<hbm>> -> memref<8192x2048xf32, #tpu.memory_space<hbm>>
        tpu.wait_indirect_dma semaphore(%arg19 : memref<!tpu.dma_semaphore, #tpu.memory_space<semaphore_mem>>) src(%dma_wait3A_168 : memref<8192x2048xf32, #tpu.memory_space<hbm>>) dst(%arg12 : memref<8x2048xf32, #tpu.memory_space<vmem>>)
      } else {
      }
      %mul3A_124 = arith.constant 8 : i32
      %mul3A_125 = arith.muli %add3A_119, %mul3A_124 : i32
      %multiple_of3A_126 = tpu.assume_multiple %mul3A_125, 8 : i32
      %scan3A_127 = arith.constant 0 : i32
      %scan3A_128 = arith.constant 8 : i32
      %scan3A_129 = arith.addi %scan3A_127, %scan3A_128 : i32
      %scan3A_130 = arith.constant 1 : i32
      %scan3A_131 = scf.for %scan3A_160 = %scan3A_127 to %scan3A_129 step %scan3A_130 iter_args(%scan3A_161 = %scan3A_110) -> (vector<16xf32>)  : i32 {
        %add3A_162 = arith.addi %multiple_of3A_126, %scan3A_160 : i32
        %broadcast_in_dim3A_163 = vector.broadcast %add3A_162 : i32 to vector<16xi32>
        %gather3A = tpu.vector_load_idx %arg8[%broadcast_in_dim3A_163] : memref<144xi32, #tpu.memory_space<vmem>>[vector<16xi32>], vector<16xi32>,
        %eq3A = arith.constant 1 : i32
        %eq3A_164 = vector.broadcast %eq3A : i32 to vector<16xi32>
        %eq3A_165 = arith.cmpi eq, %gather3A, %eq3A_164 : vector<16xi32>
        %eq3A_166 = arith.constant 2 : i32
        %eq3A_167 = vector.broadcast %eq3A_166 : i32 to vector<16xi32>
        %eq3A_168 = arith.cmpi eq, %gather3A, %eq3A_167 : vector<16xi32>
        %jit3A_169 = arith.constant 1.000000e+00 : f32
        %jit3A_170 = arith.constant 0.000000e+00 : f32
        %broadcast_in_dim3A_171 = vector.broadcast %jit3A_169 : f32 to vector<16xf32>
        %broadcast_in_dim3A_172 = vector.broadcast %jit3A_170 : f32 to vector<16xf32>
        %select_n3A_173 = arith.select %eq3A_168, %broadcast_in_dim3A_171, %broadcast_in_dim3A_172 : vector<16xi1>, vector<16xf32>
        %scan3A_174 = arith.constant 0 : i32
        %scan3A_175 = arith.constant 16 : i32
        %scan3A_176 = arith.addi %scan3A_174, %scan3A_175 : i32
        %scan3A_177 = arith.constant 1 : i32
        %scan3A_178 = scf.for %scan3A_180 = %scan3A_174 to %scan3A_176 step %scan3A_177 iter_args(%scan3A_181 = %scan3A_161) -> (vector<16xf32>)  : i32 {
          %mul3A_182 = arith.constant 8 : i32
          %mul3A_183 = arith.muli %scan3A_180, %mul3A_182 : i32
          %add3A_184 = arith.constant 0 : i32
          %add3A_185 = arith.addi %mul3A_183, %add3A_184 : i32
          %mul3A_186 = arith.constant 16 : i32
          %mul3A_187 = arith.muli %add3A_185, %mul3A_186 : i32
          %get3A = arith.index_cast %scan3A_160 : i32 to index
          %get3A_188 = arith.index_cast %mul3A_187 : i32 to index
          %get3A_189 = tpu.vector_load %arg11[%get3A, %get3A_188] {strides = array<i32>} : memref<8x2048xf32, #tpu.memory_space<vmem>>, vector<16xf32>,
          %get3A_190 = arith.index_cast %scan3A_160 : i32 to index
          %get3A_191 = arith.index_cast %mul3A_187 : i32 to index
          %get3A_192 = tpu.vector_load %arg12[%get3A_190, %get3A_191] {strides = array<i32>} : memref<8x2048xf32, #tpu.memory_space<vmem>>, vector<16xf32>,
          %sub3A_193 = arith.subf %get3A_189, %get3A_192 : vector<16xf32>
          %select_n3A_194 = arith.select %eq3A_165, %get3A_192, %select_n3A_173 : vector<16xi1>, vector<16xf32>
          %mul3A_195 = arith.mulf %select_n3A_194, %sub3A_193 : vector<16xf32>
          %mul3A_196 = arith.mulf %mul3A_195, %mul3A_195 : vector<16xf32>
          %add3A_197 = arith.addf %scan3A_181, %mul3A_196 : vector<16xf32>
          %mul3A_198 = arith.constant 8 : i32
          %mul3A_199 = arith.muli %scan3A_180, %mul3A_198 : i32
          %add3A_200 = arith.constant 1 : i32
          %add3A_201 = arith.addi %mul3A_199, %add3A_200 : i32
          %mul3A_202 = arith.constant 16 : i32
          %mul3A_203 = arith.muli %add3A_201, %mul3A_202 : i32
          %get3A_204 = arith.index_cast %scan3A_160 : i32 to index
          %get3A_205 = arith.index_cast %mul3A_203 : i32 to index
          %get3A_206 = tpu.vector_load %arg11[%get3A_204, %get3A_205] {strides = array<i32>} : memref<8x2048xf32, #tpu.memory_space<vmem>>, vector<16xf32>,
          %get3A_207 = arith.index_cast %scan3A_160 : i32 to index
          %get3A_208 = arith.index_cast %mul3A_203 : i32 to index
          %get3A_209 = tpu.vector_load %arg12[%get3A_207, %get3A_208] {strides = array<i32>} : memref<8x2048xf32, #tpu.memory_space<vmem>>, vector<16xf32>,
          %sub3A_210 = arith.subf %get3A_206, %get3A_209 : vector<16xf32>
          %select_n3A_211 = arith.select %eq3A_165, %get3A_209, %select_n3A_173 : vector<16xi1>, vector<16xf32>
          %mul3A_212 = arith.mulf %select_n3A_211, %sub3A_210 : vector<16xf32>
          %mul3A_213 = arith.mulf %mul3A_212, %mul3A_212 : vector<16xf32>
          %add3A_214 = arith.addf %add3A_197, %mul3A_213 : vector<16xf32>
          %mul3A_215 = arith.constant 8 : i32
          %mul3A_216 = arith.muli %scan3A_180, %mul3A_215 : i32
          %add3A_217 = arith.constant 2 : i32
          %add3A_218 = arith.addi %mul3A_216, %add3A_217 : i32
          %mul3A_219 = arith.constant 16 : i32
          %mul3A_220 = arith.muli %add3A_218, %mul3A_219 : i32
          %get3A_221 = arith.index_cast %scan3A_160 : i32 to index
          %get3A_222 = arith.index_cast %mul3A_220 : i32 to index
          %get3A_223 = tpu.vector_load %arg11[%get3A_221, %get3A_222] {strides = array<i32>} : memref<8x2048xf32, #tpu.memory_space<vmem>>, vector<16xf32>,
          %get3A_224 = arith.index_cast %scan3A_160 : i32 to index
          %get3A_225 = arith.index_cast %mul3A_220 : i32 to index
          %get3A_226 = tpu.vector_load %arg12[%get3A_224, %get3A_225] {strides = array<i32>} : memref<8x2048xf32, #tpu.memory_space<vmem>>, vector<16xf32>,
          %sub3A_227 = arith.subf %get3A_223, %get3A_226 : vector<16xf32>
          %select_n3A_228 = arith.select %eq3A_165, %get3A_226, %select_n3A_173 : vector<16xi1>, vector<16xf32>
          %mul3A_229 = arith.mulf %select_n3A_228, %sub3A_227 : vector<16xf32>
          %mul3A_230 = arith.mulf %mul3A_229, %mul3A_229 : vector<16xf32>
          %add3A_231 = arith.addf %add3A_214, %mul3A_230 : vector<16xf32>
          %mul3A_232 = arith.constant 8 : i32
          %mul3A_233 = arith.muli %scan3A_180, %mul3A_232 : i32
          %add3A_234 = arith.constant 3 : i32
          %add3A_235 = arith.addi %mul3A_233, %add3A_234 : i32
          %mul3A_236 = arith.constant 16 : i32
          %mul3A_237 = arith.muli %add3A_235, %mul3A_236 : i32
          %get3A_238 = arith.index_cast %scan3A_160 : i32 to index
          %get3A_239 = arith.index_cast %mul3A_237 : i32 to index
          %get3A_240 = tpu.vector_load %arg11[%get3A_238, %get3A_239] {strides = array<i32>} : memref<8x2048xf32, #tpu.memory_space<vmem>>, vector<16xf32>,
          %get3A_241 = arith.index_cast %scan3A_160 : i32 to index
          %get3A_242 = arith.index_cast %mul3A_237 : i32 to index
          %get3A_243 = tpu.vector_load %arg12[%get3A_241, %get3A_242] {strides = array<i32>} : memref<8x2048xf32, #tpu.memory_space<vmem>>, vector<16xf32>,
          %sub3A_244 = arith.subf %get3A_240, %get3A_243 : vector<16xf32>
          %select_n3A_245 = arith.select %eq3A_165, %get3A_243, %select_n3A_173 : vector<16xi1>, vector<16xf32>
          %mul3A_246 = arith.mulf %select_n3A_245, %sub3A_244 : vector<16xf32>
          %mul3A_247 = arith.mulf %mul3A_246, %mul3A_246 : vector<16xf32>
          %add3A_248 = arith.addf %add3A_231, %mul3A_247 : vector<16xf32>
          %mul3A_249 = arith.constant 8 : i32
          %mul3A_250 = arith.muli %scan3A_180, %mul3A_249 : i32
          %add3A_251 = arith.constant 4 : i32
          %add3A_252 = arith.addi %mul3A_250, %add3A_251 : i32
          %mul3A_253 = arith.constant 16 : i32
          %mul3A_254 = arith.muli %add3A_252, %mul3A_253 : i32
          %get3A_255 = arith.index_cast %scan3A_160 : i32 to index
          %get3A_256 = arith.index_cast %mul3A_254 : i32 to index
          %get3A_257 = tpu.vector_load %arg11[%get3A_255, %get3A_256] {strides = array<i32>} : memref<8x2048xf32, #tpu.memory_space<vmem>>, vector<16xf32>,
          %get3A_258 = arith.index_cast %scan3A_160 : i32 to index
          %get3A_259 = arith.index_cast %mul3A_254 : i32 to index
          %get3A_260 = tpu.vector_load %arg12[%get3A_258, %get3A_259] {strides = array<i32>} : memref<8x2048xf32, #tpu.memory_space<vmem>>, vector<16xf32>,
          %sub3A_261 = arith.subf %get3A_257, %get3A_260 : vector<16xf32>
          %select_n3A_262 = arith.select %eq3A_165, %get3A_260, %select_n3A_173 : vector<16xi1>, vector<16xf32>
          %mul3A_263 = arith.mulf %select_n3A_262, %sub3A_261 : vector<16xf32>
          %mul3A_264 = arith.mulf %mul3A_263, %mul3A_263 : vector<16xf32>
          %add3A_265 = arith.addf %add3A_248, %mul3A_264 : vector<16xf32>
          %mul3A_266 = arith.constant 8 : i32
          %mul3A_267 = arith.muli %scan3A_180, %mul3A_266 : i32
          %add3A_268 = arith.constant 5 : i32
          %add3A_269 = arith.addi %mul3A_267, %add3A_268 : i32
          %mul3A_270 = arith.constant 16 : i32
          %mul3A_271 = arith.muli %add3A_269, %mul3A_270 : i32
          %get3A_272 = arith.index_cast %scan3A_160 : i32 to index
          %get3A_273 = arith.index_cast %mul3A_271 : i32 to index
          %get3A_274 = tpu.vector_load %arg11[%get3A_272, %get3A_273] {strides = array<i32>} : memref<8x2048xf32, #tpu.memory_space<vmem>>, vector<16xf32>,
          %get3A_275 = arith.index_cast %scan3A_160 : i32 to index
          %get3A_276 = arith.index_cast %mul3A_271 : i32 to index
          %get3A_277 = tpu.vector_load %arg12[%get3A_275, %get3A_276] {strides = array<i32>} : memref<8x2048xf32, #tpu.memory_space<vmem>>, vector<16xf32>,
          %sub3A_278 = arith.subf %get3A_274, %get3A_277 : vector<16xf32>
          %select_n3A_279 = arith.select %eq3A_165, %get3A_277, %select_n3A_173 : vector<16xi1>, vector<16xf32>
          %mul3A_280 = arith.mulf %select_n3A_279, %sub3A_278 : vector<16xf32>
          %mul3A_281 = arith.mulf %mul3A_280, %mul3A_280 : vector<16xf32>
          %add3A_282 = arith.addf %add3A_265, %mul3A_281 : vector<16xf32>
          %mul3A_283 = arith.constant 8 : i32
          %mul3A_284 = arith.muli %scan3A_180, %mul3A_283 : i32
          %add3A_285 = arith.constant 6 : i32
          %add3A_286 = arith.addi %mul3A_284, %add3A_285 : i32
          %mul3A_287 = arith.constant 16 : i32
          %mul3A_288 = arith.muli %add3A_286, %mul3A_287 : i32
          %get3A_289 = arith.index_cast %scan3A_160 : i32 to index
          %get3A_290 = arith.index_cast %mul3A_288 : i32 to index
          %get3A_291 = tpu.vector_load %arg11[%get3A_289, %get3A_290] {strides = array<i32>} : memref<8x2048xf32, #tpu.memory_space<vmem>>, vector<16xf32>,
          %get3A_292 = arith.index_cast %scan3A_160 : i32 to index
          %get3A_293 = arith.index_cast %mul3A_288 : i32 to index
          %get3A_294 = tpu.vector_load %arg12[%get3A_292, %get3A_293] {strides = array<i32>} : memref<8x2048xf32, #tpu.memory_space<vmem>>, vector<16xf32>,
          %sub3A_295 = arith.subf %get3A_291, %get3A_294 : vector<16xf32>
          %select_n3A_296 = arith.select %eq3A_165, %get3A_294, %select_n3A_173 : vector<16xi1>, vector<16xf32>
          %mul3A_297 = arith.mulf %select_n3A_296, %sub3A_295 : vector<16xf32>
          %mul3A_298 = arith.mulf %mul3A_297, %mul3A_297 : vector<16xf32>
          %add3A_299 = arith.addf %add3A_282, %mul3A_298 : vector<16xf32>
          %mul3A_300 = arith.constant 8 : i32
          %mul3A_301 = arith.muli %scan3A_180, %mul3A_300 : i32
          %add3A_302 = arith.constant 7 : i32
          %add3A_303 = arith.addi %mul3A_301, %add3A_302 : i32
          %mul3A_304 = arith.constant 16 : i32
          %mul3A_305 = arith.muli %add3A_303, %mul3A_304 : i32
          %get3A_306 = arith.index_cast %scan3A_160 : i32 to index
          %get3A_307 = arith.index_cast %mul3A_305 : i32 to index
          %get3A_308 = tpu.vector_load %arg11[%get3A_306, %get3A_307] {strides = array<i32>} : memref<8x2048xf32, #tpu.memory_space<vmem>>, vector<16xf32>,
          %get3A_309 = arith.index_cast %scan3A_160 : i32 to index
          %get3A_310 = arith.index_cast %mul3A_305 : i32 to index
          %get3A_311 = tpu.vector_load %arg12[%get3A_309, %get3A_310] {strides = array<i32>} : memref<8x2048xf32, #tpu.memory_space<vmem>>, vector<16xf32>,
          %sub3A_312 = arith.subf %get3A_308, %get3A_311 : vector<16xf32>
          %select_n3A_313 = arith.select %eq3A_165, %get3A_311, %select_n3A_173 : vector<16xi1>, vector<16xf32>
          %mul3A_314 = arith.mulf %select_n3A_313, %sub3A_312 : vector<16xf32>
          %mul3A_315 = arith.mulf %mul3A_314, %mul3A_314 : vector<16xf32>
          %add3A_316 = arith.addf %add3A_299, %mul3A_315 : vector<16xf32>
          scf.yield %add3A_316 : vector<16xf32>
        }
        %scan3A_179 = arith.constant 16 : i32
        scf.yield %scan3A_178 : vector<16xf32>
      }
      %scan3A_132 = arith.constant 8 : i32
      %add3A_133 = arith.constant 3 : i32
      %add3A_134 = arith.addi %add3A_119, %add3A_133 : i32
      %lt3A_135 = arith.cmpi slt, %add3A_134, %select_n3A : i32
      %convert_element_type3A_136 = arith.extui %lt3A_135 : i1 to i32
      %cond3A_137 = arith.constant 0 : i32
      %cond3A_138 = arith.cmpi ne, %convert_element_type3A_136, %cond3A_137 : i32
      scf.if %cond3A_138 {
        %add3A_160 = arith.constant 3 : i32
        %add3A_161 = arith.addi %add3A_119, %add3A_160 : i32
        %mul3A_162 = arith.constant 8 : i32
        %mul3A_163 = arith.muli %add3A_161, %mul3A_162 : i32
        %multiple_of3A_164 = tpu.assume_multiple %mul3A_163, 8 : i32
        %dma_start3A = tpu.memref_slice %arg7[%multiple_of3A_164] : memref<144xi32, #tpu.memory_space<vmem>> -> memref<8xi32, #tpu.memory_space<vmem>>
        %dma_start3A_165 = arith.constant 0 : i32
        %dma_start3A_166 = arith.constant 0 : i32
        %dma_start3A_167 = tpu.memref_slice %arg2[%dma_start3A_165, %dma_start3A_166] : memref<8192x2048xf32, #tpu.memory_space<hbm>> -> memref<8192x2048xf32, #tpu.memory_space<hbm>>
        tpu.enqueue_indirect_dma source(%dma_start3A_167 : memref<8192x2048xf32, #tpu.memory_space<hbm>>) target(%arg11 : memref<8x2048xf32, #tpu.memory_space<vmem>>) offsets(%dma_start3A : memref<8xi32, #tpu.memory_space<vmem>>) semaphore(%arg18 : memref<!tpu.dma_semaphore, #tpu.memory_space<semaphore_mem>>)
        %dma_start3A_168 = tpu.memref_slice %arg7[%multiple_of3A_164] : memref<144xi32, #tpu.memory_space<vmem>> -> memref<8xi32, #tpu.memory_space<vmem>>
        %dma_start3A_169 = arith.constant 0 : i32
        %dma_start3A_170 = arith.constant 0 : i32
        %dma_start3A_171 = tpu.memref_slice %arg3[%dma_start3A_169, %dma_start3A_170] : memref<8192x2048xf32, #tpu.memory_space<hbm>> -> memref<8192x2048xf32, #tpu.memory_space<hbm>>
        tpu.enqueue_indirect_dma source(%dma_start3A_171 : memref<8192x2048xf32, #tpu.memory_space<hbm>>) target(%arg12 : memref<8x2048xf32, #tpu.memory_space<vmem>>) offsets(%dma_start3A_168 : memref<8xi32, #tpu.memory_space<vmem>>) semaphore(%arg19 : memref<!tpu.dma_semaphore, #tpu.memory_space<semaphore_mem>>)
      } else {
      }
      %add3A_139 = arith.constant 2 : i32
      %add3A_140 = arith.addi %mul3A_97, %add3A_139 : i32
      %lt3A_141 = arith.cmpi slt, %add3A_140, %select_n3A : i32
      %convert_element_type3A_142 = arith.extui %lt3A_141 : i1 to i32
      %cond3A_143 = arith.constant 0 : i32
      %cond3A_144 = arith.cmpi ne, %convert_element_type3A_142, %cond3A_143 : i32
      scf.if %cond3A_144 {
        %dma_wait3A = arith.constant 0 : i32
        %dma_wait3A_160 = tpu.memref_slice %arg7[%dma_wait3A] : memref<144xi32, #tpu.memory_space<vmem>> -> memref<8xi32, #tpu.memory_space<vmem>>
        %dma_wait3A_161 = arith.constant 0 : i32
        %dma_wait3A_162 = arith.constant 0 : i32
        %dma_wait3A_163 = tpu.memref_slice %arg2[%dma_wait3A_161, %dma_wait3A_162] : memref<8192x2048xf32, #tpu.memory_space<hbm>> -> memref<8192x2048xf32, #tpu.memory_space<hbm>>
        tpu.wait_indirect_dma semaphore(%arg20 : memref<!tpu.dma_semaphore, #tpu.memory_space<semaphore_mem>>) src(%dma_wait3A_163 : memref<8192x2048xf32, #tpu.memory_space<hbm>>) dst(%arg13 : memref<8x2048xf32, #tpu.memory_space<vmem>>)
        %dma_wait3A_164 = arith.constant 0 : i32
        %dma_wait3A_165 = tpu.memref_slice %arg7[%dma_wait3A_164] : memref<144xi32, #tpu.memory_space<vmem>> -> memref<8xi32, #tpu.memory_space<vmem>>
        %dma_wait3A_166 = arith.constant 0 : i32
        %dma_wait3A_167 = arith.constant 0 : i32
        %dma_wait3A_168 = tpu.memref_slice %arg3[%dma_wait3A_166, %dma_wait3A_167] : memref<8192x2048xf32, #tpu.memory_space<hbm>> -> memref<8192x2048xf32, #tpu.memory_space<hbm>>
        tpu.wait_indirect_dma semaphore(%arg21 : memref<!tpu.dma_semaphore, #tpu.memory_space<semaphore_mem>>) src(%dma_wait3A_168 : memref<8192x2048xf32, #tpu.memory_space<hbm>>) dst(%arg14 : memref<8x2048xf32, #tpu.memory_space<vmem>>)
      } else {
      }
      %mul3A_145 = arith.constant 8 : i32
      %mul3A_146 = arith.muli %add3A_140, %mul3A_145 : i32
      %multiple_of3A_147 = tpu.assume_multiple %mul3A_146, 8 : i32
      %scan3A_148 = arith.constant 0 : i32
      %scan3A_149 = arith.constant 8 : i32
      %scan3A_150 = arith.addi %scan3A_148, %scan3A_149 : i32
      %scan3A_151 = arith.constant 1 : i32
      %scan3A_152 = scf.for %scan3A_160 = %scan3A_148 to %scan3A_150 step %scan3A_151 iter_args(%scan3A_161 = %scan3A_131) -> (vector<16xf32>)  : i32 {
        %add3A_162 = arith.addi %multiple_of3A_147, %scan3A_160 : i32
        %broadcast_in_dim3A_163 = vector.broadcast %add3A_162 : i32 to vector<16xi32>
        %gather3A = tpu.vector_load_idx %arg8[%broadcast_in_dim3A_163] : memref<144xi32, #tpu.memory_space<vmem>>[vector<16xi32>], vector<16xi32>,
        %eq3A = arith.constant 1 : i32
        %eq3A_164 = vector.broadcast %eq3A : i32 to vector<16xi32>
        %eq3A_165 = arith.cmpi eq, %gather3A, %eq3A_164 : vector<16xi32>
        %eq3A_166 = arith.constant 2 : i32
        %eq3A_167 = vector.broadcast %eq3A_166 : i32 to vector<16xi32>
        %eq3A_168 = arith.cmpi eq, %gather3A, %eq3A_167 : vector<16xi32>
        %jit3A_169 = arith.constant 1.000000e+00 : f32
        %jit3A_170 = arith.constant 0.000000e+00 : f32
        %broadcast_in_dim3A_171 = vector.broadcast %jit3A_169 : f32 to vector<16xf32>
        %broadcast_in_dim3A_172 = vector.broadcast %jit3A_170 : f32 to vector<16xf32>
        %select_n3A_173 = arith.select %eq3A_168, %broadcast_in_dim3A_171, %broadcast_in_dim3A_172 : vector<16xi1>, vector<16xf32>
        %scan3A_174 = arith.constant 0 : i32
        %scan3A_175 = arith.constant 16 : i32
        %scan3A_176 = arith.addi %scan3A_174, %scan3A_175 : i32
        %scan3A_177 = arith.constant 1 : i32
        %scan3A_178 = scf.for %scan3A_180 = %scan3A_174 to %scan3A_176 step %scan3A_177 iter_args(%scan3A_181 = %scan3A_161) -> (vector<16xf32>)  : i32 {
          %mul3A_182 = arith.constant 8 : i32
          %mul3A_183 = arith.muli %scan3A_180, %mul3A_182 : i32
          %add3A_184 = arith.constant 0 : i32
          %add3A_185 = arith.addi %mul3A_183, %add3A_184 : i32
          %mul3A_186 = arith.constant 16 : i32
          %mul3A_187 = arith.muli %add3A_185, %mul3A_186 : i32
          %get3A = arith.index_cast %scan3A_160 : i32 to index
          %get3A_188 = arith.index_cast %mul3A_187 : i32 to index
          %get3A_189 = tpu.vector_load %arg13[%get3A, %get3A_188] {strides = array<i32>} : memref<8x2048xf32, #tpu.memory_space<vmem>>, vector<16xf32>,
          %get3A_190 = arith.index_cast %scan3A_160 : i32 to index
          %get3A_191 = arith.index_cast %mul3A_187 : i32 to index
          %get3A_192 = tpu.vector_load %arg14[%get3A_190, %get3A_191] {strides = array<i32>} : memref<8x2048xf32, #tpu.memory_space<vmem>>, vector<16xf32>,
          %sub3A_193 = arith.subf %get3A_189, %get3A_192 : vector<16xf32>
          %select_n3A_194 = arith.select %eq3A_165, %get3A_192, %select_n3A_173 : vector<16xi1>, vector<16xf32>
          %mul3A_195 = arith.mulf %select_n3A_194, %sub3A_193 : vector<16xf32>
          %mul3A_196 = arith.mulf %mul3A_195, %mul3A_195 : vector<16xf32>
          %add3A_197 = arith.addf %scan3A_181, %mul3A_196 : vector<16xf32>
          %mul3A_198 = arith.constant 8 : i32
          %mul3A_199 = arith.muli %scan3A_180, %mul3A_198 : i32
          %add3A_200 = arith.constant 1 : i32
          %add3A_201 = arith.addi %mul3A_199, %add3A_200 : i32
          %mul3A_202 = arith.constant 16 : i32
          %mul3A_203 = arith.muli %add3A_201, %mul3A_202 : i32
          %get3A_204 = arith.index_cast %scan3A_160 : i32 to index
          %get3A_205 = arith.index_cast %mul3A_203 : i32 to index
          %get3A_206 = tpu.vector_load %arg13[%get3A_204, %get3A_205] {strides = array<i32>} : memref<8x2048xf32, #tpu.memory_space<vmem>>, vector<16xf32>,
          %get3A_207 = arith.index_cast %scan3A_160 : i32 to index
          %get3A_208 = arith.index_cast %mul3A_203 : i32 to index
          %get3A_209 = tpu.vector_load %arg14[%get3A_207, %get3A_208] {strides = array<i32>} : memref<8x2048xf32, #tpu.memory_space<vmem>>, vector<16xf32>,
          %sub3A_210 = arith.subf %get3A_206, %get3A_209 : vector<16xf32>
          %select_n3A_211 = arith.select %eq3A_165, %get3A_209, %select_n3A_173 : vector<16xi1>, vector<16xf32>
          %mul3A_212 = arith.mulf %select_n3A_211, %sub3A_210 : vector<16xf32>
          %mul3A_213 = arith.mulf %mul3A_212, %mul3A_212 : vector<16xf32>
          %add3A_214 = arith.addf %add3A_197, %mul3A_213 : vector<16xf32>
          %mul3A_215 = arith.constant 8 : i32
          %mul3A_216 = arith.muli %scan3A_180, %mul3A_215 : i32
          %add3A_217 = arith.constant 2 : i32
          %add3A_218 = arith.addi %mul3A_216, %add3A_217 : i32
          %mul3A_219 = arith.constant 16 : i32
          %mul3A_220 = arith.muli %add3A_218, %mul3A_219 : i32
          %get3A_221 = arith.index_cast %scan3A_160 : i32 to index
          %get3A_222 = arith.index_cast %mul3A_220 : i32 to index
          %get3A_223 = tpu.vector_load %arg13[%get3A_221, %get3A_222] {strides = array<i32>} : memref<8x2048xf32, #tpu.memory_space<vmem>>, vector<16xf32>,
          %get3A_224 = arith.index_cast %scan3A_160 : i32 to index
          %get3A_225 = arith.index_cast %mul3A_220 : i32 to index
          %get3A_226 = tpu.vector_load %arg14[%get3A_224, %get3A_225] {strides = array<i32>} : memref<8x2048xf32, #tpu.memory_space<vmem>>, vector<16xf32>,
          %sub3A_227 = arith.subf %get3A_223, %get3A_226 : vector<16xf32>
          %select_n3A_228 = arith.select %eq3A_165, %get3A_226, %select_n3A_173 : vector<16xi1>, vector<16xf32>
          %mul3A_229 = arith.mulf %select_n3A_228, %sub3A_227 : vector<16xf32>
          %mul3A_230 = arith.mulf %mul3A_229, %mul3A_229 : vector<16xf32>
          %add3A_231 = arith.addf %add3A_214, %mul3A_230 : vector<16xf32>
          %mul3A_232 = arith.constant 8 : i32
          %mul3A_233 = arith.muli %scan3A_180, %mul3A_232 : i32
          %add3A_234 = arith.constant 3 : i32
          %add3A_235 = arith.addi %mul3A_233, %add3A_234 : i32
          %mul3A_236 = arith.constant 16 : i32
          %mul3A_237 = arith.muli %add3A_235, %mul3A_236 : i32
          %get3A_238 = arith.index_cast %scan3A_160 : i32 to index
          %get3A_239 = arith.index_cast %mul3A_237 : i32 to index
          %get3A_240 = tpu.vector_load %arg13[%get3A_238, %get3A_239] {strides = array<i32>} : memref<8x2048xf32, #tpu.memory_space<vmem>>, vector<16xf32>,
          %get3A_241 = arith.index_cast %scan3A_160 : i32 to index
          %get3A_242 = arith.index_cast %mul3A_237 : i32 to index
          %get3A_243 = tpu.vector_load %arg14[%get3A_241, %get3A_242] {strides = array<i32>} : memref<8x2048xf32, #tpu.memory_space<vmem>>, vector<16xf32>,
          %sub3A_244 = arith.subf %get3A_240, %get3A_243 : vector<16xf32>
          %select_n3A_245 = arith.select %eq3A_165, %get3A_243, %select_n3A_173 : vector<16xi1>, vector<16xf32>
          %mul3A_246 = arith.mulf %select_n3A_245, %sub3A_244 : vector<16xf32>
          %mul3A_247 = arith.mulf %mul3A_246, %mul3A_246 : vector<16xf32>
          %add3A_248 = arith.addf %add3A_231, %mul3A_247 : vector<16xf32>
          %mul3A_249 = arith.constant 8 : i32
          %mul3A_250 = arith.muli %scan3A_180, %mul3A_249 : i32
          %add3A_251 = arith.constant 4 : i32
          %add3A_252 = arith.addi %mul3A_250, %add3A_251 : i32
          %mul3A_253 = arith.constant 16 : i32
          %mul3A_254 = arith.muli %add3A_252, %mul3A_253 : i32
          %get3A_255 = arith.index_cast %scan3A_160 : i32 to index
          %get3A_256 = arith.index_cast %mul3A_254 : i32 to index
          %get3A_257 = tpu.vector_load %arg13[%get3A_255, %get3A_256] {strides = array<i32>} : memref<8x2048xf32, #tpu.memory_space<vmem>>, vector<16xf32>,
          %get3A_258 = arith.index_cast %scan3A_160 : i32 to index
          %get3A_259 = arith.index_cast %mul3A_254 : i32 to index
          %get3A_260 = tpu.vector_load %arg14[%get3A_258, %get3A_259] {strides = array<i32>} : memref<8x2048xf32, #tpu.memory_space<vmem>>, vector<16xf32>,
          %sub3A_261 = arith.subf %get3A_257, %get3A_260 : vector<16xf32>
          %select_n3A_262 = arith.select %eq3A_165, %get3A_260, %select_n3A_173 : vector<16xi1>, vector<16xf32>
          %mul3A_263 = arith.mulf %select_n3A_262, %sub3A_261 : vector<16xf32>
          %mul3A_264 = arith.mulf %mul3A_263, %mul3A_263 : vector<16xf32>
          %add3A_265 = arith.addf %add3A_248, %mul3A_264 : vector<16xf32>
          %mul3A_266 = arith.constant 8 : i32
          %mul3A_267 = arith.muli %scan3A_180, %mul3A_266 : i32
          %add3A_268 = arith.constant 5 : i32
          %add3A_269 = arith.addi %mul3A_267, %add3A_268 : i32
          %mul3A_270 = arith.constant 16 : i32
          %mul3A_271 = arith.muli %add3A_269, %mul3A_270 : i32
          %get3A_272 = arith.index_cast %scan3A_160 : i32 to index
          %get3A_273 = arith.index_cast %mul3A_271 : i32 to index
          %get3A_274 = tpu.vector_load %arg13[%get3A_272, %get3A_273] {strides = array<i32>} : memref<8x2048xf32, #tpu.memory_space<vmem>>, vector<16xf32>,
          %get3A_275 = arith.index_cast %scan3A_160 : i32 to index
          %get3A_276 = arith.index_cast %mul3A_271 : i32 to index
          %get3A_277 = tpu.vector_load %arg14[%get3A_275, %get3A_276] {strides = array<i32>} : memref<8x2048xf32, #tpu.memory_space<vmem>>, vector<16xf32>,
          %sub3A_278 = arith.subf %get3A_274, %get3A_277 : vector<16xf32>
          %select_n3A_279 = arith.select %eq3A_165, %get3A_277, %select_n3A_173 : vector<16xi1>, vector<16xf32>
          %mul3A_280 = arith.mulf %select_n3A_279, %sub3A_278 : vector<16xf32>
          %mul3A_281 = arith.mulf %mul3A_280, %mul3A_280 : vector<16xf32>
          %add3A_282 = arith.addf %add3A_265, %mul3A_281 : vector<16xf32>
          %mul3A_283 = arith.constant 8 : i32
          %mul3A_284 = arith.muli %scan3A_180, %mul3A_283 : i32
          %add3A_285 = arith.constant 6 : i32
          %add3A_286 = arith.addi %mul3A_284, %add3A_285 : i32
          %mul3A_287 = arith.constant 16 : i32
          %mul3A_288 = arith.muli %add3A_286, %mul3A_287 : i32
          %get3A_289 = arith.index_cast %scan3A_160 : i32 to index
          %get3A_290 = arith.index_cast %mul3A_288 : i32 to index
          %get3A_291 = tpu.vector_load %arg13[%get3A_289, %get3A_290] {strides = array<i32>} : memref<8x2048xf32, #tpu.memory_space<vmem>>, vector<16xf32>,
          %get3A_292 = arith.index_cast %scan3A_160 : i32 to index
          %get3A_293 = arith.index_cast %mul3A_288 : i32 to index
          %get3A_294 = tpu.vector_load %arg14[%get3A_292, %get3A_293] {strides = array<i32>} : memref<8x2048xf32, #tpu.memory_space<vmem>>, vector<16xf32>,
          %sub3A_295 = arith.subf %get3A_291, %get3A_294 : vector<16xf32>
          %select_n3A_296 = arith.select %eq3A_165, %get3A_294, %select_n3A_173 : vector<16xi1>, vector<16xf32>
          %mul3A_297 = arith.mulf %select_n3A_296, %sub3A_295 : vector<16xf32>
          %mul3A_298 = arith.mulf %mul3A_297, %mul3A_297 : vector<16xf32>
          %add3A_299 = arith.addf %add3A_282, %mul3A_298 : vector<16xf32>
          %mul3A_300 = arith.constant 8 : i32
          %mul3A_301 = arith.muli %scan3A_180, %mul3A_300 : i32
          %add3A_302 = arith.constant 7 : i32
          %add3A_303 = arith.addi %mul3A_301, %add3A_302 : i32
          %mul3A_304 = arith.constant 16 : i32
          %mul3A_305 = arith.muli %add3A_303, %mul3A_304 : i32
          %get3A_306 = arith.index_cast %scan3A_160 : i32 to index
          %get3A_307 = arith.index_cast %mul3A_305 : i32 to index
          %get3A_308 = tpu.vector_load %arg13[%get3A_306, %get3A_307] {strides = array<i32>} : memref<8x2048xf32, #tpu.memory_space<vmem>>, vector<16xf32>,
          %get3A_309 = arith.index_cast %scan3A_160 : i32 to index
          %get3A_310 = arith.index_cast %mul3A_305 : i32 to index
          %get3A_311 = tpu.vector_load %arg14[%get3A_309, %get3A_310] {strides = array<i32>} : memref<8x2048xf32, #tpu.memory_space<vmem>>, vector<16xf32>,
          %sub3A_312 = arith.subf %get3A_308, %get3A_311 : vector<16xf32>
          %select_n3A_313 = arith.select %eq3A_165, %get3A_311, %select_n3A_173 : vector<16xi1>, vector<16xf32>
          %mul3A_314 = arith.mulf %select_n3A_313, %sub3A_312 : vector<16xf32>
          %mul3A_315 = arith.mulf %mul3A_314, %mul3A_314 : vector<16xf32>
          %add3A_316 = arith.addf %add3A_299, %mul3A_315 : vector<16xf32>
          scf.yield %add3A_316 : vector<16xf32>
        }
        %scan3A_179 = arith.constant 16 : i32
        scf.yield %scan3A_178 : vector<16xf32>
      }
      %scan3A_153 = arith.constant 8 : i32
      %add3A_154 = arith.constant 3 : i32
      %add3A_155 = arith.addi %add3A_140, %add3A_154 : i32
      %lt3A_156 = arith.cmpi slt, %add3A_155, %select_n3A : i32
      %convert_element_type3A_157 = arith.extui %lt3A_156 : i1 to i32
      %cond3A_158 = arith.constant 0 : i32
      %cond3A_159 = arith.cmpi ne, %convert_element_type3A_157, %cond3A_158 : i32
      scf.if %cond3A_159 {
        %add3A_160 = arith.constant 3 : i32
        %add3A_161 = arith.addi %add3A_140, %add3A_160 : i32
        %mul3A_162 = arith.constant 8 : i32
        %mul3A_163 = arith.muli %add3A_161, %mul3A_162 : i32
        %multiple_of3A_164 = tpu.assume_multiple %mul3A_163, 8 : i32
        %dma_start3A = tpu.memref_slice %arg7[%multiple_of3A_164] : memref<144xi32, #tpu.memory_space<vmem>> -> memref<8xi32, #tpu.memory_space<vmem>>
        %dma_start3A_165 = arith.constant 0 : i32
        %dma_start3A_166 = arith.constant 0 : i32
        %dma_start3A_167 = tpu.memref_slice %arg2[%dma_start3A_165, %dma_start3A_166] : memref<8192x2048xf32, #tpu.memory_space<hbm>> -> memref<8192x2048xf32, #tpu.memory_space<hbm>>
        tpu.enqueue_indirect_dma source(%dma_start3A_167 : memref<8192x2048xf32, #tpu.memory_space<hbm>>) target(%arg13 : memref<8x2048xf32, #tpu.memory_space<vmem>>) offsets(%dma_start3A : memref<8xi32, #tpu.memory_space<vmem>>) semaphore(%arg20 : memref<!tpu.dma_semaphore, #tpu.memory_space<semaphore_mem>>)
        %dma_start3A_168 = tpu.memref_slice %arg7[%multiple_of3A_164] : memref<144xi32, #tpu.memory_space<vmem>> -> memref<8xi32, #tpu.memory_space<vmem>>
        %dma_start3A_169 = arith.constant 0 : i32
        %dma_start3A_170 = arith.constant 0 : i32
        %dma_start3A_171 = tpu.memref_slice %arg3[%dma_start3A_169, %dma_start3A_170] : memref<8192x2048xf32, #tpu.memory_space<hbm>> -> memref<8192x2048xf32, #tpu.memory_space<hbm>>
        tpu.enqueue_indirect_dma source(%dma_start3A_171 : memref<8192x2048xf32, #tpu.memory_space<hbm>>) target(%arg14 : memref<8x2048xf32, #tpu.memory_space<vmem>>) offsets(%dma_start3A_168 : memref<8xi32, #tpu.memory_space<vmem>>) semaphore(%arg21 : memref<!tpu.dma_semaphore, #tpu.memory_space<semaphore_mem>>)
      } else {
      }
      scf.yield %scan3A_152 : vector<16xf32>
    }
    %swap3A = arith.constant 0 : index
    %swap3A_93 = tpu.vector_load %arg15[%swap3A] {strides = array<i32>} : memref<16xf32, #tpu.memory_space<vmem>>, vector<16xf32>,
    tpu.vector_store %arg15[%swap3A], %while3A_92 {strides = array<i32>} : memref<16xf32, #tpu.memory_space<vmem>>, vector<16xf32>,
    "tpu.region"() ({
      %run_scoped3A = tpu.sem_alloc : memref<!tpu.dma_semaphore, #tpu.memory_space<semaphore_mem>>
      %dma_start3A = arith.constant 0 : i32
      %dma_start3A_94 = tpu.memref_slice %arg5[%add3A, %dma_start3A] : memref<32x16xf32, #tpu.memory_space<hbm>> -> memref<1x16xf32, #tpu.memory_space<hbm>>
      %dma_start3A_95 = tpu.memref_squeeze %dma_start3A_94 : memref<1x16xf32, #tpu.memory_space<hbm>> -> memref<16xf32, #tpu.memory_space<hbm>>
      %dma_start3A_96 = arith.constant 0 : i32
      %dma_start3A_97 = tpu.memref_slice %arg5[%add3A, %dma_start3A_96] : memref<32x16xf32, #tpu.memory_space<hbm>> -> memref<1x16xf32, #tpu.memory_space<hbm>>
      %dma_start3A_98 = tpu.memref_squeeze %dma_start3A_97 : memref<1x16xf32, #tpu.memory_space<hbm>> -> memref<16xf32, #tpu.memory_space<hbm>>
      tpu.enqueue_dma source(%arg15 : memref<16xf32, #tpu.memory_space<vmem>>) target(%dma_start3A_98 : memref<16xf32, #tpu.memory_space<hbm>>) target_semaphore(%run_scoped3A : memref<!tpu.dma_semaphore, #tpu.memory_space<semaphore_mem>>)
      %dma_wait3A = arith.constant 0 : i32
      %dma_wait3A_99 = tpu.memref_slice %arg5[%add3A, %dma_wait3A] : memref<32x16xf32, #tpu.memory_space<hbm>> -> memref<1x16xf32, #tpu.memory_space<hbm>>
      %dma_wait3A_100 = tpu.memref_squeeze %dma_wait3A_99 : memref<1x16xf32, #tpu.memory_space<hbm>> -> memref<16xf32, #tpu.memory_space<hbm>>
      %dma_wait3A_101 = arith.constant 0 : i32
      %dma_wait3A_102 = tpu.memref_slice %arg5[%add3A, %dma_wait3A_101] : memref<32x16xf32, #tpu.memory_space<hbm>> -> memref<1x16xf32, #tpu.memory_space<hbm>>
      %dma_wait3A_103 = tpu.memref_squeeze %dma_wait3A_102 : memref<1x16xf32, #tpu.memory_space<hbm>> -> memref<16xf32, #tpu.memory_space<hbm>>
      tpu.wait_dma2 semaphore(%run_scoped3A : memref<!tpu.dma_semaphore, #tpu.memory_space<semaphore_mem>>) src(%arg15 : memref<16xf32, #tpu.memory_space<vmem>>) dst(%dma_wait3A_103 : memref<16xf32, #tpu.memory_space<hbm>>)
      tpu.yield
    }) : () -> ()
    return
  }
}

module attributes {stable_mosaic.version = 14 : i64} {
  func.func @_tc_body(%arg0: i32, %arg1: memref<512x1xi32, #tpu.memory_space<vmem>>, %arg2: memref<512x2048xf32, #tpu.memory_space<vmem>>, %arg3: memref<512x2048xf32, #tpu.memory_space<vmem>>, %arg4: memref<1x1xf32, #tpu.memory_space<vmem>>) attributes {dimension_semantics = [#tpu.dimension_semantics<arbitrary>], iteration_bounds = array<i64: 8>, scalar_prefetch = 0 : i64, scratch_operands = 0 : i64, tpu.core_type = #tpu.core_type<tc>, window_params = [{transform_indices = @transform_0, window_bounds = array<i64: 512, 1>}, {transform_indices = @transform_1, window_bounds = array<i64: 512, 2048>}, {transform_indices = @transform_2, window_bounds = array<i64: 512, 2048>}, {pipeline_mode = #tpu.pipeline_mode<synchronous>, transform_indices = @transform_3, window_bounds = array<i64: 1, 1>}]} {
    %eq3A = arith.constant 0 : i32
    %eq3A_0 = arith.cmpi eq, %arg0, %eq3A : i32
    %convert_element_type3A = arith.extui %eq3A_0 : i1 to i32
    %cond3A = arith.constant 0 : i32
    %cond3A_1 = arith.cmpi ne, %convert_element_type3A, %cond3A : i32
    scf.if %cond3A_1 {
      %broadcast_in_dim3A_33 = arith.constant 0.000000e+00 : f32
      %broadcast_in_dim3A_34 = vector.broadcast %broadcast_in_dim3A_33 : f32 to vector<1x1xf32>
      %swap3A_35 = arith.constant 0 : index
      %swap3A_36 = arith.constant 0 : index
      %swap3A_37 = vector.load %arg4[%swap3A_35, %swap3A_36] : memref<1x1xf32, #tpu.memory_space<vmem>>, vector<1x1xf32>
      tpu.vector_store %arg4[%swap3A_35, %swap3A_36], %broadcast_in_dim3A_34 {strides = array<i32>} : memref<1x1xf32, #tpu.memory_space<vmem>>, vector<1x1xf32>,
    } else {
    }
    %get3A = arith.constant 0 : index
    %get3A_2 = arith.constant 0 : index
    %get3A_3 = vector.load %arg2[%get3A, %get3A_2] : memref<512x2048xf32, #tpu.memory_space<vmem>>, vector<512x2048xf32>
    %get3A_4 = arith.constant 0 : index
    %get3A_5 = arith.constant 0 : index
    %get3A_6 = vector.load %arg3[%get3A_4, %get3A_5] : memref<512x2048xf32, #tpu.memory_space<vmem>>, vector<512x2048xf32>
    %get3A_7 = arith.constant 0 : index
    %get3A_8 = arith.constant 0 : index
    %get3A_9 = vector.load %arg1[%get3A_7, %get3A_8] : memref<512x1xi32, #tpu.memory_space<vmem>>, vector<512x1xi32>
    %sub3A = arith.subf %get3A_3, %get3A_6 : vector<512x2048xf32>
    %eq3A_10 = arith.constant 1 : i32
    %eq3A_11 = vector.broadcast %eq3A_10 : i32 to vector<512x1xi32>
    %eq3A_12 = arith.cmpi eq, %get3A_9, %eq3A_11 : vector<512x1xi32>
    %eq3A_13 = arith.constant 2 : i32
    %eq3A_14 = vector.broadcast %eq3A_13 : i32 to vector<512x1xi32>
    %eq3A_15 = arith.cmpi eq, %get3A_9, %eq3A_14 : vector<512x1xi32>
    %jit3A = arith.constant 1.000000e+00 : f32
    %jit3A_16 = arith.constant 0.000000e+00 : f32
    %broadcast_in_dim3A = vector.broadcast %jit3A : f32 to vector<512x1xf32>
    %broadcast_in_dim3A_17 = vector.broadcast %jit3A_16 : f32 to vector<512x1xf32>
    %select_n3A = arith.select %eq3A_15, %broadcast_in_dim3A, %broadcast_in_dim3A_17 : vector<512x1xi1>, vector<512x1xf32>
    %broadcast_in_dim3A_18 = vector.shape_cast %eq3A_12 : vector<512x1xi1> to vector<512x1xi1>
    %broadcast_in_dim3A_19 = vector.broadcast %broadcast_in_dim3A_18 : vector<512x1xi1> to vector<512x2048xi1>
    %broadcast_in_dim3A_20 = vector.shape_cast %select_n3A : vector<512x1xf32> to vector<512x1xf32>
    %broadcast_in_dim3A_21 = vector.broadcast %broadcast_in_dim3A_20 : vector<512x1xf32> to vector<512x2048xf32>
    %select_n3A_22 = arith.select %broadcast_in_dim3A_19, %get3A_6, %broadcast_in_dim3A_21 : vector<512x2048xi1>, vector<512x2048xf32>
    %mul3A = arith.mulf %select_n3A_22, %sub3A : vector<512x2048xf32>
    %get3A_23 = arith.constant 0 : index
    %get3A_24 = arith.constant 0 : index
    %get3A_25 = vector.load %arg4[%get3A_23, %get3A_24] : memref<1x1xf32, #tpu.memory_space<vmem>>, vector<1x1xf32>
    %mul3A_26 = arith.mulf %mul3A, %mul3A : vector<512x2048xf32>
    %reduce_sum3A = vector.shape_cast %mul3A_26 : vector<512x2048xf32> to vector<1x512x2048xf32>
    %reduce_sum3A_27 = arith.constant dense<0.000000e+00> : vector<1xf32>
    %reduce_sum3A_28 = vector.multi_reduction <add>, %reduce_sum3A, %reduce_sum3A_27 [1, 2] : vector<1x512x2048xf32> to vector<1xf32>
    %reduce_sum3A_29 = vector.shape_cast %reduce_sum3A_28 : vector<1xf32> to vector<1x1x1xf32>
    %reduce_sum3A_30 = vector.extract %reduce_sum3A_29[0, 0, 0] : f32 from vector<1x1x1xf32>
    %reshape3A = vector.broadcast %reduce_sum3A_30 : f32 to vector<1x1xf32>
    %add3A = arith.addf %get3A_25, %reshape3A : vector<1x1xf32>
    %swap3A = arith.constant 0 : index
    %swap3A_31 = arith.constant 0 : index
    %swap3A_32 = vector.load %arg4[%swap3A, %swap3A_31] : memref<1x1xf32, #tpu.memory_space<vmem>>, vector<1x1xf32>
    tpu.vector_store %arg4[%swap3A, %swap3A_31], %add3A {strides = array<i32>} : memref<1x1xf32, #tpu.memory_space<vmem>>, vector<1x1xf32>,
    return
  }
  func.func @transform_0(%arg0: i32) -> (i32, i32) {
    %c0_i32 = arith.constant 0 : i32
    %c0_i32_0 = arith.constant 0 : i32
    return %arg0, %c0_i32 : i32, i32
  }
  func.func @transform_1(%arg0: i32) -> (i32, i32) {
    %c0_i32 = arith.constant 0 : i32
    %c0_i32_0 = arith.constant 0 : i32
    return %arg0, %c0_i32 : i32, i32
  }
  func.func @transform_2(%arg0: i32) -> (i32, i32) {
    %c0_i32 = arith.constant 0 : i32
    %c0_i32_0 = arith.constant 0 : i32
    return %arg0, %c0_i32 : i32, i32
  }
  func.func @transform_3(%arg0: i32) -> (i32, i32) {
    %c0_i32 = arith.constant 0 : i32
    %c0_i32_0 = arith.constant 0 : i32
    %c0_i32_1 = arith.constant 0 : i32
    return %c0_i32, %c0_i32_0 : i32, i32
  }
}

</mosaic_0001>

<sc_bundles>
// kernel: kernel.4.cloned.1.call-start
scs
__scs_entry_jumppad:
0x0: {  	(pc) =	sbr.rel $0x88, $3  }
0x1: {  	(tag) =	ssettag $0x0;
	lr =	simm.s32 $0x1  }
0x2: {  	[smem:$0x3F9E] =	sst lr;
	_ =	strace $0xD0000000  }
0x3: {  	_ = 	snop  }
0x4: {  	_ = 	snop  }
0x5: {  	_ = 	snop  }
0x6: {  	_ = 	snop  }
0x7: {  	_ = 	snop  }
__scs_overlays_trampoline_lowered:
0x8: {  	[smem:$0x3FAD] =	sst s0  }
0x9: {  	[smem:$0x3FAE] =	sst s1  }
0xa: {  	[smem:$0x3FAF] =	sst s2  }
0xb: {  	[smem:$0x3FB0] =	sst s3  }
0xc: {  	[smem:$0x3FB1] =	sst s4  }
0xd: {  	[smem:$0x3FB2] =	sst s5  }
0xe: {  	[smem:$0x3FB3] =	sst s6  }
0xf: {  	[smem:$0x3FB4] =	sst s7  }
0x10: {  	[smem:$0x3FB5] =	sst s8  }
0x11: {  	[smem:$0x3FB6] =	sst s9;
	s0 =	simm.s32 @!p0 $0x0  }
0x12: {  	s1 =	sld [smem:$0x3F9C];
	s0 =	simm.s32 @p0 $0x1  }
0x13: {  	[smem:$0x3FB7] =	sst s0;
	s0 =	simm.s32 @!p1 $0x0  }
0x14: {  	s2 =	sld [smem:$0x3F9B];
	s0 =	simm.s32 @p1 $0x1  }
0x15: {  	[smem:$0x3FB8] =	sst s0;
	s0 =	simm.s32 @!p2 $0x0  }
0x16: {  	s3 =	sld [smem:$0x3FDB];
	s0 =	simm.s32 @p2 $0x1  }
0x17: {  	s4 =	simm.s32 $0x1BF5;
	[smem:$0x3FBA] =	sst s0  }
0x18: {  	s0 =	sld [smem:$0x3F9D];
	_ =	swait.ge [sflag:s4], $0x0  }
0x19: {  	s7 =	sld [smem:$0x3F9E]  }
0x1a: {  	s8 =	sadd.s32 $0xFFFFE003, lr  }
0x1b: {  	s9 =	sadd.s32 $0xFFFFFEF7, lr;
	s5 =	simm.s32 $0xFFFFFFFF;
	p2 =	slt.u32 s8, $0xFFFFF086  }
0x1c: {  	p1 =	slt.u32 s9, $0xF7A;
	s5 =	simm.s32 @!p2 $0x0  }
0x1d: {  	s5 =	simm.s32 @p1 $0x1;
	p0 =	seq.s32 s7, s2  }
0x1e: {  	s7 =	smul.u32 @!p0 $0xF7A, s2;
	p2 =	seq.s32 @!p0 s5, $0x0  }
0x1f: {  	s9 =	smul.u32 $0xF7A, s1;
	s8 =	simm.s32 @!p0 $0x1BF5;
	p2 =	por !p2, p0  }
0x20: {  	[sflag:s8] =	ssyncset.s32 @!p0 $0xFFFFF086;
	s6 =	sadd.s32 @!p0 s3, s7;
	s7 =	simm.s32 @!p0 $0x108  }
0x21: {  	s3 =	sadd.s32 s3, s9;
	s6 =	sadd.s32 @!p0 $0x88, s6;
	s7 =	simm.s32 @p2 $0x1082  }
0x22: {  	[simem:s7], [sflag:s8] =	dma.local @!p0 [hbm:s6], $0xF7A  }
0x23: {  	s9 =	sor.u32 $0xD0000000, s2;
	s6 =	simm.s32 $0x108;
	_ =	swait.ge @!p0 [sflag:s8], $0x0  }
0x24: {  	s3 =	sadd.s32 $0x88, s3;
	s6 =	simm.s32 @!p1 $0x1082;
	[sflag:s4] =	ssyncset.s32 $0xFFFFF086  }
0x25: {  	[simem:s6], [sflag:s4] =	dma.local [hbm:s3], $0xF7A  }
0x26: {  	[smem:$0x3F9E] =	sst s1;
	(tag) =	ssettag s2;
	_ =	strace s9  }
0x27: {  	s1 =	sld [smem:$0x3FAE]  }
0x28: {  	s2 =	sld [smem:$0x3FAF]  }
0x29: {  	s4 =	sld [smem:$0x3FB1]  }
0x2a: {  	p0 =	seq.s32 s5, $0x0;
	s5 =	sld [smem:$0x3FB2]  }
0x2b: {  	s6 =	sld [smem:$0x3FB3]  }
0x2c: {  	s7 =	sld [smem:$0x3FB4]  }
0x2d: {  	s3 =	simm.s32 $0x108;
	s8 =	sld [smem:$0x3FB5]  }
0x2e: {  	s3 =	simm.s32 @!p0 $0x1082;
	s9 =	sld [smem:$0x3FB6]  }
0x2f: {  	lr =	sadd.s32 s0, s3;
	s0 =	sld [smem:$0x3FAD]  }
0x30: {  	s3 =	sld [smem:$0x3FB0]  }
0x31: {  	[smem:$0x3FB9] =	sst s10  }
0x32: {  	s10 =	sld [smem:$0x3FB7];
	_ =	sdelay $0x3  }
0x33: {  	p0 =	seq.s32 s10, $0x1;
	s10 =	sld [smem:$0x3FB9];
	_ =	sdelay $0x3  }
0x34: {  	[smem:$0x3FB9] =	sst s10  }
0x35: {  	s10 =	sld [smem:$0x3FB8];
	_ =	sdelay $0x3  }
0x36: {  	p1 =	seq.s32 s10, $0x1;
	s10 =	sld [smem:$0x3FB9];
	_ =	sdelay $0x3  }
0x37: {  	[smem:$0x3FB9] =	sst s10  }
0x38: {  	s10 =	sld [smem:$0x3FBA]  }
0x39: {  	_ = 	snop;
	(pc) =	sbr.ind lr, $3  }
0x3a: {  	_ = 	snop  }
0x3b: {  	_ = 	snop  }
0x3c: {  	p2 =	seq.s32 s10, $0x1;
	s10 =	sld [smem:$0x3FB9]  }
0x3d: {  	_ =	shalt  }
0x3e: {  	_ =	shalt  }
0x3f: {  	_ =	shalt  }
0x40: {  	_ =	shalt  }
0x41: {  	_ =	shalt  }
0x42: {  	_ =	shalt  }
0x43: {  	_ =	shalt  }
0x44: {  	_ =	shalt  }
0x45: {  	_ =	shalt  }
0x46: {  	_ =	shalt  }
0x47: {  	_ =	shalt  }
0x48: {  	_ =	shalt  }
0x49: {  	_ =	shalt  }
0x4a: {  	_ =	shalt  }
0x4b: {  	_ =	shalt  }
0x4c: {  	_ =	shalt  }
0x4d: {  	_ =	shalt  }
0x4e: {  	_ =	shalt  }
0x4f: {  	_ =	shalt  }
0x50: {  	_ =	shalt  }
0x51: {  	_ =	shalt  }
0x52: {  	_ =	shalt  }
0x53: {  	_ =	shalt  }
0x54: {  	_ =	shalt  }
0x55: {  	_ =	shalt  }
0x56: {  	_ =	shalt  }
0x57: {  	_ =	shalt  }
0x58: {  	_ =	shalt  }
0x59: {  	_ =	shalt  }
0x5a: {  	_ =	shalt  }
0x5b: {  	_ =	shalt  }
0x5c: {  	_ =	shalt  }
0x5d: {  	_ =	shalt  }
0x5e: {  	_ =	shalt  }
0x5f: {  	_ =	shalt  }
0x60: {  	_ =	shalt  }
0x61: {  	_ =	shalt  }
0x62: {  	_ =	shalt  }
0x63: {  	_ =	shalt  }
0x64: {  	_ =	shalt  }
0x65: {  	_ =	shalt  }
0x66: {  	_ =	shalt  }
0x67: {  	_ =	shalt  }
0x68: {  	_ =	shalt  }
0x69: {  	_ =	shalt  }
0x6a: {  	_ =	shalt  }
0x6b: {  	_ =	shalt  }
0x6c: {  	_ =	shalt  }
0x6d: {  	_ =	shalt  }
0x6e: {  	_ =	shalt  }
0x6f: {  	_ =	shalt  }
0x70: {  	_ =	shalt  }
0x71: {  	_ =	shalt  }
0x72: {  	_ =	shalt  }
0x73: {  	_ =	shalt  }
0x74: {  	_ =	shalt  }
0x75: {  	_ =	shalt  }
0x76: {  	_ =	shalt  }
0x77: {  	_ =	shalt  }
0x78: {  	_ =	shalt  }
0x79: {  	_ =	shalt  }
0x7a: {  	_ =	shalt  }
0x7b: {  	_ =	shalt  }
0x7c: {  	_ =	shalt  }
0x7d: {  	_ =	shalt  }
0x7e: {  	_ =	shalt  }
0x7f: {  	_ =	shalt  }
0x80: {  	_ =	shalt  }
0x81: {  	_ =	shalt  }
0x82: {  	_ =	shalt  }
0x83: {  	_ =	shalt  }
0x84: {  	_ =	shalt  }
0x85: {  	_ =	shalt  }
0x86: {  	_ =	shalt  }
0x87: {  	_ =	shalt  }
.Lfunc_end0:
.L_simem_size_0:
called_computation_lowered:
.L_overlay_start_0:
0x88: {  	s2 =	sld [smem:$0x3FD9]  }
0x89: {  	s3 =	sld [smem:$0x3FFE];
	_ =	sdelay $0x1  }
0x8a: {  	s1 =	srdreg.scid  }
0x8b: {  	s0 =	sand.u32 $0x1, s1  }
0x8c: {  	s17 =	sshll.u32 s0, $0xA;
	s2 =	sadd.s32 s3, s2  }
0x8d: {  	s2 =	sadd.s32 s2, s17  }
0x8e: {  	[smem:$0x3FC5] =	sst s2  }
0x8f: {  	_ = 	snop  }
0x90: {  	s2 =	sld [smem:$0x3FC9]  }
0x91: {  	s18 =	sld [smem:$0x3FC8]  }
0x92: {  	s4 =	sld [smem:$0x3FC7];
	(tm) =	ssettm $0x1  }
0x93: {  	s5 =	sld [smem:$0x3FFB];
	_ =	sdelay $0x3  }
0x94: {  	_ =	strace s5  }
0x95: {  	s5 =	sld [smem:$0x3FFC];
	_ =	sdelay $0x3  }
0x96: {  	_ =	strace s5  }
0x97: {  	s5 =	sld [smem:$0x3FFD];
	_ =	sdelay $0x3  }
0x98: {  	_ =	strace s5  }
0x99: {  	_ =	strace $0x8FFFFFFF  }
0x9a: {  	s19 =	sld [smem:$0x3FDB];
	_ =	sdelay $0x1  }
0x9b: {  	s6 =	simm.s32 $_scs_section_size  }
0x9c: {  	s7 =	simm.s32 $_size__tile_overlayer_lowered;
	s8 =	simm.s32 $_tile_overlayer_lowered  }
0x9d: {  	s22 =	simm.s32 $0x1BFF;
	s21 =	sshll.u32 s8, $0x1;
	s5 =	sadd.s32 s6, s19  }
0x9e: {  	s9 =	simm.s32 $0x0;
	s20 =	sshll.u32 s7, $0x1;
	s7 =	sadd.s32 s21, s5  }
0x9f: {  	[timem:s9], [sflag:s22] =	dma.local [hbm:s7], s20  }
0xa0: {  	_ =	swait.ge [sflag:s22], s20  }
0xa1: {  	s6 =	ssub.s32 $0x0, s20;
	[sflag:s22] =	ssyncset.done $0x0  }
0xa2: {  	[sflag:s22] =	ssyncadd.s32 s6;
	_ =	sdelay $0x1  }
0xa3: {  	s23 =	simm.s32 $0x1B8B  }
0xa4: {  	_ =	swait.ge [sflag:s23], $0x1  }
0xa5: {  	[sflag:s23] =	ssyncset.done $0x0  }
0xa6: {  	s25 =	simm.s32 $0x1B8E;
	s24 =	sld [smem:$0x3FFE];
	[sflag:s23] =	ssyncadd.s32 $0xFFFFFFFF  }
0xa7: {  	s26 =	simm.s32 $execute0_lowered;
	[smem:$0x3FD2] =	sst s25  }
0xa8: {  	s7 =	sshll.u32 s26, $0x1;
	_ =	strace $0x80000046;
	[dreg:$0x1] =	wrdreg $0xFFFFFFFF  }
0xa9: {  	s28 =	simm.s32 $_size_execute0_lowered;
	s5 =	sadd.s32 s5, s7;
	[dreg:$0x0] =	wrdreg $0x0  }
0xaa: {  	s7 =	sshll.u32 s28, $0x1;
	[dreg:$0x2] =	wrdreg s5  }
0xab: {  	[dreg:$0x3] =	wrdreg s7  }
0xac: {  	[dreg:$0x4] =	wrdreg $0xC0  }
0xad: {  	_ =	task [dreg:s9], $0x5FFFF  }
0xae: {  	[dreg:$0x1] =	wrdreg $0xFFFFFFFF  }
0xaf: {  	[dreg:$0x0] =	wrdreg $0x60  }
0xb0: {  	[dreg:$0x2] =	wrdreg s2  }
0xb1: {  	[dreg:$0x3] =	wrdreg s18  }
0xb2: {  	[dreg:$0x4] =	wrdreg s4  }
0xb3: {  	[dreg:$0x5] =	wrdreg s24  }
0xb4: {  	[dreg:$0x6] =	wrdreg $0x9  }
0xb5: {  	_ =	task.clear_ibuf [dreg:s9], $0x7FFFF;
	_ =	strace $0x90000046  }
0xb6: {  	s29 =	simm.s32 $0x9;
	_ =	strace $0x80000048  }
0xb7: {  	_ =	swait.ge [sflag:s29], $0x1  }
0xb8: {  	[sflag:s29] =	ssyncadd.s32 $0xFFFFFFFF  }
0xb9: {  	_ =	strace $0x90000048  }
0xba: {  	_ =	sfence  }
0xbb: {  	s30 =	sld [smem:$0x0];
	_ =	sdelay $0x2  }
0xbc: {  	s31 =	sshll.u32 s1, $0xD;
	s1 =	sshrl.u32 s1, $0x2  }
0xbd: {  	s3 =	sand.u32 $0x4000, s31;
	s1 =	sadd.s32 s1, s30  }
0xbe: {  	s0 =	sor.u32 s3, s0;
	s1 =	sshll.u32 s1, $0x11  }
0xbf: {  	s0 =	sor.u32 s1, s0  }
0xc0: {  	s0 =	sadd.s32 $0x8F2B, s0  }
0xc1: {  	[sflag:s0] =	ssyncadd.remote.s32 $0x1  }
0xc2: {  	_ =	sfence.sel $0xFFFF  }
0xc3: {  	[dreg:$0x0] =	wrdreg $0xFFFFFFFF;
	(pc) =	sbr.abs _section_cstart, $3  }
0xc4: {  	[dreg:$0x1] =	wrdreg $0xFFFFFFFF  }
0xc5: {  	_ =	task.clear_ibuf [dreg:s9], $0x2FFFF;
	_ =	strace $0x9FFFFFFF  }
0xc6: {  	(tm) =	ssettm $0x7FFFFFFF  }
0xc7: {  	_ =	shalt  }
tec
execute0_lowered:
.L_overlay_start_1:
0x0: {  	(tag) =	ssettag $0x1  }
0x1: {  	s1 =	rddreg [dreg:$0x0]  }
0x2: {  	s2 =	rddreg [dreg:$0x1]  }
0x3: {  	s0 =	rddreg [dreg:$0x2]  }
0x4: {  	s3 =	rddreg [dreg:$0x3]  }
0x5: {  	s5 =	srdreg.scid;
	s4 =	simm.s32 $0x0;
	s6 =	stileid.u32  }
0x6: {  	s23 =	simm.s32 $0x7;
	s24 =	simm.s32 $0x80;
	s25 =	simm.s32 $0x180  }
0x7: {  	s30 =	simm.s32 $0x0;
	s5 =	sand.u32 $0x1, s5;
	[smem:$0x7FF] =	sst s4  }
0x8: {  	s6 =	sshll.u32 s6, $0x8;
	s9 =	sadd.s32 $0x300, s1;
	s10 =	sadd.s32 $0x400, s1  }
0x9: {  	s11 =	sadd.s32 $0x500, s1;
	s12 =	sadd.s32 $0x600, s1;
	s13 =	sadd.s32 $0x700, s1  }
0xa: {  	s14 =	sadd.s32 $0x100, s2;
	s15 =	sadd.s32 $0x200, s2;
	s16 =	sadd.s32 $0x300, s2  }
0xb: {  	s17 =	sadd.s32 $0x400, s2;
	s18 =	sadd.s32 $0x500, s2;
	s7 =	sshll.u32 s5, $0x7  }
0xc: {  	s19 =	sadd.s32 $0x600, s2;
	s5 =	ssub.s32 $0x2, s5;
	s6 =	sor.u32 s7, s6  }
0xd: {  	_ =	strace $0x80000047;
	s8 =	sshrl.u32 s5, $0x1;
	s7 =	sshrl.u32 s6, $0x3  }
.Ltmp0:
0xe: {  	s21 =	sor.u32 $0x1000, s6;
	s5 =	ssub.s32 s5, s8;
	(pc) =	sbr.rel .LBB2_1-.Ltmp0, $4  }
0xf: {  	s6 =	sshrl.u32 s21, $0x3;
	s31 =	smax.u32 s5, $0x1;
	[dreg:$0x5] =	wrdreg s21  }
0x10: {  	v1 =	vlaneseq.u32;
	v2 =	vimm.s32 $0x0;
	s3 =	sadd.s32 s7, s3;
	s0 =	sadd.s32 s0, s6;
	[dreg:$0x8] =	wrdreg s31  }
0x11: {  	v3 =	vimm.f32 $0.0e+00;
	vm0 =	vmmov $0xffff;
	s20 =	sadd.s32 $0x700, s2;
	v5 =	vshrl.u32 v1, $0x3;
	s29 =	sadd.s32 $0x200, s3;
	[dreg:$0x6] =	wrdreg s0  }
0x12: {  	v4 =	vand.u32 $0x7, v1;
	v5 =	vmul.u32 $0x8, v5;
	s8 =	sadd.s32 $0x200, s1;
	s7 =	sadd.s32 $0x100, s1;
	v0 =	vmov s21;
	[dreg:$0x7] =	wrdreg s29  }
.LBB2_27:
0x13: {  	[tilespmem:$0x18280] =	vst v6;
	s0 =	rddreg [dreg:$0x7];
	s3 =	simm.s32 $0x18280  }
0x14: {  	[hbm4b:s0+s4] =	stream.linear.scatter [tilespmem:s3], [sflag:$0x7], $0x80, $0x38;
	[tilespmem:$0x18300] =	vst v63  }
0x15: {  	_ =	swait.ge [sflag:s23], $0x80  }
0x16: {  	s30 =	sadd.s32 $0x1, s30;
	s31 =	rddreg [dreg:$0x8]  }
0x17: {  	p0 =	sne.s32 s30, s31  }
.Ltmp1:
0x18: {  	_ = 	snop;
	(pc) =	sbr.rel @!p0 .LBB2_28-.Ltmp1, $3  }
0x19: {  	_ =	sdelay $0x1  }
0x1a: {  	[sflag:s23] =	ssyncset.done $0x0  }
0x1b: {  	[sflag:s23] =	ssyncadd.s32 $0xFFFFFF80  }
.LBB2_1:
0x1c: {  	s0 =	rddreg [dreg:$0x6]  }
0x1d: {  	[tilespmem:s4], [sflag:$0x7] =	stream.linear.gather [hbm4b:s0+s4], $0x80, $0x38;
	[tilespmem:$0x18300] =	vst v63  }
0x1e: {  	_ =	swait.ge [sflag:s23], $0x80  }
0x1f: {  	[sflag:s23] =	ssyncset.done $0x0  }
0x20: {  	[sflag:s23] =	ssyncadd.s32 $0xFFFFFF80  }
0x21: {  	[tilespmem:$0x80] =	vst v0  }
0x22: {  	[tilespmem:$0x180] =	vst v2  }
0x23: {  	[tilespmem:$0x90] =	vst v0  }
0x24: {  	[tilespmem:$0x190] =	vst v2  }
0x25: {  	[tilespmem:$0xA0] =	vst v0  }
0x26: {  	[tilespmem:$0x1A0] =	vst v2  }
0x27: {  	[tilespmem:$0xB0] =	vst v0  }
0x28: {  	[tilespmem:$0x1B0] =	vst v2  }
0x29: {  	[tilespmem:$0xC0] =	vst v0  }
0x2a: {  	[tilespmem:$0x1C0] =	vst v2  }
0x2b: {  	[tilespmem:$0xD0] =	vst v0  }
0x2c: {  	[tilespmem:$0x1D0] =	vst v2  }
0x2d: {  	[tilespmem:$0xE0] =	vst v0  }
0x2e: {  	[tilespmem:$0x1E0] =	vst v2  }
0x2f: {  	[tilespmem:$0xF0] =	vst v0  }
0x30: {  	[tilespmem:$0x1F0] =	vst v2  }
0x31: {  	[tilespmem:$0x100] =	vst v0  }
0x32: {  	s31 =	simm.s32 $0x0;
	[tilespmem:$0x200] =	vst v2  }
0x33: {  	v6 =	vld [tilespmem:s31+$0x0];
	_ =	sdelay $0x4  }
0x34: {  	vm1 =	vne.s32 v6, $0x0  }
0x35: {  	v7 =	vsel vm1, $0x1, v2  }
0x36: {  	(xrf0) =	vadd.scan.msk.s32 $0xffff, v7;
	_ =	sdelay $0x2  }
0x37: {  	v7 =	vmov s4  }
0x38: {  	v7 =	vadd.s32 $0xFFFFFFFF, v7  }
0x39: {  	v7 =	vbroadcast v7, $0x0  }
0x3a: {  	v8, _, _ =	vpop (xrf0)  }
0x3b: {  	v7 =	vadd.s32 v8, v7;
	(v2sf) =	vpush v8, $0xF  }
0x3c: {  	vm2 =	vgt.s32 v7, $0x0  }
0x3d: {  	v7 =	vnsel vm2, $0x0, v7;
	_ =	sdelay $0x2  }
0x3e: {  	s0 =	rddreg [dreg:$0x5]  }
0x3f: {  	v9 =	vor.u32 s0, v1  }
0x40: {  	[tilespmem:v7+s24+$0x0] =	vst.idx.msk vm1, v9  }
0x41: {  	s6 =	simm.s32 $0x10;
	s5 =	simm.s32 $0x80;
	s3 =	simm.s32 $0x0;
	[tilespmem:v7+s25+$0x0] =	vst.idx.msk vm1, v6  }
.LBB2_2:
0x42: {  	p0 =	sne.s32 s5, $0x1C0;
	v6 =	vld [tilespmem:s6+$0x0];
	_ =	sdelay $0x4  }
0x43: {  	vm1 =	vne.s32 v6, $0x0  }
0x44: {  	v7 =	vsel vm1, $0x1, v2;
	s6 =	spop (v2sf)  }
0x45: {  	(xrf0) =	vadd.scan.msk.s32 $0xffff, v7;
	s3 =	sadd.s32 s3, s6  }
0x46: {  	v7 =	vmov s3  }
0x47: {  	v7 =	vadd.s32 $0xFFFFFFFF, v7  }
0x48: {  	v7 =	vbroadcast v7, $0x0;
	_ =	sdelay $0x2  }
0x49: {  	v8, _, _ =	vpop (xrf0)  }
0x4a: {  	v7 =	vadd.s32 v8, v7;
	(v2sf) =	vpush v8, $0xF  }
0x4b: {  	vm2 =	vgt.s32 v7, $0x0  }
0x4c: {  	v7 =	vnsel vm2, $0x0, v7;
	_ =	sdelay $0x1  }
.Ltmp2:
0x4d: {  	(pc) =	sbr.rel @p0 .LBB2_2-.Ltmp2, $4  }
0x4e: {  	s0 =	sadd.s32 $0x10, s0  }
0x4f: {  	v8 =	vor.u32 s0, v1  }
0x50: {  	[tilespmem:v7+s24+$0x0] =	vst.idx.msk vm1, v8  }
0x51: {  	s6 =	sshra.s32 s5, $0x2;
	s5 =	sadd.s32 $0x40, s5;
	[tilespmem:v7+s25+$0x0] =	vst.idx.msk vm1, v6  }
0x52: {  	v6 =	vld [tilespmem:s6+$0x0];
	_ =	sdelay $0x4  }
0x53: {  	vm1 =	vne.s32 v6, $0x0  }
0x54: {  	v7 =	vsel vm1, $0x1, v2  }
0x55: {  	(xrf0) =	vadd.scan.msk.s32 $0xffff, v7;
	_ =	sdelay $0x5  }
0x56: {  	v7, _, _ =	vpop (xrf0)  }
0x57: {  	(v2sf) =	vpush v7, $0xF;
	_ =	sdelay $0xd  }
0x58: {  	s5 =	spop (v2sf)  }
0x59: {  	s3 =	sadd.s32 s3, s5;
	s26 =	spop (v2sf)  }
0x5a: {  	v8 =	vmov s3;
	s3 =	sadd.s32 s3, s26  }
0x5b: {  	s3 =	sadd.s32 $0x7, s3  }
0x5c: {  	v8 =	vadd.s32 $0xFFFFFFFF, v8;
	s28 =	sand.u32 $0x7, s3  }
0x5d: {  	v8 =	vbroadcast v8, $0x0;
	s29 =	sshra.s32 s3, $0x1F;
	p1 =	slt.s32 s3, $0x1;
	p0 =	sne.s32 s28, $0x0  }
0x5e: {  	s5 =	sshrl.u32 s29, $0x1D;
	p0 =	por !p1, !p0  }
0x5f: {  	v7 =	vadd.s32 v7, v8;
	s3 =	sadd.s32 s5, s3;
	s5 =	simm.s32 $0x1;
	p0 =	por !p0, !p0  }
0x60: {  	vm2 =	vgt.s32 v7, $0x0;
	s3 =	sshra.s32 s3, $0x3;
	s5 =	simm.s32 @!p0 $0x0  }
0x61: {  	v7 =	vnsel vm2, $0x0, v7;
	s31 =	ssub.s32 s3, s5  }
0x62: {  	p0 =	sgt.s32 s31, $0x2  }
.Ltmp3:
0x63: {  	_ = 	snop;
	(pc) =	sbr.rel @p0 .LBB2_11-.Ltmp3, $4  }
0x64: {  	s0 =	sadd.s32 $0x10, s0  }
0x65: {  	v63 =	vor.u32 s0, v1  }
0x66: {  	[tilespmem:v7+s24+$0x0] =	vst.idx.msk vm1, v63  }
0x67: {  	s0 =	simm.s32 $0x0;
	[tilespmem:v7+s25+$0x0] =	vst.idx.msk vm1, v6  }
0x68: {  	s3 =	sand.u32 $0x380, s0;
	s5 =	sand.u32 $0x3C00, s0  }
0x69: {  	s6 =	sand.u32 $0x70, s0;
	s3 =	sor.u32 s3, s5  }
0x6a: {  	s5 =	sor.u32 s6, s3  }
0x6b: {  	[tilespmem:s5+$0x4280] =	vst v3  }
0x6c: {  	s3 =	sadd.s32 $0x1, s0;
	s6 =	simm.s32 $0x0;
	[tilespmem:s5+$0x280] =	vst v3;
	s5 =	simm.s32 $0x0  }
.LBB2_5:
0x6d: {  	s21 =	sand.u32 $0x380, s3  }
0x6e: {  	s5 =	sadd.s32 $0x10, s5;
	s6 =	sadd.s32 $0x80, s6;
	p0 =	sne.s32 s3, $0x3FF  }
.Ltmp4:
0x6f: {  	s3 =	sadd.s32 $0x1, s3;
	s22 =	sand.u32 $0x3C00, s6;
	(pc) =	sbr.rel @p0 .LBB2_5-.Ltmp4, $4  }
0x70: {  	s26 =	sand.u32 $0x70, s5;
	s21 =	sor.u32 s21, s22  }
0x71: {  	s21 =	sor.u32 s26, s21  }
0x72: {  	[tilespmem:s21+$0x4280] =	vst v3  }
0x73: {  	[tilespmem:s21+$0x280] =	vst v3  }
0x74: {  	s3 =	simm.s32 $0x0;
	s5 =	simm.s32 $0x0  }
.LBB2_7:
0x75: {  	p0 =	sne.s32 s5, $0x3FF  }
.Ltmp5:
0x76: {  	s6 =	sand.u32 $0x380, s5;
	s21 =	sand.u32 $0x3C00, s0;
	(pc) =	sbr.rel @p0 .LBB2_7-.Ltmp5, $4  }
0x77: {  	s22 =	sand.u32 $0x70, s3;
	s6 =	sor.u32 s6, s21  }
0x78: {  	s6 =	sor.u32 s22, s6  }
0x79: {  	[tilespmem:s6+$0x8280] =	vst v3  }
0x7a: {  	s3 =	sadd.s32 $0x10, s3;
	s0 =	sadd.s32 $0x80, s0;
	s5 =	sadd.s32 $0x1, s5;
	[tilespmem:s6+$0xC280] =	vst v3  }
0x7b: {  	s0 =	simm.s32 $0x0  }
0x7c: {  	s3 =	sand.u32 $0x380, s0;
	s5 =	sand.u32 $0x3C00, s0  }
0x7d: {  	s6 =	sand.u32 $0x70, s0;
	s3 =	sor.u32 s3, s5  }
0x7e: {  	s5 =	sor.u32 s6, s3  }
0x7f: {  	[tilespmem:s5+$0x14280] =	vst v3  }
0x80: {  	s3 =	simm.s32 $0x1;
	[tilespmem:s5+$0x10280] =	vst v3;
	s5 =	simm.s32 $0x0  }
.LBB2_9:
0x81: {  	s6 =	sand.u32 $0x380, s3  }
0x82: {  	s0 =	sadd.s32 $0x10, s0;
	s5 =	sadd.s32 $0x80, s5;
	p0 =	sne.s32 s3, $0x3FF  }
.Ltmp6:
0x83: {  	s3 =	sadd.s32 $0x1, s3;
	s21 =	sand.u32 $0x3C00, s5;
	(pc) =	sbr.rel @p0 .LBB2_9-.Ltmp6, $4  }
0x84: {  	s22 =	sand.u32 $0x70, s0;
	s6 =	sor.u32 s6, s21  }
0x85: {  	s6 =	sor.u32 s22, s6  }
0x86: {  	[tilespmem:s6+$0x14280] =	vst v3  }
0x87: {  	[tilespmem:s6+$0x10280] =	vst v3  }
0x88: {  	p0 =	slt.s32 s31, $0x1  }
.Ltmp7:
0x89: {  	_ = 	snop;
	(pc) =	sbr.rel @p0 .LBB2_13-.Ltmp7, $1  }
0x8a: {  	_ =	sdelay $0x3  }
.LBB2_11:
0x8b: {  	v6 =	vld.msk [tilespmem:$0x80], $0xff;
	_ =	sdelay $0x4  }
0x8c: {  	v7 =	vshll.u32 v6, $0x4  }
0x8d: {  	v6 =	vand.u32 $0x7, v6;
	v7 =	vand.u32 $0xFFFFFF80, v7  }
0x8e: {  	v6 =	vor.u32 v6, v7  }
0x8f: {  	v6 =	vperm.xlane v6, v4;
	_ =	sdelay $0x1  }
0x90: {  	v6 =	vadd.s32 v5, v6;
	_ =	sdelay $0x3  }
0x91: {  	s0 =	simm.s32 $0x280  }
0x92: {  	[tilespmem:s0], [sflag:$0x1] =	stream.indirect_vreg.gather [hbm4b:s1+s4], $0x80, v6, vm0, $0xb8;
	[tilespmem:$0x18300] =	vst v63  }
0x93: {  	s5 =	simm.s32 $0xA80  }
0x94: {  	[tilespmem:s5], [sflag:$0x1] =	stream.indirect_vreg.gather [hbm4b:s7+s4], $0x80, v6, vm0, $0xb8;
	[tilespmem:$0x18300] =	vst v63  }
0x95: {  	s6 =	simm.s32 $0x1280  }
0x96: {  	[tilespmem:s6], [sflag:$0x1] =	stream.indirect_vreg.gather [hbm4b:s8+s4], $0x80, v6, vm0, $0xb8;
	[tilespmem:$0x18300] =	vst v63  }
0x97: {  	s21 =	simm.s32 $0x1A80  }
0x98: {  	[tilespmem:s21], [sflag:$0x1] =	stream.indirect_vreg.gather [hbm4b:s9+s4], $0x80, v6, vm0, $0xb8;
	[tilespmem:$0x18300] =	vst v63  }
0x99: {  	s22 =	simm.s32 $0x2280  }
0x9a: {  	[tilespmem:s22], [sflag:$0x1] =	stream.indirect_vreg.gather [hbm4b:s10+s4], $0x80, v6, vm0, $0xb8;
	[tilespmem:$0x18300] =	vst v63  }
0x9b: {  	s26 =	simm.s32 $0x2A80  }
0x9c: {  	[tilespmem:s26], [sflag:$0x1] =	stream.indirect_vreg.gather [hbm4b:s11+s4], $0x80, v6, vm0, $0xb8;
	[tilespmem:$0x18300] =	vst v63  }
0x9d: {  	s28 =	simm.s32 $0x3280  }
0x9e: {  	[tilespmem:s28], [sflag:$0x1] =	stream.indirect_vreg.gather [hbm4b:s12+s4], $0x80, v6, vm0, $0xb8;
	[tilespmem:$0x18300] =	vst v63  }
0x9f: {  	s29 =	simm.s32 $0x3A80  }
0xa0: {  	[tilespmem:s29], [sflag:$0x1] =	stream.indirect_vreg.gather [hbm4b:s13+s4], $0x80, v6, vm0, $0xb8;
	[tilespmem:$0x18300] =	vst v63  }
0xa1: {  	v6 =	vld.msk [tilespmem:$0x80], $0xff;
	_ =	sdelay $0x4  }
0xa2: {  	v7 =	vshll.u32 v6, $0x4  }
0xa3: {  	v6 =	vand.u32 $0x7, v6;
	v7 =	vand.u32 $0xFFFFFF80, v7  }
0xa4: {  	v6 =	vor.u32 v6, v7  }
0xa5: {  	v6 =	vperm.xlane v6, v4;
	_ =	sdelay $0x1  }
0xa6: {  	v6 =	vadd.s32 v5, v6;
	_ =	sdelay $0x3  }
0xa7: {  	s3 =	simm.s32 $0x4280  }
0xa8: {  	[tilespmem:s3], [sflag:$0x2] =	stream.indirect_vreg.gather [hbm4b:s2+s4], $0x80, v6, vm0, $0xb8;
	[tilespmem:$0x18300] =	vst v63  }
0xa9: {  	s5 =	simm.s32 $0x4A80  }
0xaa: {  	[tilespmem:s5], [sflag:$0x2] =	stream.indirect_vreg.gather [hbm4b:s14+s4], $0x80, v6, vm0, $0xb8;
	[tilespmem:$0x18300] =	vst v63  }
0xab: {  	s6 =	simm.s32 $0x5280  }
0xac: {  	[tilespmem:s6], [sflag:$0x2] =	stream.indirect_vreg.gather [hbm4b:s15+s4], $0x80, v6, vm0, $0xb8;
	[tilespmem:$0x18300] =	vst v63  }
0xad: {  	s21 =	simm.s32 $0x5A80  }
0xae: {  	[tilespmem:s21], [sflag:$0x2] =	stream.indirect_vreg.gather [hbm4b:s16+s4], $0x80, v6, vm0, $0xb8;
	[tilespmem:$0x18300] =	vst v63  }
0xaf: {  	s22 =	simm.s32 $0x6280  }
0xb0: {  	[tilespmem:s22], [sflag:$0x2] =	stream.indirect_vreg.gather [hbm4b:s17+s4], $0x80, v6, vm0, $0xb8;
	[tilespmem:$0x18300] =	vst v63  }
0xb1: {  	p0 =	slt.u32 s31, $0x2;
	s26 =	simm.s32 $0x6A80  }
0xb2: {  	[tilespmem:s26], [sflag:$0x2] =	stream.indirect_vreg.gather [hbm4b:s18+s4], $0x80, v6, vm0, $0xb8;
	[tilespmem:$0x18300] =	vst v63  }
.Ltmp8:
0xb3: {  	_ = 	snop;
	(pc) =	sbr.rel @p0 .LBB2_13-.Ltmp8, $4  }
0xb4: {  	s28 =	simm.s32 $0x7280  }
0xb5: {  	[tilespmem:s28], [sflag:$0x2] =	stream.indirect_vreg.gather [hbm4b:s19+s4], $0x80, v6, vm0, $0xb8;
	[tilespmem:$0x18300] =	vst v63  }
0xb6: {  	s29 =	simm.s32 $0x7A80  }
0xb7: {  	[tilespmem:s29], [sflag:$0x2] =	stream.indirect_vreg.gather [hbm4b:s20+s4], $0x80, v6, vm0, $0xb8;
	[tilespmem:$0x18300] =	vst v63  }
0xb8: {  	v6 =	vld.msk [tilespmem:$0x88], $0xff;
	_ =	sdelay $0x4  }
0xb9: {  	v7 =	vshll.u32 v6, $0x4  }
0xba: {  	v6 =	vand.u32 $0x7, v6;
	v7 =	vand.u32 $0xFFFFFF80, v7  }
0xbb: {  	v6 =	vor.u32 v6, v7  }
0xbc: {  	v6 =	vperm.xlane v6, v4;
	_ =	sdelay $0x1  }
0xbd: {  	v6 =	vadd.s32 v5, v6;
	_ =	sdelay $0x3  }
0xbe: {  	s0 =	simm.s32 $0x8280  }
0xbf: {  	[tilespmem:s0], [sflag:$0x3] =	stream.indirect_vreg.gather [hbm4b:s1+s4], $0x80, v6, vm0, $0xb8;
	[tilespmem:$0x18300] =	vst v63  }
0xc0: {  	s5 =	simm.s32 $0x8A80  }
0xc1: {  	[tilespmem:s5], [sflag:$0x3] =	stream.indirect_vreg.gather [hbm4b:s7+s4], $0x80, v6, vm0, $0xb8;
	[tilespmem:$0x18300] =	vst v63  }
0xc2: {  	s6 =	simm.s32 $0x9280  }
0xc3: {  	[tilespmem:s6], [sflag:$0x3] =	stream.indirect_vreg.gather [hbm4b:s8+s4], $0x80, v6, vm0, $0xb8;
	[tilespmem:$0x18300] =	vst v63  }
0xc4: {  	s21 =	simm.s32 $0x9A80  }
0xc5: {  	[tilespmem:s21], [sflag:$0x3] =	stream.indirect_vreg.gather [hbm4b:s9+s4], $0x80, v6, vm0, $0xb8;
	[tilespmem:$0x18300] =	vst v63  }
0xc6: {  	s22 =	simm.s32 $0xA280  }
0xc7: {  	[tilespmem:s22], [sflag:$0x3] =	stream.indirect_vreg.gather [hbm4b:s10+s4], $0x80, v6, vm0, $0xb8;
	[tilespmem:$0x18300] =	vst v63  }
0xc8: {  	s26 =	simm.s32 $0xAA80  }
0xc9: {  	[tilespmem:s26], [sflag:$0x3] =	stream.indirect_vreg.gather [hbm4b:s11+s4], $0x80, v6, vm0, $0xb8;
	[tilespmem:$0x18300] =	vst v63  }
0xca: {  	s28 =	simm.s32 $0xB280  }
0xcb: {  	[tilespmem:s28], [sflag:$0x3] =	stream.indirect_vreg.gather [hbm4b:s12+s4], $0x80, v6, vm0, $0xb8;
	[tilespmem:$0x18300] =	vst v63  }
0xcc: {  	s29 =	simm.s32 $0xBA80  }
0xcd: {  	[tilespmem:s29], [sflag:$0x3] =	stream.indirect_vreg.gather [hbm4b:s13+s4], $0x80, v6, vm0, $0xb8;
	[tilespmem:$0x18300] =	vst v63  }
0xce: {  	v6 =	vld.msk [tilespmem:$0x88], $0xff;
	_ =	sdelay $0x4  }
0xcf: {  	v7 =	vshll.u32 v6, $0x4  }
0xd0: {  	v6 =	vand.u32 $0x7, v6;
	v7 =	vand.u32 $0xFFFFFF80, v7  }
0xd1: {  	v6 =	vor.u32 v6, v7  }
0xd2: {  	v6 =	vperm.xlane v6, v4;
	_ =	sdelay $0x1  }
0xd3: {  	v6 =	vadd.s32 v5, v6;
	_ =	sdelay $0x3  }
0xd4: {  	s3 =	simm.s32 $0xC280  }
0xd5: {  	[tilespmem:s3], [sflag:$0x4] =	stream.indirect_vreg.gather [hbm4b:s2+s4], $0x80, v6, vm0, $0xb8;
	[tilespmem:$0x18300] =	vst v63  }
0xd6: {  	s5 =	simm.s32 $0xCA80  }
0xd7: {  	[tilespmem:s5], [sflag:$0x4] =	stream.indirect_vreg.gather [hbm4b:s14+s4], $0x80, v6, vm0, $0xb8;
	[tilespmem:$0x18300] =	vst v63  }
0xd8: {  	s6 =	simm.s32 $0xD280  }
0xd9: {  	[tilespmem:s6], [sflag:$0x4] =	stream.indirect_vreg.gather [hbm4b:s15+s4], $0x80, v6, vm0, $0xb8;
	[tilespmem:$0x18300] =	vst v63  }
0xda: {  	s21 =	simm.s32 $0xDA80  }
0xdb: {  	[tilespmem:s21], [sflag:$0x4] =	stream.indirect_vreg.gather [hbm4b:s16+s4], $0x80, v6, vm0, $0xb8;
	[tilespmem:$0x18300] =	vst v63  }
0xdc: {  	s22 =	simm.s32 $0xE280  }
0xdd: {  	[tilespmem:s22], [sflag:$0x4] =	stream.indirect_vreg.gather [hbm4b:s17+s4], $0x80, v6, vm0, $0xb8;
	[tilespmem:$0x18300] =	vst v63  }
0xde: {  	s26 =	simm.s32 $0xEA80  }
0xdf: {  	[tilespmem:s26], [sflag:$0x4] =	stream.indirect_vreg.gather [hbm4b:s18+s4], $0x80, v6, vm0, $0xb8;
	[tilespmem:$0x18300] =	vst v63  }
0xe0: {  	s28 =	simm.s32 $0xF280  }
0xe1: {  	[tilespmem:s28], [sflag:$0x4] =	stream.indirect_vreg.gather [hbm4b:s19+s4], $0x80, v6, vm0, $0xb8;
	[tilespmem:$0x18300] =	vst v63  }
0xe2: {  	p0 =	seq.s32 s31, $0x2;
	s29 =	simm.s32 $0xFA80  }
0xe3: {  	[tilespmem:s29], [sflag:$0x4] =	stream.indirect_vreg.gather [hbm4b:s20+s4], $0x80, v6, vm0, $0xb8;
	[tilespmem:$0x18300] =	vst v63  }
0xe4: {  	v6 =	vld.msk @!p0 [tilespmem:$0x90], $0xff;
	_ =	sdelay $0x4  }
0xe5: {  	v7 =	vshll.u32 @!p0 v6, $0x4  }
0xe6: {  	v8 =	vlaneseq.u32 @!p0;
	v6 =	vand.u32 @!p0 $0x7, v6;
	v7 =	vand.u32 @!p0 $0xFFFFFF80, v7  }
0xe7: {  	v6 =	vor.u32 @!p0 v6, v7;
	v7 =	vand.u32 @!p0 $0x7, v8;
	v8 =	vshrl.u32 @!p0 v8, $0x3  }
0xe8: {  	v6 =	vperm.xlane @!p0 v6, v7;
	v8 =	vmul.u32 @!p0 $0x8, v8;
	_ =	sdelay $0x1  }
0xe9: {  	v6 =	vadd.s32 @!p0 v8, v6;
	_ =	sdelay $0x3  }
0xea: {  	vm1 =	vmmov @!p0 $0xffff;
	s0 =	simm.s32 @!p0 $0x0;
	s3 =	simm.s32 @!p0 $0x10280  }
0xeb: {  	[tilespmem:s3], [sflag:$0x5] =	stream.indirect_vreg.gather @!p0 [hbm4b:s1+s0], $0x80, v6, vm1, $0xb8;
	[tilespmem:$0x18300] =	vst v63  }
0xec: {  	s3 =	simm.s32 @!p0 $0x10A80  }
0xed: {  	[tilespmem:s3], [sflag:$0x5] =	stream.indirect_vreg.gather @!p0 [hbm4b:s7+s0], $0x80, v6, vm1, $0xb8;
	[tilespmem:$0x18300] =	vst v63  }
0xee: {  	s3 =	simm.s32 @!p0 $0x11280  }
0xef: {  	[tilespmem:s3], [sflag:$0x5] =	stream.indirect_vreg.gather @!p0 [hbm4b:s8+s0], $0x80, v6, vm1, $0xb8;
	[tilespmem:$0x18300] =	vst v63  }
0xf0: {  	s3 =	simm.s32 @!p0 $0x11A80  }
0xf1: {  	[tilespmem:s3], [sflag:$0x5] =	stream.indirect_vreg.gather @!p0 [hbm4b:s9+s0], $0x80, v6, vm1, $0xb8;
	[tilespmem:$0x18300] =	vst v63  }
0xf2: {  	s3 =	simm.s32 @!p0 $0x12280  }
0xf3: {  	[tilespmem:s3], [sflag:$0x5] =	stream.indirect_vreg.gather @!p0 [hbm4b:s10+s0], $0x80, v6, vm1, $0xb8;
	[tilespmem:$0x18300] =	vst v63  }
0xf4: {  	s3 =	simm.s32 @!p0 $0x12A80  }
0xf5: {  	[tilespmem:s3], [sflag:$0x5] =	stream.indirect_vreg.gather @!p0 [hbm4b:s11+s0], $0x80, v6, vm1, $0xb8;
	[tilespmem:$0x18300] =	vst v63  }
0xf6: {  	s3 =	simm.s32 @!p0 $0x13280  }
0xf7: {  	[tilespmem:s3], [sflag:$0x5] =	stream.indirect_vreg.gather @!p0 [hbm4b:s12+s0], $0x80, v6, vm1, $0xb8;
	[tilespmem:$0x18300] =	vst v63  }
0xf8: {  	s3 =	simm.s32 @!p0 $0x13A80  }
0xf9: {  	[tilespmem:s3], [sflag:$0x5] =	stream.indirect_vreg.gather @!p0 [hbm4b:s13+s0], $0x80, v6, vm1, $0xb8;
	[tilespmem:$0x18300] =	vst v63  }
0xfa: {  	v6 =	vld.msk @!p0 [tilespmem:$0x90], $0xff;
	_ =	sdelay $0x4  }
0xfb: {  	v9 =	vshll.u32 @!p0 v6, $0x4  }
0xfc: {  	v6 =	vand.u32 @!p0 $0x7, v6;
	v9 =	vand.u32 @!p0 $0xFFFFFF80, v9  }
0xfd: {  	v6 =	vor.u32 @!p0 v6, v9  }
0xfe: {  	v6 =	vperm.xlane @!p0 v6, v7;
	_ =	sdelay $0x1  }
0xff: {  	v6 =	vadd.s32 @!p0 v8, v6;
	_ =	sdelay $0x3  }
0x100: {  	s3 =	simm.s32 @!p0 $0x14280  }
0x101: {  	[tilespmem:s3], [sflag:$0x6] =	stream.indirect_vreg.gather @!p0 [hbm4b:s2+s0], $0x80, v6, vm1, $0xb8;
	[tilespmem:$0x18300] =	vst v63  }
0x102: {  	s3 =	simm.s32 @!p0 $0x14A80  }
0x103: {  	[tilespmem:s3], [sflag:$0x6] =	stream.indirect_vreg.gather @!p0 [hbm4b:s14+s0], $0x80, v6, vm1, $0xb8;
	[tilespmem:$0x18300] =	vst v63  }
0x104: {  	s3 =	simm.s32 @!p0 $0x15280  }
0x105: {  	[tilespmem:s3], [sflag:$0x6] =	stream.indirect_vreg.gather @!p0 [hbm4b:s15+s0], $0x80, v6, vm1, $0xb8;
	[tilespmem:$0x18300] =	vst v63  }
0x106: {  	s3 =	simm.s32 @!p0 $0x15A80  }
0x107: {  	[tilespmem:s3], [sflag:$0x6] =	stream.indirect_vreg.gather @!p0 [hbm4b:s16+s0], $0x80, v6, vm1, $0xb8;
	[tilespmem:$0x18300] =	vst v63  }
0x108: {  	s3 =	simm.s32 @!p0 $0x16280  }
0x109: {  	[tilespmem:s3], [sflag:$0x6] =	stream.indirect_vreg.gather @!p0 [hbm4b:s17+s0], $0x80, v6, vm1, $0xb8;
	[tilespmem:$0x18300] =	vst v63  }
0x10a: {  	s3 =	simm.s32 @!p0 $0x16A80  }
0x10b: {  	[tilespmem:s3], [sflag:$0x6] =	stream.indirect_vreg.gather @!p0 [hbm4b:s18+s0], $0x80, v6, vm1, $0xb8;
	[tilespmem:$0x18300] =	vst v63  }
0x10c: {  	s3 =	simm.s32 @!p0 $0x17280  }
0x10d: {  	[tilespmem:s3], [sflag:$0x6] =	stream.indirect_vreg.gather @!p0 [hbm4b:s19+s0], $0x80, v6, vm1, $0xb8;
	[tilespmem:$0x18300] =	vst v63  }
0x10e: {  	s3 =	simm.s32 @!p0 $0x17A80  }
0x10f: {  	[tilespmem:s3], [sflag:$0x6] =	stream.indirect_vreg.gather @!p0 [hbm4b:s20+s0], $0x80, v6, vm1, $0xb8;
	[tilespmem:$0x18300] =	vst v63  }
.LBB2_13:
0x110: {  	s0 =	sadd.s32 $0x2, s31  }
0x111: {  	s3 =	smulhi.u32 $0x55555556, s0;
	s0 =	sshra.s32 s0, $0x1F  }
0x112: {  	s0 =	smul.u32 $0x55555556, s0;
	_ =	sdelay $0x1  }
0x113: {  	s0 =	sadd.s32 s0, s3  }
0x114: {  	s3 =	sshrl.u32 s0, $0x1F  }
0x115: {  	s0 =	sadd.s32 s3, s0  }
0x116: {  	s3 =	smul.u32 $0xFFFFFFFD, s0  }
0x117: {  	s5 =	ssub.s32 $0xFFFFFFFE, s31  }
0x118: {  	p0 =	slt.s32 s31, $0xFFFFFFFF;
	p1 =	sne.s32 s3, s5  }
0x119: {  	p0 =	por !p0, !p1  }
0x11a: {  	s3 =	simm.s32 $0x1;
	p0 =	por !p0, !p0  }
0x11b: {  	s3 =	simm.s32 @!p0 $0x0  }
0x11c: {  	s0 =	ssub.s32 s0, s3  }
0x11d: {  	p0 =	slt.s32 s0, $0x1  }
.Ltmp9:
0x11e: {  	_ = 	snop;
	(pc) =	sbr.rel @p0 .LBB2_27-.Ltmp9, $2  }
0x11f: {  	_ =	sdelay $0x2  }
0x120: {  	v6 =	vimm.f32 $0.0e+00;
	s3 =	simm.s32 $0x0  }
.LBB2_14:
0x121: {  	s26 =	smul.u32 $0x3, s3;
	_ =	sdelay $0x1  }
0x122: {  	p0 =	sge.s32 s26, s31  }
0x123: {  	s5 =	simm.s32 @!p0 $0x1  }
0x124: {  	_ =	swait.ge @!p0 [sflag:s5], $0x4000  }
0x125: {  	[sflag:s5] =	ssyncset.done @!p0 $0x0  }
0x126: {  	[sflag:s5] =	ssyncadd.s32 @!p0 $0xFFFFC000;
	s5 =	simm.s32 @!p0 $0x2  }
0x127: {  	_ =	swait.ge @!p0 [sflag:s5], $0x4000  }
0x128: {  	s28 =	smul.u32 $0x18, s3;
	s29 =	simm.s32 $0x42C0;
	[sflag:s5] =	ssyncset.done @!p0 $0x0  }
0x129: {  	s6 =	simm.s32 $0x2C0;
	s21 =	simm.s32 $0x0;
	[sflag:s5] =	ssyncadd.s32 @!p0 $0xFFFFC000  }
.LBB2_15:
0x12a: {  	v9 =	vmov s6  }
0x12b: {  	v8 =	vmov s29  }
0x12c: {  	s5 =	sadd.s32 s28, s21  }
0x12d: {  	v7 =	vmov s5  }
0x12e: {  	s5 =	simm.s32 $0x0  }
0x12f: {  	v11 =	vld.idx.msk [tilespmem:v9+s5+$0xFFFFFFC0 ss:$0x1], $0xffff  }
0x130: {  	v12 =	vld.idx.msk [tilespmem:v8+s5+$0xFFFFFFC0 ss:$0x1], $0xffff  }
0x131: {  	v13 =	vld.idx.msk [tilespmem:v9+s5+$0xFFFFFFD0 ss:$0x1], $0xffff  }
0x132: {  	v10 =	vld.idx.msk [tilespmem:v7+s25+$0x0], $0xffff  }
0x133: {  	v14 =	vld.idx.msk [tilespmem:v8+s5+$0xFFFFFFD0 ss:$0x1], $0xffff  }
0x134: {  	v15 =	vld.idx.msk [tilespmem:v9+s5+$0xFFFFFFE0 ss:$0x1], $0xffff  }
0x135: {  	v16 =	vld.idx.msk [tilespmem:v8+s5+$0xFFFFFFE0 ss:$0x1], $0xffff  }
0x136: {  	v17 =	vld.idx.msk [tilespmem:v9+s5+$0xFFFFFFF0 ss:$0x1], $0xffff  }
0x137: {  	v18 =	vld.idx.msk [tilespmem:v8+s5+$0xFFFFFFF0 ss:$0x1], $0xffff;
	vm1 =	veq.s32 v10, $0x2  }
0x138: {  	v21 =	vld.idx.msk [tilespmem:v8+s5+$0x0 ss:$0x1], $0xffff;
	v7 =	vsel vm1, $0x3F800000, v3;
	vm1 =	veq.s32 v10, $0x1;
	v10 =	vsub.f32 v11, v12  }
0x139: {  	v22 =	vld.idx.msk [tilespmem:v9+s5+$0x10 ss:$0x1], $0xffff;
	v12 =	vsel vm1, v12, v7  }
0x13a: {  	v13 =	vsub.f32 v13, v14;
	v11 =	vld.idx.msk [tilespmem:v9+s5+$0x0 ss:$0x1], $0xffff;
	v10 =	vmul.f32 v10, v12  }
0x13b: {  	v15 =	vsub.f32 v15, v16;
	v14 =	vsel vm1, v14, v7;
	v12 =	vld.idx.msk [tilespmem:v8+s5+$0x10 ss:$0x1], $0xffff  }
0x13c: {  	s22 =	simm.s32 $0x400;
	v16 =	vsel vm1, v16, v7;
	v14 =	vmul.f32 v13, v14;
	v13 =	vld.idx.msk [tilespmem:v9+s5+$0x20 ss:$0x1], $0xffff;
	v19 =	vmul.f32 v10, v10  }
0x13d: {  	v23 =	vmul.f32 v15, v16;
	v15 =	vld.idx.msk [tilespmem:v9+s22+$0xFFFFFFC0 ss:$0x1], $0xffff  }
0x13e: {  	v17 =	vsub.f32 v17, v18;
	v10 =	vld.idx.msk [tilespmem:v8+s5+$0x20 ss:$0x1], $0xffff;
	v20 =	vmul.f32 v14, v14;
	v19 =	vadd.f32 v19, v6  }
0x13f: {  	v24 =	vsel vm1, v18, v7;
	v14 =	vld.idx.msk [tilespmem:v9+s5+$0x30 ss:$0x1], $0xffff;
	v16 =	vsub.f32 v11, v21  }
0x140: {  	v6 =	vld.idx.msk [tilespmem:v8+s5+$0x30 ss:$0x1], $0xffff;
	v18 =	vadd.f32 v20, v19;
	v19 =	vmul.f32 v23, v23;
	v20 =	vmul.f32 v17, v24  }
0x141: {  	v11 =	vld.idx.msk [tilespmem:v8+s22+$0xFFFFFFC0 ss:$0x1], $0xffff;
	v21 =	vsel vm1, v21, v7;
	s5 =	simm.s32 $0x2000;
	v17 =	vsub.f32 v22, v12  }
.LBB2_16:
0x142: {  	p0 =	sne.s32 s5, $0xF000;
	v22 =	vld.idx.msk [tilespmem:v9+s22+$0xFFFFFFD0 ss:$0x1], $0xffff;
	v18 =	vadd.f32 v19, v18;
	v19 =	vmul.f32 v20, v20;
	v16 =	vmul.f32 v16, v21  }
0x143: {  	v12 =	vsel vm1, v12, v7;
	v13 =	vsub.f32 v13, v10;
	v20 =	vld.idx.msk [tilespmem:v8+s22+$0xFFFFFFD0 ss:$0x1], $0xffff  }
0x144: {  	v12 =	vmul.f32 v17, v12;
	v21 =	vld.idx.msk [tilespmem:v9+s22+$0xFFFFFFE0 ss:$0x1], $0xffff;
	v18 =	vadd.f32 v19, v18;
	v16 =	vmul.f32 v16, v16  }
0x145: {  	v10 =	vsel vm1, v10, v7;
	v14 =	vsub.f32 v14, v6;
	v17 =	vld.idx.msk [tilespmem:v8+s22+$0xFFFFFFE0 ss:$0x1], $0xffff  }
0x146: {  	v10 =	vmul.f32 v13, v10;
	v12 =	vmul.f32 v12, v12;
	v19 =	vld.idx.msk [tilespmem:v9+s22+$0xFFFFFFF0 ss:$0x1], $0xffff;
	v16 =	vadd.f32 v16, v18  }
0x147: {  	v6 =	vsel vm1, v6, v7;
	v13 =	vsub.f32 v15, v11;
	v15 =	vld.idx.msk [tilespmem:v8+s22+$0xFFFFFFF0 ss:$0x1], $0xffff  }
0x148: {  	v10 =	vmul.f32 v10, v10;
	v6 =	vmul.f32 v14, v6;
	v18 =	vld.idx.msk [tilespmem:v9+s22+$0x0 ss:$0x1], $0xffff;
	v12 =	vadd.f32 v12, v16  }
0x149: {  	v11 =	vsel vm1, v11, v7;
	v14 =	vsub.f32 v22, v20;
	v22 =	vld.idx.msk [tilespmem:v8+s22+$0x0 ss:$0x1], $0xffff  }
0x14a: {  	v11 =	vmul.f32 v13, v11;
	v6 =	vmul.f32 v6, v6;
	v23 =	vld.idx.msk [tilespmem:v9+s22+$0x10 ss:$0x1], $0xffff;
	v10 =	vadd.f32 v10, v12  }
0x14b: {  	v13 =	vsel vm1, v20, v7;
	v16 =	vsub.f32 v21, v17;
	v12 =	vld.idx.msk [tilespmem:v8+s22+$0x10 ss:$0x1], $0xffff  }
0x14c: {  	v11 =	vmul.f32 v11, v11;
	v14 =	vmul.f32 v14, v13;
	v13 =	vld.idx.msk [tilespmem:v9+s22+$0x20 ss:$0x1], $0xffff;
	v6 =	vadd.f32 v6, v10  }
.Ltmp10:
0x14d: {  	v17 =	vsel vm1, v17, v7;
	v20 =	vsub.f32 v19, v15;
	v10 =	vld.idx.msk [tilespmem:v8+s22+$0x20 ss:$0x1], $0xffff;
	(pc) =	sbr.rel @p0 .LBB2_16-.Ltmp10, $4  }
0x14e: {  	v19 =	vmul.f32 v14, v14;
	v17 =	vmul.f32 v16, v17;
	v11 =	vadd.f32 v11, v6;
	v14 =	vld.idx.msk [tilespmem:v9+s22+$0x30 ss:$0x1], $0xffff  }
0x14f: {  	v21 =	vsel vm1, v15, v7;
	v16 =	vsub.f32 v18, v22;
	v6 =	vld.idx.msk [tilespmem:v8+s22+$0x30 ss:$0x1], $0xffff;
	s22 =	sshra.s32 s5, $0x2  }
0x150: {  	v20 =	vmul.f32 v20, v21;
	v15 =	vld.idx.msk [tilespmem:v9+s22+$0xFFFFFFC0 ss:$0x1], $0xffff;
	v18 =	vadd.f32 v19, v11;
	v19 =	vmul.f32 v17, v17  }
0x151: {  	v21 =	vsel vm1, v22, v7;
	s5 =	sadd.s32 $0x1000, s5;
	v17 =	vsub.f32 v23, v12;
	v11 =	vld.idx.msk [tilespmem:v8+s22+$0xFFFFFFC0 ss:$0x1], $0xffff  }
0x152: {  	_ =	sdelay $0x2  }
0x153: {  	v18 =	vadd.f32 v19, v18;
	v34 =	vmul.f32 v20, v20;
	v16 =	vmul.f32 v16, v21  }
0x154: {  	v35 =	vld.idx.msk [tilespmem:v9+s22+$0xFFFFFFD0 ss:$0x1], $0xffff;
	v12 =	vsel vm1, v12, v7;
	v13 =	vsub.f32 v13, v10  }
0x155: {  	v36 =	vld.idx.msk [tilespmem:v8+s22+$0xFFFFFFD0 ss:$0x1], $0xffff;
	v12 =	vmul.f32 v17, v12;
	v18 =	vadd.f32 v34, v18;
	v16 =	vmul.f32 v16, v16  }
0x156: {  	v37 =	vld.idx.msk [tilespmem:v9+s22+$0xFFFFFFE0 ss:$0x1], $0xffff;
	v38 =	vsel vm1, v10, v7;
	v14 =	vsub.f32 v14, v6  }
0x157: {  	v39 =	vld.idx.msk [tilespmem:v8+s22+$0xFFFFFFE0 ss:$0x1], $0xffff;
	v10 =	vmul.f32 v13, v38;
	v12 =	vmul.f32 v12, v12;
	v16 =	vadd.f32 v16, v18  }
0x158: {  	v40 =	vld.idx.msk [tilespmem:v9+s22+$0xFFFFFFF0 ss:$0x1], $0xffff;
	v6 =	vsel vm1, v6, v7;
	v15 =	vsub.f32 v15, v11  }
0x159: {  	v41 =	vld.idx.msk [tilespmem:v8+s22+$0xFFFFFFF0 ss:$0x1], $0xffff;
	v10 =	vmul.f32 v10, v10;
	v6 =	vmul.f32 v14, v6;
	v12 =	vadd.f32 v12, v16  }
0x15a: {  	v42 =	vld.idx.msk [tilespmem:v9+s22+$0x0 ss:$0x1], $0xffff;
	v43 =	vsel vm1, v11, v7;
	v44 =	vsub.f32 v35, v36  }
0x15b: {  	v45 =	vld.idx.msk [tilespmem:v8+s22+$0x0 ss:$0x1], $0xffff;
	v11 =	vmul.f32 v15, v43;
	v6 =	vmul.f32 v6, v6;
	v10 =	vadd.f32 v10, v12  }
0x15c: {  	v46 =	vld.idx.msk [tilespmem:v9+s22+$0x10 ss:$0x1], $0xffff;
	v47 =	vsel vm1, v36, v7;
	v17 =	vsub.f32 v37, v39  }
0x15d: {  	v48 =	vld.idx.msk [tilespmem:v8+s22+$0x10 ss:$0x1], $0xffff;
	v15 =	vmul.f32 v44, v47;
	v11 =	vmul.f32 v11, v11;
	v6 =	vadd.f32 v6, v10  }
0x15e: {  	v49 =	vld.idx.msk [tilespmem:v9+s22+$0x20 ss:$0x1], $0xffff;
	v50 =	vsel vm1, v39, v7;
	v13 =	vsub.f32 v40, v41  }
0x15f: {  	v51 =	vld.idx.msk [tilespmem:v8+s22+$0x20 ss:$0x1], $0xffff;
	v53 =	vmul.f32 v17, v50;
	v52 =	vmul.f32 v15, v15;
	v6 =	vadd.f32 v11, v6  }
0x160: {  	v54 =	vld.idx.msk [tilespmem:v9+s22+$0x30 ss:$0x1], $0xffff;
	v55 =	vsel vm1, v41, v7;
	v14 =	vsub.f32 v42, v45;
	v57 =	vsel vm1, v45, v7  }
0x161: {  	v8 =	vld.idx.msk [tilespmem:v8+s22+$0x30 ss:$0x1], $0xffff;
	v13 =	vmul.f32 v13, v55;
	v56 =	vmul.f32 v53, v53;
	v6 =	vadd.f32 v52, v6  }
0x162: {  	v59 =	vmul.f32 v14, v57  }
0x163: {  	v12 =	vsub.f32 v46, v48;
	v58 =	vmul.f32 v13, v13;
	v6 =	vadd.f32 v56, v6  }
0x164: {  	v60 =	vsel vm1, v48, v7;
	v61 =	vmul.f32 v59, v59  }
0x165: {  	v10 =	vsub.f32 v49, v51;
	v12 =	vmul.f32 v12, v60;
	v6 =	vadd.f32 v58, v6  }
0x166: {  	v62 =	vsel vm1, v51, v7;
	v9 =	vsub.f32 v54, v8  }
0x167: {  	s21 =	sadd.s32 $0x1, s21;
	v63 =	vmul.f32 v12, v12;
	v10 =	vmul.f32 v10, v62;
	v6 =	vadd.f32 v61, v6  }
0x168: {  	p0 =	sne.s32 s21, $0x8;
	v7 =	vsel vm1, v8, v7  }
.Ltmp11:
0x169: {  	v7 =	vmul.f32 v9, v7;
	v8 =	vmul.f32 v10, v10;
	v6 =	vadd.f32 v63, v6;
	(pc) =	sbr.rel @p0 .LBB2_15-.Ltmp11, $3  }
0x16a: {  	_ = 	snop  }
0x16b: {  	v7 =	vmul.f32 v7, v7;
	v6 =	vadd.f32 v8, v6;
	_ =	sdelay $0x1  }
0x16c: {  	s29 =	sadd.s32 $0x80, s29;
	s6 =	sadd.s32 $0x80, s6;
	v6 =	vadd.f32 v7, v6  }
0x16d: {  	s5 =	sadd.s32 $0x3, s26  }
0x16e: {  	p0 =	sge.s32 s5, s31  }
0x16f: {  	s5 =	sshll.u32 @!p0 s5, $0x5  }
0x170: {  	s5 =	sshra.s32 @!p0 s5, $0x2  }
0x171: {  	v7 =	vld.msk @!p0 [tilespmem:s5+$0x80], $0xff;
	_ =	sdelay $0x4  }
0x172: {  	v8 =	vshll.u32 @!p0 v7, $0x4  }
0x173: {  	v9 =	vlaneseq.u32 @!p0;
	v7 =	vand.u32 @!p0 $0x7, v7;
	v8 =	vand.u32 @!p0 $0xFFFFFF80, v8  }
0x174: {  	v7 =	vor.u32 @!p0 v7, v8;
	v8 =	vand.u32 @!p0 $0x7, v9;
	v9 =	vshrl.u32 @!p0 v9, $0x3  }
0x175: {  	v7 =	vperm.xlane @!p0 v7, v8;
	v9 =	vmul.u32 @!p0 $0x8, v9;
	_ =	sdelay $0x1  }
0x176: {  	v7 =	vadd.s32 @!p0 v9, v7;
	_ =	sdelay $0x3  }
0x177: {  	vm1 =	vmmov @!p0 $0xffff;
	s6 =	simm.s32 @!p0 $0x0;
	s21 =	simm.s32 @!p0 $0x280  }
0x178: {  	[tilespmem:s21], [sflag:$0x1] =	stream.indirect_vreg.gather @!p0 [hbm4b:s1+s6], $0x80, v7, vm1, $0xb8;
	[tilespmem:$0x18300] =	vst v63  }
0x179: {  	s21 =	simm.s32 @!p0 $0xA80  }
0x17a: {  	[tilespmem:s21], [sflag:$0x1] =	stream.indirect_vreg.gather @!p0 [hbm4b:s7+s6], $0x80, v7, vm1, $0xb8;
	[tilespmem:$0x18300] =	vst v63  }
0x17b: {  	s21 =	simm.s32 @!p0 $0x1280  }
0x17c: {  	[tilespmem:s21], [sflag:$0x1] =	stream.indirect_vreg.gather @!p0 [hbm4b:s8+s6], $0x80, v7, vm1, $0xb8;
	[tilespmem:$0x18300] =	vst v63  }
0x17d: {  	s21 =	simm.s32 @!p0 $0x1A80  }
0x17e: {  	[tilespmem:s21], [sflag:$0x1] =	stream.indirect_vreg.gather @!p0 [hbm4b:s9+s6], $0x80, v7, vm1, $0xb8;
	[tilespmem:$0x18300] =	vst v63  }
0x17f: {  	s21 =	simm.s32 @!p0 $0x2280  }
0x180: {  	[tilespmem:s21], [sflag:$0x1] =	stream.indirect_vreg.gather @!p0 [hbm4b:s10+s6], $0x80, v7, vm1, $0xb8;
	[tilespmem:$0x18300] =	vst v63  }
0x181: {  	s21 =	simm.s32 @!p0 $0x2A80  }
0x182: {  	[tilespmem:s21], [sflag:$0x1] =	stream.indirect_vreg.gather @!p0 [hbm4b:s11+s6], $0x80, v7, vm1, $0xb8;
	[tilespmem:$0x18300] =	vst v63  }
0x183: {  	s21 =	simm.s32 @!p0 $0x3280  }
0x184: {  	[tilespmem:s21], [sflag:$0x1] =	stream.indirect_vreg.gather @!p0 [hbm4b:s12+s6], $0x80, v7, vm1, $0xb8;
	[tilespmem:$0x18300] =	vst v63  }
0x185: {  	s21 =	simm.s32 @!p0 $0x3A80  }
0x186: {  	[tilespmem:s21], [sflag:$0x1] =	stream.indirect_vreg.gather @!p0 [hbm4b:s13+s6], $0x80, v7, vm1, $0xb8;
	[tilespmem:$0x18300] =	vst v63  }
0x187: {  	v7 =	vld.msk @!p0 [tilespmem:s5+$0x80], $0xff;
	_ =	sdelay $0x4  }
0x188: {  	v10 =	vshll.u32 @!p0 v7, $0x4  }
0x189: {  	v7 =	vand.u32 @!p0 $0x7, v7;
	v10 =	vand.u32 @!p0 $0xFFFFFF80, v10  }
0x18a: {  	v7 =	vor.u32 @!p0 v7, v10  }
0x18b: {  	v7 =	vperm.xlane @!p0 v7, v8;
	_ =	sdelay $0x1  }
0x18c: {  	v7 =	vadd.s32 @!p0 v9, v7;
	_ =	sdelay $0x3  }
0x18d: {  	s5 =	simm.s32 @!p0 $0x4280  }
0x18e: {  	[tilespmem:s5], [sflag:$0x2] =	stream.indirect_vreg.gather @!p0 [hbm4b:s2+s6], $0x80, v7, vm1, $0xb8;
	[tilespmem:$0x18300] =	vst v63  }
0x18f: {  	s5 =	simm.s32 @!p0 $0x4A80  }
0x190: {  	[tilespmem:s5], [sflag:$0x2] =	stream.indirect_vreg.gather @!p0 [hbm4b:s14+s6], $0x80, v7, vm1, $0xb8;
	[tilespmem:$0x18300] =	vst v63  }
0x191: {  	s5 =	simm.s32 @!p0 $0x5280  }
0x192: {  	[tilespmem:s5], [sflag:$0x2] =	stream.indirect_vreg.gather @!p0 [hbm4b:s15+s6], $0x80, v7, vm1, $0xb8;
	[tilespmem:$0x18300] =	vst v63  }
0x193: {  	s5 =	simm.s32 @!p0 $0x5A80  }
0x194: {  	[tilespmem:s5], [sflag:$0x2] =	stream.indirect_vreg.gather @!p0 [hbm4b:s16+s6], $0x80, v7, vm1, $0xb8;
	[tilespmem:$0x18300] =	vst v63  }
0x195: {  	s5 =	simm.s32 @!p0 $0x6280  }
0x196: {  	[tilespmem:s5], [sflag:$0x2] =	stream.indirect_vreg.gather @!p0 [hbm4b:s17+s6], $0x80, v7, vm1, $0xb8;
	[tilespmem:$0x18300] =	vst v63  }
0x197: {  	s5 =	simm.s32 @!p0 $0x6A80  }
0x198: {  	[tilespmem:s5], [sflag:$0x2] =	stream.indirect_vreg.gather @!p0 [hbm4b:s18+s6], $0x80, v7, vm1, $0xb8;
	[tilespmem:$0x18300] =	vst v63  }
0x199: {  	s5 =	simm.s32 @!p0 $0x7280  }
0x19a: {  	[tilespmem:s5], [sflag:$0x2] =	stream.indirect_vreg.gather @!p0 [hbm4b:s19+s6], $0x80, v7, vm1, $0xb8;
	[tilespmem:$0x18300] =	vst v63  }
0x19b: {  	s22 =	sadd.s32 $0x1, s26;
	s5 =	simm.s32 @!p0 $0x7A80  }
0x19c: {  	[tilespmem:s5], [sflag:$0x2] =	stream.indirect_vreg.gather @!p0 [hbm4b:s20+s6], $0x80, v7, vm1, $0xb8;
	[tilespmem:$0x18300] =	vst v63  }
0x19d: {  	p0 =	sge.s32 s22, s31  }
0x19e: {  	s6 =	simm.s32 @!p0 $0x3  }
0x19f: {  	_ =	swait.ge @!p0 [sflag:s6], $0x4000  }
0x1a0: {  	[sflag:s6] =	ssyncset.done @!p0 $0x0  }
0x1a1: {  	[sflag:s6] =	ssyncadd.s32 @!p0 $0xFFFFC000;
	s6 =	simm.s32 @!p0 $0x4  }
0x1a2: {  	_ =	swait.ge @!p0 [sflag:s6], $0x4000  }
0x1a3: {  	s29 =	simm.s32 $0x0;
	s28 =	sshll.u32 s22, $0x3;
	[sflag:s6] =	ssyncset.done @!p0 $0x0  }
0x1a4: {  	s21 =	simm.s32 $0x82C0;
	[sflag:s6] =	ssyncadd.s32 @!p0 $0xFFFFC000;
	s6 =	simm.s32 $0xC2C0  }
.LBB2_19:
0x1a5: {  	v9 =	vmov s21  }
0x1a6: {  	v8 =	vmov s6  }
0x1a7: {  	s5 =	sadd.s32 s28, s29  }
0x1a8: {  	v7 =	vmov s5  }
0x1a9: {  	s5 =	simm.s32 $0x0  }
0x1aa: {  	v11 =	vld.idx.msk [tilespmem:v9+s5+$0xFFFFFFC0 ss:$0x1], $0xffff  }
0x1ab: {  	v12 =	vld.idx.msk [tilespmem:v8+s5+$0xFFFFFFC0 ss:$0x1], $0xffff  }
0x1ac: {  	v13 =	vld.idx.msk [tilespmem:v9+s5+$0xFFFFFFD0 ss:$0x1], $0xffff  }
0x1ad: {  	v10 =	vld.idx.msk [tilespmem:v7+s25+$0x0], $0xffff  }
0x1ae: {  	v14 =	vld.idx.msk [tilespmem:v8+s5+$0xFFFFFFD0 ss:$0x1], $0xffff  }
0x1af: {  	v15 =	vld.idx.msk [tilespmem:v9+s5+$0xFFFFFFE0 ss:$0x1], $0xffff  }
0x1b0: {  	v16 =	vld.idx.msk [tilespmem:v8+s5+$0xFFFFFFE0 ss:$0x1], $0xffff  }
0x1b1: {  	v17 =	vld.idx.msk [tilespmem:v9+s5+$0xFFFFFFF0 ss:$0x1], $0xffff  }
0x1b2: {  	v18 =	vld.idx.msk [tilespmem:v8+s5+$0xFFFFFFF0 ss:$0x1], $0xffff;
	vm1 =	veq.s32 v10, $0x2  }
0x1b3: {  	v21 =	vld.idx.msk [tilespmem:v8+s5+$0x0 ss:$0x1], $0xffff;
	v7 =	vsel vm1, $0x3F800000, v3;
	vm1 =	veq.s32 v10, $0x1;
	v10 =	vsub.f32 v11, v12  }
0x1b4: {  	v22 =	vld.idx.msk [tilespmem:v9+s5+$0x10 ss:$0x1], $0xffff;
	v12 =	vsel vm1, v12, v7  }
0x1b5: {  	v13 =	vsub.f32 v13, v14;
	v11 =	vld.idx.msk [tilespmem:v9+s5+$0x0 ss:$0x1], $0xffff;
	v10 =	vmul.f32 v10, v12  }
0x1b6: {  	v15 =	vsub.f32 v15, v16;
	v14 =	vsel vm1, v14, v7;
	v12 =	vld.idx.msk [tilespmem:v8+s5+$0x10 ss:$0x1], $0xffff  }
0x1b7: {  	s22 =	simm.s32 $0x400;
	v16 =	vsel vm1, v16, v7;
	v14 =	vmul.f32 v13, v14;
	v13 =	vld.idx.msk [tilespmem:v9+s5+$0x20 ss:$0x1], $0xffff;
	v19 =	vmul.f32 v10, v10  }
0x1b8: {  	v23 =	vmul.f32 v15, v16;
	v15 =	vld.idx.msk [tilespmem:v9+s22+$0xFFFFFFC0 ss:$0x1], $0xffff  }
0x1b9: {  	v17 =	vsub.f32 v17, v18;
	v10 =	vld.idx.msk [tilespmem:v8+s5+$0x20 ss:$0x1], $0xffff;
	v20 =	vmul.f32 v14, v14;
	v19 =	vadd.f32 v19, v6  }
0x1ba: {  	v24 =	vsel vm1, v18, v7;
	v14 =	vld.idx.msk [tilespmem:v9+s5+$0x30 ss:$0x1], $0xffff;
	v16 =	vsub.f32 v11, v21  }
0x1bb: {  	v6 =	vld.idx.msk [tilespmem:v8+s5+$0x30 ss:$0x1], $0xffff;
	v18 =	vadd.f32 v20, v19;
	v19 =	vmul.f32 v23, v23;
	v20 =	vmul.f32 v17, v24  }
0x1bc: {  	v11 =	vld.idx.msk [tilespmem:v8+s22+$0xFFFFFFC0 ss:$0x1], $0xffff;
	v21 =	vsel vm1, v21, v7;
	s5 =	simm.s32 $0x2000;
	v17 =	vsub.f32 v22, v12  }
.LBB2_20:
0x1bd: {  	p0 =	sne.s32 s5, $0xF000;
	v22 =	vld.idx.msk [tilespmem:v9+s22+$0xFFFFFFD0 ss:$0x1], $0xffff;
	v18 =	vadd.f32 v19, v18;
	v19 =	vmul.f32 v20, v20;
	v16 =	vmul.f32 v16, v21  }
0x1be: {  	v12 =	vsel vm1, v12, v7;
	v13 =	vsub.f32 v13, v10;
	v20 =	vld.idx.msk [tilespmem:v8+s22+$0xFFFFFFD0 ss:$0x1], $0xffff  }
0x1bf: {  	v12 =	vmul.f32 v17, v12;
	v21 =	vld.idx.msk [tilespmem:v9+s22+$0xFFFFFFE0 ss:$0x1], $0xffff;
	v18 =	vadd.f32 v19, v18;
	v16 =	vmul.f32 v16, v16  }
0x1c0: {  	v10 =	vsel vm1, v10, v7;
	v14 =	vsub.f32 v14, v6;
	v17 =	vld.idx.msk [tilespmem:v8+s22+$0xFFFFFFE0 ss:$0x1], $0xffff  }
0x1c1: {  	v10 =	vmul.f32 v13, v10;
	v12 =	vmul.f32 v12, v12;
	v19 =	vld.idx.msk [tilespmem:v9+s22+$0xFFFFFFF0 ss:$0x1], $0xffff;
	v16 =	vadd.f32 v16, v18  }
0x1c2: {  	v6 =	vsel vm1, v6, v7;
	v13 =	vsub.f32 v15, v11;
	v15 =	vld.idx.msk [tilespmem:v8+s22+$0xFFFFFFF0 ss:$0x1], $0xffff  }
0x1c3: {  	v10 =	vmul.f32 v10, v10;
	v6 =	vmul.f32 v14, v6;
	v18 =	vld.idx.msk [tilespmem:v9+s22+$0x0 ss:$0x1], $0xffff;
	v12 =	vadd.f32 v12, v16  }
0x1c4: {  	v11 =	vsel vm1, v11, v7;
	v14 =	vsub.f32 v22, v20;
	v22 =	vld.idx.msk [tilespmem:v8+s22+$0x0 ss:$0x1], $0xffff  }
0x1c5: {  	v11 =	vmul.f32 v13, v11;
	v6 =	vmul.f32 v6, v6;
	v23 =	vld.idx.msk [tilespmem:v9+s22+$0x10 ss:$0x1], $0xffff;
	v10 =	vadd.f32 v10, v12  }
0x1c6: {  	v13 =	vsel vm1, v20, v7;
	v16 =	vsub.f32 v21, v17;
	v12 =	vld.idx.msk [tilespmem:v8+s22+$0x10 ss:$0x1], $0xffff  }
0x1c7: {  	v11 =	vmul.f32 v11, v11;
	v14 =	vmul.f32 v14, v13;
	v13 =	vld.idx.msk [tilespmem:v9+s22+$0x20 ss:$0x1], $0xffff;
	v6 =	vadd.f32 v6, v10  }
.Ltmp12:
0x1c8: {  	v17 =	vsel vm1, v17, v7;
	v20 =	vsub.f32 v19, v15;
	v10 =	vld.idx.msk [tilespmem:v8+s22+$0x20 ss:$0x1], $0xffff;
	(pc) =	sbr.rel @p0 .LBB2_20-.Ltmp12, $4  }
0x1c9: {  	v19 =	vmul.f32 v14, v14;
	v17 =	vmul.f32 v16, v17;
	v11 =	vadd.f32 v11, v6;
	v14 =	vld.idx.msk [tilespmem:v9+s22+$0x30 ss:$0x1], $0xffff  }
0x1ca: {  	v21 =	vsel vm1, v15, v7;
	v16 =	vsub.f32 v18, v22;
	v6 =	vld.idx.msk [tilespmem:v8+s22+$0x30 ss:$0x1], $0xffff;
	s22 =	sshra.s32 s5, $0x2  }
0x1cb: {  	v20 =	vmul.f32 v20, v21;
	v15 =	vld.idx.msk [tilespmem:v9+s22+$0xFFFFFFC0 ss:$0x1], $0xffff;
	v18 =	vadd.f32 v19, v11;
	v19 =	vmul.f32 v17, v17  }
0x1cc: {  	v21 =	vsel vm1, v22, v7;
	s5 =	sadd.s32 $0x1000, s5;
	v17 =	vsub.f32 v23, v12;
	v11 =	vld.idx.msk [tilespmem:v8+s22+$0xFFFFFFC0 ss:$0x1], $0xffff  }
0x1cd: {  	_ =	sdelay $0x2  }
0x1ce: {  	v18 =	vadd.f32 v19, v18;
	v34 =	vmul.f32 v20, v20;
	v16 =	vmul.f32 v16, v21  }
0x1cf: {  	v35 =	vld.idx.msk [tilespmem:v9+s22+$0xFFFFFFD0 ss:$0x1], $0xffff;
	v12 =	vsel vm1, v12, v7;
	v13 =	vsub.f32 v13, v10  }
0x1d0: {  	v36 =	vld.idx.msk [tilespmem:v8+s22+$0xFFFFFFD0 ss:$0x1], $0xffff;
	v12 =	vmul.f32 v17, v12;
	v18 =	vadd.f32 v34, v18;
	v16 =	vmul.f32 v16, v16  }
0x1d1: {  	v37 =	vld.idx.msk [tilespmem:v9+s22+$0xFFFFFFE0 ss:$0x1], $0xffff;
	v38 =	vsel vm1, v10, v7;
	v14 =	vsub.f32 v14, v6  }
0x1d2: {  	v39 =	vld.idx.msk [tilespmem:v8+s22+$0xFFFFFFE0 ss:$0x1], $0xffff;
	v10 =	vmul.f32 v13, v38;
	v12 =	vmul.f32 v12, v12;
	v16 =	vadd.f32 v16, v18  }
0x1d3: {  	v40 =	vld.idx.msk [tilespmem:v9+s22+$0xFFFFFFF0 ss:$0x1], $0xffff;
	v6 =	vsel vm1, v6, v7;
	v15 =	vsub.f32 v15, v11  }
0x1d4: {  	v41 =	vld.idx.msk [tilespmem:v8+s22+$0xFFFFFFF0 ss:$0x1], $0xffff;
	v10 =	vmul.f32 v10, v10;
	v6 =	vmul.f32 v14, v6;
	v12 =	vadd.f32 v12, v16  }
0x1d5: {  	v42 =	vld.idx.msk [tilespmem:v9+s22+$0x0 ss:$0x1], $0xffff;
	v43 =	vsel vm1, v11, v7;
	v44 =	vsub.f32 v35, v36  }
0x1d6: {  	v45 =	vld.idx.msk [tilespmem:v8+s22+$0x0 ss:$0x1], $0xffff;
	v11 =	vmul.f32 v15, v43;
	v6 =	vmul.f32 v6, v6;
	v10 =	vadd.f32 v10, v12  }
0x1d7: {  	v46 =	vld.idx.msk [tilespmem:v9+s22+$0x10 ss:$0x1], $0xffff;
	v47 =	vsel vm1, v36, v7;
	v17 =	vsub.f32 v37, v39  }
0x1d8: {  	v48 =	vld.idx.msk [tilespmem:v8+s22+$0x10 ss:$0x1], $0xffff;
	v15 =	vmul.f32 v44, v47;
	v11 =	vmul.f32 v11, v11;
	v6 =	vadd.f32 v6, v10  }
0x1d9: {  	v49 =	vld.idx.msk [tilespmem:v9+s22+$0x20 ss:$0x1], $0xffff;
	v50 =	vsel vm1, v39, v7;
	v13 =	vsub.f32 v40, v41  }
0x1da: {  	v51 =	vld.idx.msk [tilespmem:v8+s22+$0x20 ss:$0x1], $0xffff;
	v53 =	vmul.f32 v17, v50;
	v52 =	vmul.f32 v15, v15;
	v6 =	vadd.f32 v11, v6  }
0x1db: {  	v54 =	vld.idx.msk [tilespmem:v9+s22+$0x30 ss:$0x1], $0xffff;
	v55 =	vsel vm1, v41, v7;
	v14 =	vsub.f32 v42, v45;
	v57 =	vsel vm1, v45, v7  }
0x1dc: {  	v8 =	vld.idx.msk [tilespmem:v8+s22+$0x30 ss:$0x1], $0xffff;
	v13 =	vmul.f32 v13, v55;
	v56 =	vmul.f32 v53, v53;
	v6 =	vadd.f32 v52, v6  }
0x1dd: {  	v59 =	vmul.f32 v14, v57  }
0x1de: {  	v12 =	vsub.f32 v46, v48;
	v58 =	vmul.f32 v13, v13;
	v6 =	vadd.f32 v56, v6  }
0x1df: {  	v60 =	vsel vm1, v48, v7;
	v61 =	vmul.f32 v59, v59  }
0x1e0: {  	v10 =	vsub.f32 v49, v51;
	v12 =	vmul.f32 v12, v60;
	v6 =	vadd.f32 v58, v6  }
0x1e1: {  	v62 =	vsel vm1, v51, v7;
	v9 =	vsub.f32 v54, v8  }
0x1e2: {  	s29 =	sadd.s32 $0x1, s29;
	v63 =	vmul.f32 v12, v12;
	v10 =	vmul.f32 v10, v62;
	v6 =	vadd.f32 v61, v6  }
0x1e3: {  	p0 =	sne.s32 s29, $0x8;
	v7 =	vsel vm1, v8, v7  }
.Ltmp13:
0x1e4: {  	v7 =	vmul.f32 v9, v7;
	v8 =	vmul.f32 v10, v10;
	v6 =	vadd.f32 v63, v6;
	(pc) =	sbr.rel @p0 .LBB2_19-.Ltmp13, $3  }
0x1e5: {  	_ = 	snop  }
0x1e6: {  	v7 =	vmul.f32 v7, v7;
	v6 =	vadd.f32 v8, v6;
	_ =	sdelay $0x1  }
0x1e7: {  	s6 =	sadd.s32 $0x80, s6;
	s21 =	sadd.s32 $0x80, s21;
	v6 =	vadd.f32 v7, v6  }
0x1e8: {  	s5 =	sadd.s32 $0x4, s26  }
0x1e9: {  	p0 =	sge.s32 s5, s31  }
0x1ea: {  	s5 =	sshll.u32 @!p0 s5, $0x5  }
0x1eb: {  	s5 =	sshra.s32 @!p0 s5, $0x2  }
0x1ec: {  	v7 =	vld.msk @!p0 [tilespmem:s5+$0x80], $0xff;
	_ =	sdelay $0x4  }
0x1ed: {  	v8 =	vshll.u32 @!p0 v7, $0x4  }
0x1ee: {  	v9 =	vlaneseq.u32 @!p0;
	v7 =	vand.u32 @!p0 $0x7, v7;
	v8 =	vand.u32 @!p0 $0xFFFFFF80, v8  }
0x1ef: {  	v7 =	vor.u32 @!p0 v7, v8;
	v8 =	vand.u32 @!p0 $0x7, v9;
	v9 =	vshrl.u32 @!p0 v9, $0x3  }
0x1f0: {  	v7 =	vperm.xlane @!p0 v7, v8;
	v9 =	vmul.u32 @!p0 $0x8, v9;
	_ =	sdelay $0x1  }
0x1f1: {  	v7 =	vadd.s32 @!p0 v9, v7;
	_ =	sdelay $0x3  }
0x1f2: {  	vm1 =	vmmov @!p0 $0xffff;
	s6 =	simm.s32 @!p0 $0x0;
	s21 =	simm.s32 @!p0 $0x8280  }
0x1f3: {  	[tilespmem:s21], [sflag:$0x3] =	stream.indirect_vreg.gather @!p0 [hbm4b:s1+s6], $0x80, v7, vm1, $0xb8;
	[tilespmem:$0x18300] =	vst v63  }
0x1f4: {  	s21 =	simm.s32 @!p0 $0x8A80  }
0x1f5: {  	[tilespmem:s21], [sflag:$0x3] =	stream.indirect_vreg.gather @!p0 [hbm4b:s7+s6], $0x80, v7, vm1, $0xb8;
	[tilespmem:$0x18300] =	vst v63  }
0x1f6: {  	s21 =	simm.s32 @!p0 $0x9280  }
0x1f7: {  	[tilespmem:s21], [sflag:$0x3] =	stream.indirect_vreg.gather @!p0 [hbm4b:s8+s6], $0x80, v7, vm1, $0xb8;
	[tilespmem:$0x18300] =	vst v63  }
0x1f8: {  	s21 =	simm.s32 @!p0 $0x9A80  }
0x1f9: {  	[tilespmem:s21], [sflag:$0x3] =	stream.indirect_vreg.gather @!p0 [hbm4b:s9+s6], $0x80, v7, vm1, $0xb8;
	[tilespmem:$0x18300] =	vst v63  }
0x1fa: {  	s21 =	simm.s32 @!p0 $0xA280  }
0x1fb: {  	[tilespmem:s21], [sflag:$0x3] =	stream.indirect_vreg.gather @!p0 [hbm4b:s10+s6], $0x80, v7, vm1, $0xb8;
	[tilespmem:$0x18300] =	vst v63  }
0x1fc: {  	s21 =	simm.s32 @!p0 $0xAA80  }
0x1fd: {  	[tilespmem:s21], [sflag:$0x3] =	stream.indirect_vreg.gather @!p0 [hbm4b:s11+s6], $0x80, v7, vm1, $0xb8;
	[tilespmem:$0x18300] =	vst v63  }
0x1fe: {  	s21 =	simm.s32 @!p0 $0xB280  }
0x1ff: {  	[tilespmem:s21], [sflag:$0x3] =	stream.indirect_vreg.gather @!p0 [hbm4b:s12+s6], $0x80, v7, vm1, $0xb8;
	[tilespmem:$0x18300] =	vst v63  }
0x200: {  	s21 =	simm.s32 @!p0 $0xBA80  }
0x201: {  	[tilespmem:s21], [sflag:$0x3] =	stream.indirect_vreg.gather @!p0 [hbm4b:s13+s6], $0x80, v7, vm1, $0xb8;
	[tilespmem:$0x18300] =	vst v63  }
0x202: {  	v7 =	vld.msk @!p0 [tilespmem:s5+$0x80], $0xff;
	_ =	sdelay $0x4  }
0x203: {  	v10 =	vshll.u32 @!p0 v7, $0x4  }
0x204: {  	v7 =	vand.u32 @!p0 $0x7, v7;
	v10 =	vand.u32 @!p0 $0xFFFFFF80, v10  }
0x205: {  	v7 =	vor.u32 @!p0 v7, v10  }
0x206: {  	v7 =	vperm.xlane @!p0 v7, v8;
	_ =	sdelay $0x1  }
0x207: {  	v7 =	vadd.s32 @!p0 v9, v7;
	_ =	sdelay $0x3  }
0x208: {  	s5 =	simm.s32 @!p0 $0xC280  }
0x209: {  	[tilespmem:s5], [sflag:$0x4] =	stream.indirect_vreg.gather @!p0 [hbm4b:s2+s6], $0x80, v7, vm1, $0xb8;
	[tilespmem:$0x18300] =	vst v63  }
0x20a: {  	s5 =	simm.s32 @!p0 $0xCA80  }
0x20b: {  	[tilespmem:s5], [sflag:$0x4] =	stream.indirect_vreg.gather @!p0 [hbm4b:s14+s6], $0x80, v7, vm1, $0xb8;
	[tilespmem:$0x18300] =	vst v63  }
0x20c: {  	s5 =	simm.s32 @!p0 $0xD280  }
0x20d: {  	[tilespmem:s5], [sflag:$0x4] =	stream.indirect_vreg.gather @!p0 [hbm4b:s15+s6], $0x80, v7, vm1, $0xb8;
	[tilespmem:$0x18300] =	vst v63  }
0x20e: {  	s5 =	simm.s32 @!p0 $0xDA80  }
0x20f: {  	[tilespmem:s5], [sflag:$0x4] =	stream.indirect_vreg.gather @!p0 [hbm4b:s16+s6], $0x80, v7, vm1, $0xb8;
	[tilespmem:$0x18300] =	vst v63  }
0x210: {  	s5 =	simm.s32 @!p0 $0xE280  }
0x211: {  	[tilespmem:s5], [sflag:$0x4] =	stream.indirect_vreg.gather @!p0 [hbm4b:s17+s6], $0x80, v7, vm1, $0xb8;
	[tilespmem:$0x18300] =	vst v63  }
0x212: {  	s5 =	simm.s32 @!p0 $0xEA80  }
0x213: {  	[tilespmem:s5], [sflag:$0x4] =	stream.indirect_vreg.gather @!p0 [hbm4b:s18+s6], $0x80, v7, vm1, $0xb8;
	[tilespmem:$0x18300] =	vst v63  }
0x214: {  	s5 =	simm.s32 @!p0 $0xF280  }
0x215: {  	[tilespmem:s5], [sflag:$0x4] =	stream.indirect_vreg.gather @!p0 [hbm4b:s19+s6], $0x80, v7, vm1, $0xb8;
	[tilespmem:$0x18300] =	vst v63  }
0x216: {  	s22 =	sadd.s32 $0x2, s26;
	s5 =	simm.s32 @!p0 $0xFA80  }
0x217: {  	[tilespmem:s5], [sflag:$0x4] =	stream.indirect_vreg.gather @!p0 [hbm4b:s20+s6], $0x80, v7, vm1, $0xb8;
	[tilespmem:$0x18300] =	vst v63  }
0x218: {  	p0 =	sge.s32 s22, s31  }
0x219: {  	s6 =	simm.s32 @!p0 $0x5  }
0x21a: {  	_ =	swait.ge @!p0 [sflag:s6], $0x4000  }
0x21b: {  	[sflag:s6] =	ssyncset.done @!p0 $0x0  }
0x21c: {  	[sflag:s6] =	ssyncadd.s32 @!p0 $0xFFFFC000;
	s6 =	simm.s32 @!p0 $0x6  }
0x21d: {  	_ =	swait.ge @!p0 [sflag:s6], $0x4000  }
0x21e: {  	s29 =	simm.s32 $0x0;
	s28 =	sshll.u32 s22, $0x3;
	[sflag:s6] =	ssyncset.done @!p0 $0x0  }
0x21f: {  	s21 =	simm.s32 $0x102C0;
	[sflag:s6] =	ssyncadd.s32 @!p0 $0xFFFFC000;
	s6 =	simm.s32 $0x142C0  }
.LBB2_23:
0x220: {  	v9 =	vmov s21  }
0x221: {  	v8 =	vmov s6  }
0x222: {  	s5 =	sadd.s32 s28, s29  }
0x223: {  	v7 =	vmov s5  }
0x224: {  	s5 =	simm.s32 $0x0  }
0x225: {  	v11 =	vld.idx.msk [tilespmem:v9+s5+$0xFFFFFFC0 ss:$0x1], $0xffff  }
0x226: {  	v12 =	vld.idx.msk [tilespmem:v8+s5+$0xFFFFFFC0 ss:$0x1], $0xffff  }
0x227: {  	v13 =	vld.idx.msk [tilespmem:v9+s5+$0xFFFFFFD0 ss:$0x1], $0xffff  }
0x228: {  	v10 =	vld.idx.msk [tilespmem:v7+s25+$0x0], $0xffff  }
0x229: {  	v14 =	vld.idx.msk [tilespmem:v8+s5+$0xFFFFFFD0 ss:$0x1], $0xffff  }
0x22a: {  	v15 =	vld.idx.msk [tilespmem:v9+s5+$0xFFFFFFE0 ss:$0x1], $0xffff  }
0x22b: {  	v16 =	vld.idx.msk [tilespmem:v8+s5+$0xFFFFFFE0 ss:$0x1], $0xffff  }
0x22c: {  	v17 =	vld.idx.msk [tilespmem:v9+s5+$0xFFFFFFF0 ss:$0x1], $0xffff  }
0x22d: {  	v18 =	vld.idx.msk [tilespmem:v8+s5+$0xFFFFFFF0 ss:$0x1], $0xffff;
	vm1 =	veq.s32 v10, $0x2  }
0x22e: {  	v21 =	vld.idx.msk [tilespmem:v8+s5+$0x0 ss:$0x1], $0xffff;
	v7 =	vsel vm1, $0x3F800000, v3;
	vm1 =	veq.s32 v10, $0x1;
	v10 =	vsub.f32 v11, v12  }
0x22f: {  	v22 =	vld.idx.msk [tilespmem:v9+s5+$0x10 ss:$0x1], $0xffff;
	v12 =	vsel vm1, v12, v7  }
0x230: {  	v13 =	vsub.f32 v13, v14;
	v11 =	vld.idx.msk [tilespmem:v9+s5+$0x0 ss:$0x1], $0xffff;
	v10 =	vmul.f32 v10, v12  }
0x231: {  	v15 =	vsub.f32 v15, v16;
	v14 =	vsel vm1, v14, v7;
	v12 =	vld.idx.msk [tilespmem:v8+s5+$0x10 ss:$0x1], $0xffff  }
0x232: {  	s22 =	simm.s32 $0x400;
	v16 =	vsel vm1, v16, v7;
	v14 =	vmul.f32 v13, v14;
	v13 =	vld.idx.msk [tilespmem:v9+s5+$0x20 ss:$0x1], $0xffff;
	v19 =	vmul.f32 v10, v10  }
0x233: {  	v23 =	vmul.f32 v15, v16;
	v15 =	vld.idx.msk [tilespmem:v9+s22+$0xFFFFFFC0 ss:$0x1], $0xffff  }
0x234: {  	v17 =	vsub.f32 v17, v18;
	v10 =	vld.idx.msk [tilespmem:v8+s5+$0x20 ss:$0x1], $0xffff;
	v20 =	vmul.f32 v14, v14;
	v19 =	vadd.f32 v19, v6  }
0x235: {  	v24 =	vsel vm1, v18, v7;
	v14 =	vld.idx.msk [tilespmem:v9+s5+$0x30 ss:$0x1], $0xffff;
	v16 =	vsub.f32 v11, v21  }
0x236: {  	v6 =	vld.idx.msk [tilespmem:v8+s5+$0x30 ss:$0x1], $0xffff;
	v18 =	vadd.f32 v20, v19;
	v19 =	vmul.f32 v23, v23;
	v20 =	vmul.f32 v17, v24  }
0x237: {  	v11 =	vld.idx.msk [tilespmem:v8+s22+$0xFFFFFFC0 ss:$0x1], $0xffff;
	v21 =	vsel vm1, v21, v7;
	s5 =	simm.s32 $0x2000;
	v17 =	vsub.f32 v22, v12  }
.LBB2_24:
0x238: {  	p0 =	sne.s32 s5, $0xF000;
	v22 =	vld.idx.msk [tilespmem:v9+s22+$0xFFFFFFD0 ss:$0x1], $0xffff;
	v18 =	vadd.f32 v19, v18;
	v19 =	vmul.f32 v20, v20;
	v16 =	vmul.f32 v16, v21  }
0x239: {  	v12 =	vsel vm1, v12, v7;
	v13 =	vsub.f32 v13, v10;
	v20 =	vld.idx.msk [tilespmem:v8+s22+$0xFFFFFFD0 ss:$0x1], $0xffff  }
0x23a: {  	v12 =	vmul.f32 v17, v12;
	v21 =	vld.idx.msk [tilespmem:v9+s22+$0xFFFFFFE0 ss:$0x1], $0xffff;
	v18 =	vadd.f32 v19, v18;
	v16 =	vmul.f32 v16, v16  }
0x23b: {  	v10 =	vsel vm1, v10, v7;
	v14 =	vsub.f32 v14, v6;
	v17 =	vld.idx.msk [tilespmem:v8+s22+$0xFFFFFFE0 ss:$0x1], $0xffff  }
0x23c: {  	v10 =	vmul.f32 v13, v10;
	v12 =	vmul.f32 v12, v12;
	v19 =	vld.idx.msk [tilespmem:v9+s22+$0xFFFFFFF0 ss:$0x1], $0xffff;
	v16 =	vadd.f32 v16, v18  }
0x23d: {  	v6 =	vsel vm1, v6, v7;
	v13 =	vsub.f32 v15, v11;
	v15 =	vld.idx.msk [tilespmem:v8+s22+$0xFFFFFFF0 ss:$0x1], $0xffff  }
0x23e: {  	v10 =	vmul.f32 v10, v10;
	v6 =	vmul.f32 v14, v6;
	v18 =	vld.idx.msk [tilespmem:v9+s22+$0x0 ss:$0x1], $0xffff;
	v12 =	vadd.f32 v12, v16  }
0x23f: {  	v11 =	vsel vm1, v11, v7;
	v14 =	vsub.f32 v22, v20;
	v22 =	vld.idx.msk [tilespmem:v8+s22+$0x0 ss:$0x1], $0xffff  }
0x240: {  	v11 =	vmul.f32 v13, v11;
	v6 =	vmul.f32 v6, v6;
	v23 =	vld.idx.msk [tilespmem:v9+s22+$0x10 ss:$0x1], $0xffff;
	v10 =	vadd.f32 v10, v12  }
0x241: {  	v13 =	vsel vm1, v20, v7;
	v16 =	vsub.f32 v21, v17;
	v12 =	vld.idx.msk [tilespmem:v8+s22+$0x10 ss:$0x1], $0xffff  }
0x242: {  	v11 =	vmul.f32 v11, v11;
	v14 =	vmul.f32 v14, v13;
	v13 =	vld.idx.msk [tilespmem:v9+s22+$0x20 ss:$0x1], $0xffff;
	v6 =	vadd.f32 v6, v10  }
.Ltmp14:
0x243: {  	v17 =	vsel vm1, v17, v7;
	v20 =	vsub.f32 v19, v15;
	v10 =	vld.idx.msk [tilespmem:v8+s22+$0x20 ss:$0x1], $0xffff;
	(pc) =	sbr.rel @p0 .LBB2_24-.Ltmp14, $4  }
0x244: {  	v19 =	vmul.f32 v14, v14;
	v17 =	vmul.f32 v16, v17;
	v11 =	vadd.f32 v11, v6;
	v14 =	vld.idx.msk [tilespmem:v9+s22+$0x30 ss:$0x1], $0xffff  }
0x245: {  	v21 =	vsel vm1, v15, v7;
	v16 =	vsub.f32 v18, v22;
	v6 =	vld.idx.msk [tilespmem:v8+s22+$0x30 ss:$0x1], $0xffff;
	s22 =	sshra.s32 s5, $0x2  }
0x246: {  	v20 =	vmul.f32 v20, v21;
	v15 =	vld.idx.msk [tilespmem:v9+s22+$0xFFFFFFC0 ss:$0x1], $0xffff;
	v18 =	vadd.f32 v19, v11;
	v19 =	vmul.f32 v17, v17  }
0x247: {  	v21 =	vsel vm1, v22, v7;
	s5 =	sadd.s32 $0x1000, s5;
	v17 =	vsub.f32 v23, v12;
	v11 =	vld.idx.msk [tilespmem:v8+s22+$0xFFFFFFC0 ss:$0x1], $0xffff  }
0x248: {  	_ =	sdelay $0x2  }
0x249: {  	v18 =	vadd.f32 v19, v18;
	v34 =	vmul.f32 v20, v20;
	v16 =	vmul.f32 v16, v21  }
0x24a: {  	v35 =	vld.idx.msk [tilespmem:v9+s22+$0xFFFFFFD0 ss:$0x1], $0xffff;
	v12 =	vsel vm1, v12, v7;
	v13 =	vsub.f32 v13, v10  }
0x24b: {  	v36 =	vld.idx.msk [tilespmem:v8+s22+$0xFFFFFFD0 ss:$0x1], $0xffff;
	v12 =	vmul.f32 v17, v12;
	v18 =	vadd.f32 v34, v18;
	v16 =	vmul.f32 v16, v16  }
0x24c: {  	v37 =	vld.idx.msk [tilespmem:v9+s22+$0xFFFFFFE0 ss:$0x1], $0xffff;
	v38 =	vsel vm1, v10, v7;
	v14 =	vsub.f32 v14, v6  }
0x24d: {  	v39 =	vld.idx.msk [tilespmem:v8+s22+$0xFFFFFFE0 ss:$0x1], $0xffff;
	v10 =	vmul.f32 v13, v38;
	v12 =	vmul.f32 v12, v12;
	v16 =	vadd.f32 v16, v18  }
0x24e: {  	v40 =	vld.idx.msk [tilespmem:v9+s22+$0xFFFFFFF0 ss:$0x1], $0xffff;
	v6 =	vsel vm1, v6, v7;
	v15 =	vsub.f32 v15, v11  }
0x24f: {  	v41 =	vld.idx.msk [tilespmem:v8+s22+$0xFFFFFFF0 ss:$0x1], $0xffff;
	v10 =	vmul.f32 v10, v10;
	v6 =	vmul.f32 v14, v6;
	v12 =	vadd.f32 v12, v16  }
0x250: {  	v42 =	vld.idx.msk [tilespmem:v9+s22+$0x0 ss:$0x1], $0xffff;
	v43 =	vsel vm1, v11, v7;
	v44 =	vsub.f32 v35, v36  }
0x251: {  	v45 =	vld.idx.msk [tilespmem:v8+s22+$0x0 ss:$0x1], $0xffff;
	v11 =	vmul.f32 v15, v43;
	v6 =	vmul.f32 v6, v6;
	v10 =	vadd.f32 v10, v12  }
0x252: {  	v46 =	vld.idx.msk [tilespmem:v9+s22+$0x10 ss:$0x1], $0xffff;
	v47 =	vsel vm1, v36, v7;
	v17 =	vsub.f32 v37, v39  }
0x253: {  	v48 =	vld.idx.msk [tilespmem:v8+s22+$0x10 ss:$0x1], $0xffff;
	v15 =	vmul.f32 v44, v47;
	v11 =	vmul.f32 v11, v11;
	v6 =	vadd.f32 v6, v10  }
0x254: {  	v49 =	vld.idx.msk [tilespmem:v9+s22+$0x20 ss:$0x1], $0xffff;
	v50 =	vsel vm1, v39, v7;
	v13 =	vsub.f32 v40, v41  }
0x255: {  	v51 =	vld.idx.msk [tilespmem:v8+s22+$0x20 ss:$0x1], $0xffff;
	v53 =	vmul.f32 v17, v50;
	v52 =	vmul.f32 v15, v15;
	v6 =	vadd.f32 v11, v6  }
0x256: {  	v54 =	vld.idx.msk [tilespmem:v9+s22+$0x30 ss:$0x1], $0xffff;
	v55 =	vsel vm1, v41, v7;
	v14 =	vsub.f32 v42, v45;
	v57 =	vsel vm1, v45, v7  }
0x257: {  	v8 =	vld.idx.msk [tilespmem:v8+s22+$0x30 ss:$0x1], $0xffff;
	v13 =	vmul.f32 v13, v55;
	v56 =	vmul.f32 v53, v53;
	v6 =	vadd.f32 v52, v6  }
0x258: {  	v59 =	vmul.f32 v14, v57  }
0x259: {  	v12 =	vsub.f32 v46, v48;
	v58 =	vmul.f32 v13, v13;
	v6 =	vadd.f32 v56, v6  }
0x25a: {  	v60 =	vsel vm1, v48, v7;
	v61 =	vmul.f32 v59, v59  }
0x25b: {  	v10 =	vsub.f32 v49, v51;
	v12 =	vmul.f32 v12, v60;
	v6 =	vadd.f32 v58, v6  }
0x25c: {  	v62 =	vsel vm1, v51, v7;
	v9 =	vsub.f32 v54, v8  }
0x25d: {  	v63 =	vmul.f32 v12, v12;
	v10 =	vmul.f32 v10, v62;
	v6 =	vadd.f32 v61, v6  }
0x25e: {  	s29 =	sadd.s32 $0x1, s29;
	v7 =	vsel vm1, v8, v7  }
0x25f: {  	p0 =	sne.s32 s29, $0x8;
	v7 =	vmul.f32 v9, v7;
	v8 =	vmul.f32 v10, v10;
	v6 =	vadd.f32 v63, v6  }
.Ltmp15:
0x260: {  	_ = 	snop;
	(pc) =	sbr.rel @p0 .LBB2_23-.Ltmp15, $3  }
0x261: {  	v7 =	vmul.f32 v7, v7;
	v6 =	vadd.f32 v8, v6;
	_ =	sdelay $0x1  }
0x262: {  	v6 =	vadd.f32 v7, v6  }
0x263: {  	s6 =	sadd.s32 $0x80, s6;
	s21 =	sadd.s32 $0x80, s21  }
0x264: {  	s5 =	sadd.s32 $0x5, s26  }
0x265: {  	p0 =	sge.s32 s5, s31  }
0x266: {  	s5 =	sshll.u32 @!p0 s5, $0x5  }
0x267: {  	s5 =	sshra.s32 @!p0 s5, $0x2  }
0x268: {  	v7 =	vld.msk @!p0 [tilespmem:s5+$0x80], $0xff;
	_ =	sdelay $0x4  }
0x269: {  	v8 =	vshll.u32 @!p0 v7, $0x4  }
0x26a: {  	v9 =	vlaneseq.u32 @!p0;
	v7 =	vand.u32 @!p0 $0x7, v7;
	v8 =	vand.u32 @!p0 $0xFFFFFF80, v8  }
0x26b: {  	v7 =	vor.u32 @!p0 v7, v8;
	v8 =	vand.u32 @!p0 $0x7, v9;
	v9 =	vshrl.u32 @!p0 v9, $0x3  }
0x26c: {  	v7 =	vperm.xlane @!p0 v7, v8;
	v9 =	vmul.u32 @!p0 $0x8, v9;
	_ =	sdelay $0x1  }
0x26d: {  	v7 =	vadd.s32 @!p0 v9, v7;
	_ =	sdelay $0x3  }
0x26e: {  	vm1 =	vmmov @!p0 $0xffff;
	s6 =	simm.s32 @!p0 $0x0;
	s21 =	simm.s32 @!p0 $0x10280  }
0x26f: {  	[tilespmem:s21], [sflag:$0x5] =	stream.indirect_vreg.gather @!p0 [hbm4b:s1+s6], $0x80, v7, vm1, $0xb8;
	[tilespmem:$0x18300] =	vst v63  }
0x270: {  	s21 =	simm.s32 @!p0 $0x10A80  }
0x271: {  	[tilespmem:s21], [sflag:$0x5] =	stream.indirect_vreg.gather @!p0 [hbm4b:s7+s6], $0x80, v7, vm1, $0xb8;
	[tilespmem:$0x18300] =	vst v63  }
0x272: {  	s21 =	simm.s32 @!p0 $0x11280  }
0x273: {  	[tilespmem:s21], [sflag:$0x5] =	stream.indirect_vreg.gather @!p0 [hbm4b:s8+s6], $0x80, v7, vm1, $0xb8;
	[tilespmem:$0x18300] =	vst v63  }
0x274: {  	s21 =	simm.s32 @!p0 $0x11A80  }
0x275: {  	[tilespmem:s21], [sflag:$0x5] =	stream.indirect_vreg.gather @!p0 [hbm4b:s9+s6], $0x80, v7, vm1, $0xb8;
	[tilespmem:$0x18300] =	vst v63  }
0x276: {  	s21 =	simm.s32 @!p0 $0x12280  }
0x277: {  	[tilespmem:s21], [sflag:$0x5] =	stream.indirect_vreg.gather @!p0 [hbm4b:s10+s6], $0x80, v7, vm1, $0xb8;
	[tilespmem:$0x18300] =	vst v63  }
0x278: {  	s21 =	simm.s32 @!p0 $0x12A80  }
0x279: {  	[tilespmem:s21], [sflag:$0x5] =	stream.indirect_vreg.gather @!p0 [hbm4b:s11+s6], $0x80, v7, vm1, $0xb8;
	[tilespmem:$0x18300] =	vst v63  }
0x27a: {  	s21 =	simm.s32 @!p0 $0x13280  }
0x27b: {  	[tilespmem:s21], [sflag:$0x5] =	stream.indirect_vreg.gather @!p0 [hbm4b:s12+s6], $0x80, v7, vm1, $0xb8;
	[tilespmem:$0x18300] =	vst v63  }
0x27c: {  	s21 =	simm.s32 @!p0 $0x13A80  }
0x27d: {  	[tilespmem:s21], [sflag:$0x5] =	stream.indirect_vreg.gather @!p0 [hbm4b:s13+s6], $0x80, v7, vm1, $0xb8;
	[tilespmem:$0x18300] =	vst v63  }
0x27e: {  	v7 =	vld.msk @!p0 [tilespmem:s5+$0x80], $0xff;
	_ =	sdelay $0x4  }
0x27f: {  	v10 =	vshll.u32 @!p0 v7, $0x4  }
0x280: {  	v7 =	vand.u32 @!p0 $0x7, v7;
	v10 =	vand.u32 @!p0 $0xFFFFFF80, v10  }
0x281: {  	v7 =	vor.u32 @!p0 v7, v10  }
0x282: {  	v7 =	vperm.xlane @!p0 v7, v8;
	_ =	sdelay $0x1  }
0x283: {  	v7 =	vadd.s32 @!p0 v9, v7;
	_ =	sdelay $0x3  }
0x284: {  	s5 =	simm.s32 @!p0 $0x14280  }
0x285: {  	[tilespmem:s5], [sflag:$0x6] =	stream.indirect_vreg.gather @!p0 [hbm4b:s2+s6], $0x80, v7, vm1, $0xb8;
	[tilespmem:$0x18300] =	vst v63  }
0x286: {  	s5 =	simm.s32 @!p0 $0x14A80  }
0x287: {  	[tilespmem:s5], [sflag:$0x6] =	stream.indirect_vreg.gather @!p0 [hbm4b:s14+s6], $0x80, v7, vm1, $0xb8;
	[tilespmem:$0x18300] =	vst v63  }
0x288: {  	s5 =	simm.s32 @!p0 $0x15280  }
0x289: {  	[tilespmem:s5], [sflag:$0x6] =	stream.indirect_vreg.gather @!p0 [hbm4b:s15+s6], $0x80, v7, vm1, $0xb8;
	[tilespmem:$0x18300] =	vst v63  }
0x28a: {  	s5 =	simm.s32 @!p0 $0x15A80  }
0x28b: {  	[tilespmem:s5], [sflag:$0x6] =	stream.indirect_vreg.gather @!p0 [hbm4b:s16+s6], $0x80, v7, vm1, $0xb8;
	[tilespmem:$0x18300] =	vst v63  }
0x28c: {  	s5 =	simm.s32 @!p0 $0x16280  }
0x28d: {  	[tilespmem:s5], [sflag:$0x6] =	stream.indirect_vreg.gather @!p0 [hbm4b:s17+s6], $0x80, v7, vm1, $0xb8;
	[tilespmem:$0x18300] =	vst v63  }
0x28e: {  	s5 =	simm.s32 @!p0 $0x16A80  }
0x28f: {  	[tilespmem:s5], [sflag:$0x6] =	stream.indirect_vreg.gather @!p0 [hbm4b:s18+s6], $0x80, v7, vm1, $0xb8;
	[tilespmem:$0x18300] =	vst v63  }
0x290: {  	s5 =	simm.s32 @!p0 $0x17280  }
0x291: {  	[tilespmem:s5], [sflag:$0x6] =	stream.indirect_vreg.gather @!p0 [hbm4b:s19+s6], $0x80, v7, vm1, $0xb8;
	[tilespmem:$0x18300] =	vst v63  }
0x292: {  	s3 =	sadd.s32 $0x1, s3;
	s5 =	simm.s32 @!p0 $0x17A80  }
0x293: {  	[tilespmem:s5], [sflag:$0x6] =	stream.indirect_vreg.gather @!p0 [hbm4b:s20+s6], $0x80, v7, vm1, $0xb8;
	[tilespmem:$0x18300] =	vst v63  }
0x294: {  	p0 =	sne.s32 s3, s0  }
.Ltmp16:
0x295: {  	_ = 	snop;
	(pc) =	sbr.rel @p0 .LBB2_14-.Ltmp16, $4  }
.Ltmp17:
0x296: {  	_ = 	snop;
	(pc) =	sbr.rel @!p0 .LBB2_27-.Ltmp17, $4  }
0x297: {  	_ = 	snop  }
0x298: {  	_ = 	snop  }
0x299: {  	_ = 	snop  }
0x29a: {  	_ = 	snop  }
.LBB2_28:
0x29b: {  	_ =	sfence.sel $0x180000  }
0x29c: {  	[bflag:$0x0] =	sbarrier.arrive $0xFFFF  }
0x29d: {  	_ =	strace $0x90000047  }
0x29e: {  	s0 =	stileid.u32;
	[bflag:$0x2] =	sbarrier.arrive $0xFFFF  }
0x29f: {  	p0 =	sne.s32 s0, $0x0;
	s0 =	rddreg [dreg:$0x4]  }
0x2a0: {  	s0 =	sadd.s32 @!p0 $0x100000, s0  }
0x2a1: {  	[sflag:s0] =	ssyncadd.tile.s32 @!p0 $0x1;
	_ =	shalt  }
.Lfunc_end2:
_tile_overlayer_lowered:
.L_overlay_start_2:
0x2a2: {  	(tag) =	ssettag $0x2  }
0x2a3: {  	s0 =	rddreg [dreg:$0x0];
	s2 =	stileid.u32  }
0x2a4: {  	s1 =	rddreg [dreg:$0x1];
	p0 =	sne.s32 s2, $0x0  }
0x2a5: {  	s3 =	rddreg [dreg:$0x2];
	[bflag:$0x3] =	sbarrier.arrive $0xFFFF;
	s2 =	simm.s32 @!p0 $0x1C07  }
0x2a6: {  	[timem:s3], [sflag:s2] =	dma.local @!p0 [hbm:s0], s1  }
0x2a7: {  	s0 =	simm.s32 @!p0 $0x7  }
0x2a8: {  	_ =	swait.ge @!p0 [sflag:s0], s1  }
0x2a9: {  	s1 =	ssub.s32 @!p0 $0x0, s1;
	[sflag:s0] =	ssyncset.done @!p0 $0x0  }
0x2aa: {  	[sflag:s0] =	ssyncadd.s32 @!p0 s1  }
0x2ab: {  	[bflag:$0x3] =	sbarrier.arrive $0xFFFF  }
0x2ac: {  	_ =	shalt  }

</sc_bundles>
